<compile_context>
chip_gen: v7x
topology: tpu7x:2x2x1
jax: 0.10.2.dev20260603
libtpu: 0.0.44.dev20260713+nightly
codegen_flags: <defaults>
</compile_context>

<pallas_src>
import functools

import jax
import jax.numpy as jnp
from jax import lax
from jax.experimental import pallas as pl
from jax.experimental.pallas import tpu as pltpu
from jax.experimental.pallas import tpu_sc as plsc

N = 10000
IN_DIM = 128
HID_DIM = 128
EMB_DIM = 64
N_CLASSES = 16
E = 320000

NC = 2
NS = 16
NW = NC * NS
CH = 80
NCHD = E // NW // CH
NCHA = E // NS // CH
IR = 1000
NIT = N // IR
NB = 5
HH = HID_DIM // 2
EH = EMB_DIM // 2

_HIGHEST = jax.lax.Precision.HIGHEST

_sc_mesh = plsc.VectorSubcoreMesh(
    core_axis_name="c", subcore_axis_name="s", num_cores=NC, num_subcores=NS
)
_sc_params = pltpu.CompilerParams(use_tc_tiling_on_sc=False)


@functools.partial(
    pl.kernel,
    out_type=jax.ShapeDtypeStruct((NC, N, 1), jnp.float32),
    mesh=_sc_mesh,
    scratch_types=[
        pltpu.VMEM((NCHD, CH), jnp.int32),
        pltpu.VMEM((CH, 1), jnp.float32),
        pltpu.VMEM_SHARED((N, 1), jnp.float32),
        pltpu.SemaphoreType.DMA,
    ],
    compiler_params=_sc_params,
)
def _deg_kernel(dst_hbm, z_hbm, o_hbm, out_hbm, dst_v, ones_v, acc, sem):
    cid = lax.axis_index("c")
    sid = lax.axis_index("s")
    wid = cid * NS + sid
    rs = pl.ds(sid * IR, IR)

    @pl.when(jnp.logical_and(cid == 0, sid < NIT))
    def _():
        pltpu.sync_copy(z_hbm.at[rs], acc.at[rs])

    @pl.when(jnp.logical_and(cid == 1, sid < NIT))
    def _():
        pltpu.sync_copy(o_hbm.at[rs], acc.at[rs])

    pltpu.sync_copy(dst_hbm.at[wid], dst_v)
    pltpu.sync_copy(o_hbm.at[pl.ds(0, CH)], ones_v)
    plsc.subcore_barrier()

    def body(j, c):
        pltpu.async_copy(ones_v, acc.at[dst_v.at[j]], sem, add=True)
        return c

    lax.fori_loop(0, NCHD, body, 0)

    def drain(j, c):
        pltpu.make_async_copy(ones_v, acc.at[dst_v.at[0]], sem).wait()
        return c

    lax.fori_loop(0, NCHD, drain, 0)
    plsc.subcore_barrier()

    @pl.when(sid < NIT)
    def _():
        pltpu.sync_copy(acc.at[rs], out_hbm.at[cid, rs])


def _make_agg(Dh):
    @functools.partial(
        pl.kernel,
        out_type=jax.ShapeDtypeStruct((NC, N, Dh), jnp.float32),
        mesh=_sc_mesh,
        scratch_types=[
            pltpu.VMEM((NCHA, CH), jnp.int32),
            pltpu.VMEM((NCHA, CH), jnp.int32),
            pltpu.VMEM((NB, CH, Dh), jnp.float32),
            pltpu.VMEM_SHARED((N, Dh), jnp.float32),
        ] + [pltpu.SemaphoreType.DMA] * (2 * NB),
        compiler_params=_sc_params,
    )
    def agg(y_hbm, src_hbm, dst_hbm, out_hbm,
            src_v, dst_v, rows_v, acc, *sems):
        gsem = sems[:NB]
        ssem = sems[NB:]
        cid = lax.axis_index("c")
        sid = lax.axis_index("s")
        rs = pl.ds(sid * IR, IR)
        ytab = y_hbm.at[cid]

        def start_g(j, b):
            pltpu.async_copy(ytab.at[src_v.at[j]], rows_v.at[b], gsem[b])

        def wait_g(b):
            pltpu.make_async_copy(
                ytab.at[src_v.at[0]], rows_v.at[b], gsem[b]).wait()

        def start_s(j, b):
            pltpu.async_copy(rows_v.at[b], acc.at[dst_v.at[j]], ssem[b],
                             add=True)

        def wait_s(b):
            pltpu.make_async_copy(
                rows_v.at[b], acc.at[dst_v.at[0]], ssem[b]).wait()

        @pl.when(sid < NIT)
        def _():
            pltpu.sync_copy(ytab.at[rs], acc.at[rs])

        pltpu.sync_copy(src_hbm.at[sid], src_v)
        pltpu.sync_copy(dst_hbm.at[sid], dst_v)
        plsc.subcore_barrier()

        for b in range(NB - 1):
            start_g(b, b)

        def outer(t, c):
            for k in range(NB):
                j = t * NB + k
                wait_g(k)
                start_s(j, k)
                nb = (k + NB - 1) % NB

                @pl.when(j > 0)
                def _():
                    wait_s(nb)

                @pl.when(j + NB - 1 < NCHA)
                def _():
                    start_g(j + NB - 1, nb)
            return c

        lax.fori_loop(0, NCHA // NB, outer, 0)
        wait_s((NCHA - 1) % NB)
        plsc.subcore_barrier()

        @pl.when(sid < NIT)
        def _():
            pltpu.sync_copy(acc.at[rs], out_hbm.at[cid, rs])

    return agg


_agg1 = _make_agg(HH)
_agg2 = _make_agg(EH)


R = 2000
GRID = N // R


def _tc1_body(x_ref, w_ref, dp_ref, y_ref, dinv_ref):
    x = x_ref[...]
    dinv = lax.rsqrt(dp_ref[0] + dp_ref[1])
    dinv_ref[...] = dinv
    for h in range(NC):
        xw = lax.dot_general(
            x, w_ref[:, h * HH:(h + 1) * HH], (((1,), (0,)), ((), ())),
            preferred_element_type=jnp.float32, precision=_HIGHEST,
        )
        y_ref[h] = xw * dinv


_tc1 = pl.pallas_call(
    _tc1_body,
    grid=(GRID,),
    in_specs=[
        pl.BlockSpec((R, IN_DIM), lambda i: (i, 0)),
        pl.BlockSpec((IN_DIM, HID_DIM), lambda i: (0, 0)),
        pl.BlockSpec((NC, R, 1), lambda i: (0, i, 0)),
    ],
    out_specs=[
        pl.BlockSpec((NC, R, HH), lambda i: (0, i, 0)),
        pl.BlockSpec((R, 1), lambda i: (i, 0)),
    ],
    out_shape=[
        jax.ShapeDtypeStruct((NC, N, HH), jnp.float32),
        jax.ShapeDtypeStruct((N, 1), jnp.float32),
    ],
)


def _tc2_body(p_ref, dinv_ref, b1_ref, g1_ref, bt_ref, w2_ref, y2_ref):
    dinv = dinv_ref[...]
    pre = [p_ref[h] * dinv + b1_ref[:, h * HH:(h + 1) * HH] for h in range(2)]
    mu = (jnp.sum(pre[0], -1, keepdims=True)
          + jnp.sum(pre[1], -1, keepdims=True)) * (1.0 / HID_DIM)
    cen = [pre[h] - mu for h in range(2)]
    var = (jnp.sum(cen[0] * cen[0], -1, keepdims=True)
           + jnp.sum(cen[1] * cen[1], -1, keepdims=True)) * (1.0 / HID_DIM)
    rstd = lax.rsqrt(var + 1e-5)
    hs = [
        jnp.maximum(cen[h] * rstd * g1_ref[:, h * HH:(h + 1) * HH]
                    + bt_ref[:, h * HH:(h + 1) * HH], 0.0)
        for h in range(2)
    ]
    for e in range(NC):
        hw = None
        for h in range(2):
            d = lax.dot_general(
                hs[h], w2_ref[h * HH:(h + 1) * HH, e * EH:(e + 1) * EH],
                (((1,), (0,)), ((), ())),
                preferred_element_type=jnp.float32, precision=_HIGHEST,
            )
            hw = d if hw is None else hw + d
        y2_ref[e] = hw * dinv


_tc2 = pl.pallas_call(
    _tc2_body,
    grid=(GRID,),
    in_specs=[
        pl.BlockSpec((NC, R, HH), lambda i: (0, i, 0)),
        pl.BlockSpec((R, 1), lambda i: (i, 0)),
        pl.BlockSpec((1, HID_DIM), lambda i: (0, 0)),
        pl.BlockSpec((1, HID_DIM), lambda i: (0, 0)),
        pl.BlockSpec((1, HID_DIM), lambda i: (0, 0)),
        pl.BlockSpec((HID_DIM, EMB_DIM), lambda i: (0, 0)),
    ],
    out_specs=pl.BlockSpec((NC, R, EH), lambda i: (0, i, 0)),
    out_shape=jax.ShapeDtypeStruct((NC, N, EH), jnp.float32),
)


def _tc3_body(p_ref, dinv_ref, b2_ref, wc_ref, bc_ref, out_ref):
    dinv = dinv_ref[...]
    acc = None
    for h in range(2):
        emb = p_ref[h] * dinv + b2_ref[:, h * EH:(h + 1) * EH]
        d = lax.dot_general(
            emb, wc_ref[h * EH:(h + 1) * EH, :], (((1,), (0,)), ((), ())),
            preferred_element_type=jnp.float32, precision=_HIGHEST,
        )
        acc = d if acc is None else acc + d
    out_ref[...] = acc + bc_ref[...]


_tc3 = pl.pallas_call(
    _tc3_body,
    grid=(GRID,),
    in_specs=[
        pl.BlockSpec((NC, R, EH), lambda i: (0, i, 0)),
        pl.BlockSpec((R, 1), lambda i: (i, 0)),
        pl.BlockSpec((1, EMB_DIM), lambda i: (0, 0)),
        pl.BlockSpec((EMB_DIM, N_CLASSES), lambda i: (0, 0)),
        pl.BlockSpec((1, N_CLASSES), lambda i: (0, 0)),
    ],
    out_specs=pl.BlockSpec((R, N_CLASSES), lambda i: (i, 0)),
    out_shape=jax.ShapeDtypeStruct((N, N_CLASSES), jnp.float32),
)


def kernel(x, edge_index, W1, b1, g1, beta1, W2, b2, Wc, bc):
    src = edge_index[0].astype(jnp.int32)
    dst = edge_index[1].astype(jnp.int32)
    src_agg = src.reshape(NS, NCHA, CH)
    dst_agg = dst.reshape(NS, NCHA, CH)
    dst_deg = dst.reshape(NW, NCHD, CH)

    zeros1 = jnp.zeros((N, 1), jnp.float32)
    ones1 = jnp.ones((N, 1), jnp.float32)
    degp = _deg_kernel(dst_deg, zeros1, ones1)
    y1, dinv = _tc1(x, W1, degp)

    p1 = _agg1(y1, src_agg, dst_agg)
    y2 = _tc2(p1, dinv, b1.reshape(1, -1), g1.reshape(1, -1),
              beta1.reshape(1, -1), W2)

    p2 = _agg2(y2, src_agg, dst_agg)
    logits = _tc3(p2, dinv, b2.reshape(1, -1), Wc, bc.reshape(1, -1))
    return logits

# --- scband reference (transcript-rebuilt; emitter-appended) ---
"""Pipeline reference for scband-community-detection-model-30331059044677 (READ-ONLY COPY).

The authoritative reference and input builder live on the scoring server;
editing this copy changes nothing except your own understanding.
"""

import jax, jax.numpy as jnp
import numpy as np

N_NODES = 10000
IN_DIM = 128
HID_DIM = 128
EMB_DIM = 64
N_CLASSES = 16
N_EDGES = 320000


def setup_inputs(seed: int = 0) -> dict:
    key = jax.random.key(seed)
    ks = jax.random.split(key, 10)
    x = jax.random.normal(ks[0], (N_NODES, IN_DIM), dtype=jnp.float32)
    edge_index = jax.random.randint(ks[1], (2, N_EDGES), 0, N_NODES, dtype=jnp.int64)
    W1 = jax.random.normal(ks[2], (IN_DIM, HID_DIM), dtype=jnp.float32) * (1.0 / np.sqrt(IN_DIM))
    b1 = jnp.zeros((HID_DIM,), dtype=jnp.float32)
    g1 = jnp.ones((HID_DIM,), dtype=jnp.float32)
    beta1 = jnp.zeros((HID_DIM,), dtype=jnp.float32)
    W2 = jax.random.normal(ks[3], (HID_DIM, EMB_DIM), dtype=jnp.float32) * (1.0 / np.sqrt(HID_DIM))
    b2 = jnp.zeros((EMB_DIM,), dtype=jnp.float32)
    Wc = jax.random.normal(ks[4], (EMB_DIM, N_CLASSES), dtype=jnp.float32) * (1.0 / np.sqrt(EMB_DIM))
    bc = jnp.zeros((N_CLASSES,), dtype=jnp.float32)
    return {"x": x, "edge_index": edge_index, "W1": W1, "b1": b1, "g1": g1, "beta1": beta1, "W2": W2, "b2": b2, "Wc": Wc, "bc": bc}


def gcn_conv(x, src, dst, W, b):
    # x: [N, d_in]; symmetric-normalized GCN aggregation with self loops (PyG GCNConv semantics)
    xw = x @ W
    loop = jnp.arange(N_NODES, dtype=src.dtype)
    s = jnp.concatenate([src, loop])
    d = jnp.concatenate([dst, loop])
    deg = jax.ops.segment_sum(jnp.ones_like(d, dtype=xw.dtype), d, num_segments=N_NODES)
    dinv = jnp.where(deg > 0, deg ** -0.5, 0.0)
    norm = dinv[s] * dinv[d]
    msg = norm[:, None] * jnp.take(xw, s, axis=0)
    out = jax.ops.segment_sum(msg, d, num_segments=N_NODES)
    return out + b


def layer_norm(x, gamma, beta, eps=1e-5):
    mu = jnp.mean(x, axis=-1, keepdims=True)
    var = jnp.mean((x - mu) ** 2, axis=-1, keepdims=True)
    return (x - mu) / jnp.sqrt(var + eps) * gamma + beta


def reference(x, edge_index, W1, b1, g1, beta1, W2, b2, Wc, bc):
    # adaptive_input: x.shape[1] == adaptive_target_dim -> no projection
    src = edge_index[0]
    dst = edge_index[1]
    h = gcn_conv(x, src, dst, W1, b1)
    h = layer_norm(h, g1, beta1)
    h = jax.nn.relu(h)
    # dropout is identity in eval mode
    emb = gcn_conv(h, src, dst, W2, b2)
    logits = emb @ Wc + bc
    return logits

if __name__ == "__main__":
    import jax
    _d = setup_inputs()
    print(jax.jit(kernel)(*tuple(_d.values())))

</pallas_src>

<mosaic_0001>
#map = affine_map<(d0, d1) -> (0, 0, 0)>
module attributes {stable_mosaic.version = 14 : i64} {
  func.func @agg(%arg0: i32, %arg1: i32, %arg2: memref<2x10000x32xf32, #tpu.memory_space<hbm>>, %arg3: memref<16x250x80xi32, #tpu.memory_space<hbm>>, %arg4: memref<16x250x80xi32, #tpu.memory_space<hbm>>, %arg5: memref<2x10000x32xf32, #tpu.memory_space<hbm>>, %arg6: memref<250x80xi32, #tpu.memory_space<vmem>>, %arg7: memref<250x80xi32, #tpu.memory_space<vmem>>, %arg8: memref<5x80x32xf32, #tpu.memory_space<vmem>>, %arg9: memref<10000x32xf32, #tpu.memory_space<vmem_shared>>, %arg10: memref<!tpu.dma_semaphore, #tpu.memory_space<semaphore_mem>>, %arg11: memref<!tpu.dma_semaphore, #tpu.memory_space<semaphore_mem>>, %arg12: memref<!tpu.dma_semaphore, #tpu.memory_space<semaphore_mem>>, %arg13: memref<!tpu.dma_semaphore, #tpu.memory_space<semaphore_mem>>, %arg14: memref<!tpu.dma_semaphore, #tpu.memory_space<semaphore_mem>>, %arg15: memref<!tpu.dma_semaphore, #tpu.memory_space<semaphore_mem>>, %arg16: memref<!tpu.dma_semaphore, #tpu.memory_space<semaphore_mem>>, %arg17: memref<!tpu.dma_semaphore, #tpu.memory_space<semaphore_mem>>, %arg18: memref<!tpu.dma_semaphore, #tpu.memory_space<semaphore_mem>>, %arg19: memref<!tpu.dma_semaphore, #tpu.memory_space<semaphore_mem>>) attributes {dimension_semantics = [#tpu.dimension_semantics<core_parallel>, #tpu.dimension_semantics<subcore_parallel>], iteration_bounds = array<i64: 2, 16>, scalar_prefetch = 0 : i64, scratch_operands = 14 : i64, tpu.core_type = #tpu.core_type<sc_vector_subcore>, window_params = [{transform_indices = #map}, {transform_indices = #map}, {transform_indices = #map}, {transform_indices = #map}]} {
    %mul3A = arith.constant 1000 : i32
    %mul3A_0 = arith.muli %arg1, %mul3A : i32
    %lt3A = arith.constant 10 : i32
    %lt3A_1 = arith.cmpi slt, %arg1, %lt3A : i32
    %convert_element_type3A = arith.extui %lt3A_1 : i1 to i32
    %cond3A = arith.constant 0 : i32
    %cond3A_2 = arith.cmpi ne, %convert_element_type3A, %cond3A : i32
    scf.if %cond3A_2 {
      "tpu.region"() ({
        %run_scoped3A = tpu.sem_alloc : memref<!tpu.dma_semaphore, #tpu.memory_space<semaphore_mem>>
        %dma_start3A_88 = arith.constant 0 : i32
        %dma_start3A_89 = tpu.memref_slice %arg9[%mul3A_0, %dma_start3A_88] : memref<10000x32xf32, #tpu.memory_space<vmem_shared>> -> memref<1000x32xf32, #tpu.memory_space<vmem_shared>>
        %dma_start3A_90 = arith.constant 0 : i32
        %dma_start3A_91 = arith.constant 0 : i32
        %dma_start3A_92 = tpu.memref_slice %arg2[%arg0, %dma_start3A_90, %dma_start3A_91] : memref<2x10000x32xf32, #tpu.memory_space<hbm>> -> memref<1x10000x32xf32, #tpu.memory_space<hbm>>
        %dma_start3A_93 = tpu.memref_squeeze %dma_start3A_92 : memref<1x10000x32xf32, #tpu.memory_space<hbm>> -> memref<10000x32xf32, #tpu.memory_space<hbm>>
        %dma_start3A_94 = arith.constant 0 : i32
        %dma_start3A_95 = tpu.memref_slice %dma_start3A_93[%mul3A_0, %dma_start3A_94] : memref<10000x32xf32, #tpu.memory_space<hbm>> -> memref<1000x32xf32, #tpu.memory_space<hbm>>
        tpu.enqueue_dma source(%dma_start3A_95 : memref<1000x32xf32, #tpu.memory_space<hbm>>) target(%dma_start3A_89 : memref<1000x32xf32, #tpu.memory_space<vmem_shared>>) target_semaphore(%run_scoped3A : memref<!tpu.dma_semaphore, #tpu.memory_space<semaphore_mem>>)
        %dma_wait3A_96 = arith.constant 0 : i32
        %dma_wait3A_97 = tpu.memref_slice %arg9[%mul3A_0, %dma_wait3A_96] : memref<10000x32xf32, #tpu.memory_space<vmem_shared>> -> memref<1000x32xf32, #tpu.memory_space<vmem_shared>>
        %dma_wait3A_98 = arith.constant 0 : i32
        %dma_wait3A_99 = arith.constant 0 : i32
        %dma_wait3A_100 = tpu.memref_slice %arg2[%arg0, %dma_wait3A_98, %dma_wait3A_99] : memref<2x10000x32xf32, #tpu.memory_space<hbm>> -> memref<1x10000x32xf32, #tpu.memory_space<hbm>>
        %dma_wait3A_101 = tpu.memref_squeeze %dma_wait3A_100 : memref<1x10000x32xf32, #tpu.memory_space<hbm>> -> memref<10000x32xf32, #tpu.memory_space<hbm>>
        %dma_wait3A_102 = arith.constant 0 : i32
        %dma_wait3A_103 = tpu.memref_slice %dma_wait3A_101[%mul3A_0, %dma_wait3A_102] : memref<10000x32xf32, #tpu.memory_space<hbm>> -> memref<1000x32xf32, #tpu.memory_space<hbm>>
        tpu.wait_dma2 semaphore(%run_scoped3A : memref<!tpu.dma_semaphore, #tpu.memory_space<semaphore_mem>>) src(%dma_wait3A_103 : memref<1000x32xf32, #tpu.memory_space<hbm>>) dst(%dma_wait3A_97 : memref<1000x32xf32, #tpu.memory_space<vmem_shared>>)
        tpu.yield
      }) : () -> ()
    } else {
    }
    "tpu.region"() ({
      %run_scoped3A = tpu.sem_alloc : memref<!tpu.dma_semaphore, #tpu.memory_space<semaphore_mem>>
      %dma_start3A_88 = arith.constant 0 : i32
      %dma_start3A_89 = arith.constant 0 : i32
      %dma_start3A_90 = tpu.memref_slice %arg3[%arg1, %dma_start3A_88, %dma_start3A_89] : memref<16x250x80xi32, #tpu.memory_space<hbm>> -> memref<1x250x80xi32, #tpu.memory_space<hbm>>
      %dma_start3A_91 = tpu.memref_squeeze %dma_start3A_90 : memref<1x250x80xi32, #tpu.memory_space<hbm>> -> memref<250x80xi32, #tpu.memory_space<hbm>>
      %dma_start3A_92 = arith.constant 0 : i32
      %dma_start3A_93 = arith.constant 0 : i32
      %dma_start3A_94 = tpu.memref_slice %arg3[%arg1, %dma_start3A_92, %dma_start3A_93] : memref<16x250x80xi32, #tpu.memory_space<hbm>> -> memref<1x250x80xi32, #tpu.memory_space<hbm>>
      %dma_start3A_95 = tpu.memref_squeeze %dma_start3A_94 : memref<1x250x80xi32, #tpu.memory_space<hbm>> -> memref<250x80xi32, #tpu.memory_space<hbm>>
      tpu.enqueue_dma source(%dma_start3A_95 : memref<250x80xi32, #tpu.memory_space<hbm>>) target(%arg6 : memref<250x80xi32, #tpu.memory_space<vmem>>) target_semaphore(%run_scoped3A : memref<!tpu.dma_semaphore, #tpu.memory_space<semaphore_mem>>)
      %dma_wait3A_96 = arith.constant 0 : i32
      %dma_wait3A_97 = arith.constant 0 : i32
      %dma_wait3A_98 = tpu.memref_slice %arg3[%arg1, %dma_wait3A_96, %dma_wait3A_97] : memref<16x250x80xi32, #tpu.memory_space<hbm>> -> memref<1x250x80xi32, #tpu.memory_space<hbm>>
      %dma_wait3A_99 = tpu.memref_squeeze %dma_wait3A_98 : memref<1x250x80xi32, #tpu.memory_space<hbm>> -> memref<250x80xi32, #tpu.memory_space<hbm>>
      %dma_wait3A_100 = arith.constant 0 : i32
      %dma_wait3A_101 = arith.constant 0 : i32
      %dma_wait3A_102 = tpu.memref_slice %arg3[%arg1, %dma_wait3A_100, %dma_wait3A_101] : memref<16x250x80xi32, #tpu.memory_space<hbm>> -> memref<1x250x80xi32, #tpu.memory_space<hbm>>
      %dma_wait3A_103 = tpu.memref_squeeze %dma_wait3A_102 : memref<1x250x80xi32, #tpu.memory_space<hbm>> -> memref<250x80xi32, #tpu.memory_space<hbm>>
      tpu.wait_dma2 semaphore(%run_scoped3A : memref<!tpu.dma_semaphore, #tpu.memory_space<semaphore_mem>>) src(%dma_wait3A_103 : memref<250x80xi32, #tpu.memory_space<hbm>>) dst(%arg6 : memref<250x80xi32, #tpu.memory_space<vmem>>)
      tpu.yield
    }) : () -> ()
    "tpu.region"() ({
      %run_scoped3A = tpu.sem_alloc : memref<!tpu.dma_semaphore, #tpu.memory_space<semaphore_mem>>
      %dma_start3A_88 = arith.constant 0 : i32
      %dma_start3A_89 = arith.constant 0 : i32
      %dma_start3A_90 = tpu.memref_slice %arg4[%arg1, %dma_start3A_88, %dma_start3A_89] : memref<16x250x80xi32, #tpu.memory_space<hbm>> -> memref<1x250x80xi32, #tpu.memory_space<hbm>>
      %dma_start3A_91 = tpu.memref_squeeze %dma_start3A_90 : memref<1x250x80xi32, #tpu.memory_space<hbm>> -> memref<250x80xi32, #tpu.memory_space<hbm>>
      %dma_start3A_92 = arith.constant 0 : i32
      %dma_start3A_93 = arith.constant 0 : i32
      %dma_start3A_94 = tpu.memref_slice %arg4[%arg1, %dma_start3A_92, %dma_start3A_93] : memref<16x250x80xi32, #tpu.memory_space<hbm>> -> memref<1x250x80xi32, #tpu.memory_space<hbm>>
      %dma_start3A_95 = tpu.memref_squeeze %dma_start3A_94 : memref<1x250x80xi32, #tpu.memory_space<hbm>> -> memref<250x80xi32, #tpu.memory_space<hbm>>
      tpu.enqueue_dma source(%dma_start3A_95 : memref<250x80xi32, #tpu.memory_space<hbm>>) target(%arg7 : memref<250x80xi32, #tpu.memory_space<vmem>>) target_semaphore(%run_scoped3A : memref<!tpu.dma_semaphore, #tpu.memory_space<semaphore_mem>>)
      %dma_wait3A_96 = arith.constant 0 : i32
      %dma_wait3A_97 = arith.constant 0 : i32
      %dma_wait3A_98 = tpu.memref_slice %arg4[%arg1, %dma_wait3A_96, %dma_wait3A_97] : memref<16x250x80xi32, #tpu.memory_space<hbm>> -> memref<1x250x80xi32, #tpu.memory_space<hbm>>
      %dma_wait3A_99 = tpu.memref_squeeze %dma_wait3A_98 : memref<1x250x80xi32, #tpu.memory_space<hbm>> -> memref<250x80xi32, #tpu.memory_space<hbm>>
      %dma_wait3A_100 = arith.constant 0 : i32
      %dma_wait3A_101 = arith.constant 0 : i32
      %dma_wait3A_102 = tpu.memref_slice %arg4[%arg1, %dma_wait3A_100, %dma_wait3A_101] : memref<16x250x80xi32, #tpu.memory_space<hbm>> -> memref<1x250x80xi32, #tpu.memory_space<hbm>>
      %dma_wait3A_103 = tpu.memref_squeeze %dma_wait3A_102 : memref<1x250x80xi32, #tpu.memory_space<hbm>> -> memref<250x80xi32, #tpu.memory_space<hbm>>
      tpu.wait_dma2 semaphore(%run_scoped3A : memref<!tpu.dma_semaphore, #tpu.memory_space<semaphore_mem>>) src(%dma_wait3A_103 : memref<250x80xi32, #tpu.memory_space<hbm>>) dst(%arg7 : memref<250x80xi32, #tpu.memory_space<vmem>>)
      tpu.yield
    }) : () -> ()
    %barrier3A = arith.constant 0 : index
    tpu.barrier barrier_id(%barrier3A)
    %dma_start3A = arith.constant 0 : i32
    %dma_start3A_3 = arith.constant 0 : i32
    %dma_start3A_4 = arith.constant 0 : i32
    %dma_start3A_5 = arith.constant 0 : i32
    %dma_start3A_6 = tpu.memref_slice %arg8[%dma_start3A_3, %dma_start3A_4, %dma_start3A_5] : memref<5x80x32xf32, #tpu.memory_space<vmem>> -> memref<1x80x32xf32, #tpu.memory_space<vmem>>
    %dma_start3A_7 = tpu.memref_squeeze %dma_start3A_6 : memref<1x80x32xf32, #tpu.memory_space<vmem>> -> memref<80x32xf32, #tpu.memory_space<vmem>>
    %dma_start3A_8 = arith.constant 0 : i32
    %dma_start3A_9 = tpu.memref_slice %arg6[%dma_start3A, %dma_start3A_8] : memref<250x80xi32, #tpu.memory_space<vmem>> -> memref<1x80xi32, #tpu.memory_space<vmem>>
    %dma_start3A_10 = tpu.memref_squeeze %dma_start3A_9 : memref<1x80xi32, #tpu.memory_space<vmem>> -> memref<80xi32, #tpu.memory_space<vmem>>
    %dma_start3A_11 = arith.constant 0 : i32
    %dma_start3A_12 = arith.constant 0 : i32
    %dma_start3A_13 = tpu.memref_slice %arg2[%arg0, %dma_start3A_11, %dma_start3A_12] : memref<2x10000x32xf32, #tpu.memory_space<hbm>> -> memref<1x10000x32xf32, #tpu.memory_space<hbm>>
    %dma_start3A_14 = tpu.memref_squeeze %dma_start3A_13 : memref<1x10000x32xf32, #tpu.memory_space<hbm>> -> memref<10000x32xf32, #tpu.memory_space<hbm>>
    %dma_start3A_15 = arith.constant 0 : i32
    %dma_start3A_16 = arith.constant 0 : i32
    %dma_start3A_17 = tpu.memref_slice %dma_start3A_14[%dma_start3A_15, %dma_start3A_16] : memref<10000x32xf32, #tpu.memory_space<hbm>> -> memref<10000x32xf32, #tpu.memory_space<hbm>>
    tpu.enqueue_indirect_dma source(%dma_start3A_17 : memref<10000x32xf32, #tpu.memory_space<hbm>>) target(%dma_start3A_7 : memref<80x32xf32, #tpu.memory_space<vmem>>) offsets(%dma_start3A_10 : memref<80xi32, #tpu.memory_space<vmem>>) semaphore(%arg10 : memref<!tpu.dma_semaphore, #tpu.memory_space<semaphore_mem>>)
    %dma_start3A_18 = arith.constant 1 : i32
    %dma_start3A_19 = arith.constant 1 : i32
    %dma_start3A_20 = arith.constant 0 : i32
    %dma_start3A_21 = arith.constant 0 : i32
    %dma_start3A_22 = tpu.memref_slice %arg8[%dma_start3A_19, %dma_start3A_20, %dma_start3A_21] : memref<5x80x32xf32, #tpu.memory_space<vmem>> -> memref<1x80x32xf32, #tpu.memory_space<vmem>>
    %dma_start3A_23 = tpu.memref_squeeze %dma_start3A_22 : memref<1x80x32xf32, #tpu.memory_space<vmem>> -> memref<80x32xf32, #tpu.memory_space<vmem>>
    %dma_start3A_24 = arith.constant 0 : i32
    %dma_start3A_25 = tpu.memref_slice %arg6[%dma_start3A_18, %dma_start3A_24] : memref<250x80xi32, #tpu.memory_space<vmem>> -> memref<1x80xi32, #tpu.memory_space<vmem>>
    %dma_start3A_26 = tpu.memref_squeeze %dma_start3A_25 : memref<1x80xi32, #tpu.memory_space<vmem>> -> memref<80xi32, #tpu.memory_space<vmem>>
    %dma_start3A_27 = arith.constant 0 : i32
    %dma_start3A_28 = arith.constant 0 : i32
    %dma_start3A_29 = tpu.memref_slice %arg2[%arg0, %dma_start3A_27, %dma_start3A_28] : memref<2x10000x32xf32, #tpu.memory_space<hbm>> -> memref<1x10000x32xf32, #tpu.memory_space<hbm>>
    %dma_start3A_30 = tpu.memref_squeeze %dma_start3A_29 : memref<1x10000x32xf32, #tpu.memory_space<hbm>> -> memref<10000x32xf32, #tpu.memory_space<hbm>>
    %dma_start3A_31 = arith.constant 0 : i32
    %dma_start3A_32 = arith.constant 0 : i32
    %dma_start3A_33 = tpu.memref_slice %dma_start3A_30[%dma_start3A_31, %dma_start3A_32] : memref<10000x32xf32, #tpu.memory_space<hbm>> -> memref<10000x32xf32, #tpu.memory_space<hbm>>
    tpu.enqueue_indirect_dma source(%dma_start3A_33 : memref<10000x32xf32, #tpu.memory_space<hbm>>) target(%dma_start3A_23 : memref<80x32xf32, #tpu.memory_space<vmem>>) offsets(%dma_start3A_26 : memref<80xi32, #tpu.memory_space<vmem>>) semaphore(%arg11 : memref<!tpu.dma_semaphore, #tpu.memory_space<semaphore_mem>>)
    %dma_start3A_34 = arith.constant 2 : i32
    %dma_start3A_35 = arith.constant 2 : i32
    %dma_start3A_36 = arith.constant 0 : i32
    %dma_start3A_37 = arith.constant 0 : i32
    %dma_start3A_38 = tpu.memref_slice %arg8[%dma_start3A_35, %dma_start3A_36, %dma_start3A_37] : memref<5x80x32xf32, #tpu.memory_space<vmem>> -> memref<1x80x32xf32, #tpu.memory_space<vmem>>
    %dma_start3A_39 = tpu.memref_squeeze %dma_start3A_38 : memref<1x80x32xf32, #tpu.memory_space<vmem>> -> memref<80x32xf32, #tpu.memory_space<vmem>>
    %dma_start3A_40 = arith.constant 0 : i32
    %dma_start3A_41 = tpu.memref_slice %arg6[%dma_start3A_34, %dma_start3A_40] : memref<250x80xi32, #tpu.memory_space<vmem>> -> memref<1x80xi32, #tpu.memory_space<vmem>>
    %dma_start3A_42 = tpu.memref_squeeze %dma_start3A_41 : memref<1x80xi32, #tpu.memory_space<vmem>> -> memref<80xi32, #tpu.memory_space<vmem>>
    %dma_start3A_43 = arith.constant 0 : i32
    %dma_start3A_44 = arith.constant 0 : i32
    %dma_start3A_45 = tpu.memref_slice %arg2[%arg0, %dma_start3A_43, %dma_start3A_44] : memref<2x10000x32xf32, #tpu.memory_space<hbm>> -> memref<1x10000x32xf32, #tpu.memory_space<hbm>>
    %dma_start3A_46 = tpu.memref_squeeze %dma_start3A_45 : memref<1x10000x32xf32, #tpu.memory_space<hbm>> -> memref<10000x32xf32, #tpu.memory_space<hbm>>
    %dma_start3A_47 = arith.constant 0 : i32
    %dma_start3A_48 = arith.constant 0 : i32
    %dma_start3A_49 = tpu.memref_slice %dma_start3A_46[%dma_start3A_47, %dma_start3A_48] : memref<10000x32xf32, #tpu.memory_space<hbm>> -> memref<10000x32xf32, #tpu.memory_space<hbm>>
    tpu.enqueue_indirect_dma source(%dma_start3A_49 : memref<10000x32xf32, #tpu.memory_space<hbm>>) target(%dma_start3A_39 : memref<80x32xf32, #tpu.memory_space<vmem>>) offsets(%dma_start3A_42 : memref<80xi32, #tpu.memory_space<vmem>>) semaphore(%arg12 : memref<!tpu.dma_semaphore, #tpu.memory_space<semaphore_mem>>)
    %dma_start3A_50 = arith.constant 3 : i32
    %dma_start3A_51 = arith.constant 3 : i32
    %dma_start3A_52 = arith.constant 0 : i32
    %dma_start3A_53 = arith.constant 0 : i32
    %dma_start3A_54 = tpu.memref_slice %arg8[%dma_start3A_51, %dma_start3A_52, %dma_start3A_53] : memref<5x80x32xf32, #tpu.memory_space<vmem>> -> memref<1x80x32xf32, #tpu.memory_space<vmem>>
    %dma_start3A_55 = tpu.memref_squeeze %dma_start3A_54 : memref<1x80x32xf32, #tpu.memory_space<vmem>> -> memref<80x32xf32, #tpu.memory_space<vmem>>
    %dma_start3A_56 = arith.constant 0 : i32
    %dma_start3A_57 = tpu.memref_slice %arg6[%dma_start3A_50, %dma_start3A_56] : memref<250x80xi32, #tpu.memory_space<vmem>> -> memref<1x80xi32, #tpu.memory_space<vmem>>
    %dma_start3A_58 = tpu.memref_squeeze %dma_start3A_57 : memref<1x80xi32, #tpu.memory_space<vmem>> -> memref<80xi32, #tpu.memory_space<vmem>>
    %dma_start3A_59 = arith.constant 0 : i32
    %dma_start3A_60 = arith.constant 0 : i32
    %dma_start3A_61 = tpu.memref_slice %arg2[%arg0, %dma_start3A_59, %dma_start3A_60] : memref<2x10000x32xf32, #tpu.memory_space<hbm>> -> memref<1x10000x32xf32, #tpu.memory_space<hbm>>
    %dma_start3A_62 = tpu.memref_squeeze %dma_start3A_61 : memref<1x10000x32xf32, #tpu.memory_space<hbm>> -> memref<10000x32xf32, #tpu.memory_space<hbm>>
    %dma_start3A_63 = arith.constant 0 : i32
    %dma_start3A_64 = arith.constant 0 : i32
    %dma_start3A_65 = tpu.memref_slice %dma_start3A_62[%dma_start3A_63, %dma_start3A_64] : memref<10000x32xf32, #tpu.memory_space<hbm>> -> memref<10000x32xf32, #tpu.memory_space<hbm>>
    tpu.enqueue_indirect_dma source(%dma_start3A_65 : memref<10000x32xf32, #tpu.memory_space<hbm>>) target(%dma_start3A_55 : memref<80x32xf32, #tpu.memory_space<vmem>>) offsets(%dma_start3A_58 : memref<80xi32, #tpu.memory_space<vmem>>) semaphore(%arg13 : memref<!tpu.dma_semaphore, #tpu.memory_space<semaphore_mem>>)
    %scan3A = arith.constant 0 : i32
    %scan3A_66 = arith.constant 0 : i32
    %scan3A_67 = arith.constant 50 : i32
    %scan3A_68 = arith.addi %scan3A_66, %scan3A_67 : i32
    %scan3A_69 = arith.constant 1 : i32
    scf.for %scan3A_88 = %scan3A_66 to %scan3A_68 step %scan3A_69  : i32 {
      %mul3A_89 = arith.constant 5 : i32
      %mul3A_90 = arith.muli %scan3A_88, %mul3A_89 : i32
      %add3A = arith.constant 0 : i32
      %add3A_91 = arith.addi %mul3A_90, %add3A : i32
      %dma_wait3A_92 = arith.constant 0 : i32
      %dma_wait3A_93 = arith.constant 0 : i32
      %dma_wait3A_94 = arith.constant 0 : i32
      %dma_wait3A_95 = arith.constant 0 : i32
      %dma_wait3A_96 = tpu.memref_slice %arg8[%dma_wait3A_93, %dma_wait3A_94, %dma_wait3A_95] : memref<5x80x32xf32, #tpu.memory_space<vmem>> -> memref<1x80x32xf32, #tpu.memory_space<vmem>>
      %dma_wait3A_97 = tpu.memref_squeeze %dma_wait3A_96 : memref<1x80x32xf32, #tpu.memory_space<vmem>> -> memref<80x32xf32, #tpu.memory_space<vmem>>
      %dma_wait3A_98 = arith.constant 0 : i32
      %dma_wait3A_99 = tpu.memref_slice %arg6[%dma_wait3A_92, %dma_wait3A_98] : memref<250x80xi32, #tpu.memory_space<vmem>> -> memref<1x80xi32, #tpu.memory_space<vmem>>
      %dma_wait3A_100 = tpu.memref_squeeze %dma_wait3A_99 : memref<1x80xi32, #tpu.memory_space<vmem>> -> memref<80xi32, #tpu.memory_space<vmem>>
      %dma_wait3A_101 = arith.constant 0 : i32
      %dma_wait3A_102 = arith.constant 0 : i32
      %dma_wait3A_103 = tpu.memref_slice %arg2[%arg0, %dma_wait3A_101, %dma_wait3A_102] : memref<2x10000x32xf32, #tpu.memory_space<hbm>> -> memref<1x10000x32xf32, #tpu.memory_space<hbm>>
      %dma_wait3A_104 = tpu.memref_squeeze %dma_wait3A_103 : memref<1x10000x32xf32, #tpu.memory_space<hbm>> -> memref<10000x32xf32, #tpu.memory_space<hbm>>
      %dma_wait3A_105 = arith.constant 0 : i32
      %dma_wait3A_106 = arith.constant 0 : i32
      %dma_wait3A_107 = tpu.memref_slice %dma_wait3A_104[%dma_wait3A_105, %dma_wait3A_106] : memref<10000x32xf32, #tpu.memory_space<hbm>> -> memref<10000x32xf32, #tpu.memory_space<hbm>>
      tpu.wait_indirect_dma semaphore(%arg10 : memref<!tpu.dma_semaphore, #tpu.memory_space<semaphore_mem>>) src(%dma_wait3A_107 : memref<10000x32xf32, #tpu.memory_space<hbm>>) dst(%dma_wait3A_97 : memref<80x32xf32, #tpu.memory_space<vmem>>)
      %dma_start3A_108 = arith.constant 0 : i32
      %dma_start3A_109 = arith.constant 0 : i32
      %dma_start3A_110 = arith.constant 0 : i32
      %dma_start3A_111 = tpu.memref_slice %arg8[%dma_start3A_108, %dma_start3A_109, %dma_start3A_110] : memref<5x80x32xf32, #tpu.memory_space<vmem>> -> memref<1x80x32xf32, #tpu.memory_space<vmem>>
      %dma_start3A_112 = tpu.memref_squeeze %dma_start3A_111 : memref<1x80x32xf32, #tpu.memory_space<vmem>> -> memref<80x32xf32, #tpu.memory_space<vmem>>
      %dma_start3A_113 = arith.constant 0 : i32
      %dma_start3A_114 = tpu.memref_slice %arg7[%add3A_91, %dma_start3A_113] : memref<250x80xi32, #tpu.memory_space<vmem>> -> memref<1x80xi32, #tpu.memory_space<vmem>>
      %dma_start3A_115 = tpu.memref_squeeze %dma_start3A_114 : memref<1x80xi32, #tpu.memory_space<vmem>> -> memref<80xi32, #tpu.memory_space<vmem>>
      %dma_start3A_116 = arith.constant 0 : i32
      %dma_start3A_117 = arith.constant 0 : i32
      %dma_start3A_118 = tpu.memref_slice %arg9[%dma_start3A_116, %dma_start3A_117] : memref<10000x32xf32, #tpu.memory_space<vmem_shared>> -> memref<10000x32xf32, #tpu.memory_space<vmem_shared>>
      tpu.enqueue_indirect_dma source(%dma_start3A_112 : memref<80x32xf32, #tpu.memory_space<vmem>>) target(%dma_start3A_118 : memref<10000x32xf32, #tpu.memory_space<vmem_shared>>) offsets(%dma_start3A_115 : memref<80xi32, #tpu.memory_space<vmem>>) semaphore(%arg15 : memref<!tpu.dma_semaphore, #tpu.memory_space<semaphore_mem>>) {add = true}
      %gt3A = arith.constant 0 : i32
      %gt3A_119 = arith.cmpi sgt, %add3A_91, %gt3A : i32
      %convert_element_type3A_120 = arith.extui %gt3A_119 : i1 to i32
      %cond3A_121 = arith.constant 0 : i32
      %cond3A_122 = arith.cmpi ne, %convert_element_type3A_120, %cond3A_121 : i32
      scf.if %cond3A_122 {
        %dma_wait3A_311 = arith.constant 4 : i32
        %dma_wait3A_312 = arith.constant 0 : i32
        %dma_wait3A_313 = arith.constant 0 : i32
        %dma_wait3A_314 = arith.constant 0 : i32
        %dma_wait3A_315 = tpu.memref_slice %arg8[%dma_wait3A_311, %dma_wait3A_313, %dma_wait3A_314] : memref<5x80x32xf32, #tpu.memory_space<vmem>> -> memref<1x80x32xf32, #tpu.memory_space<vmem>>
        %dma_wait3A_316 = tpu.memref_squeeze %dma_wait3A_315 : memref<1x80x32xf32, #tpu.memory_space<vmem>> -> memref<80x32xf32, #tpu.memory_space<vmem>>
        %dma_wait3A_317 = arith.constant 0 : i32
        %dma_wait3A_318 = tpu.memref_slice %arg7[%dma_wait3A_312, %dma_wait3A_317] : memref<250x80xi32, #tpu.memory_space<vmem>> -> memref<1x80xi32, #tpu.memory_space<vmem>>
        %dma_wait3A_319 = tpu.memref_squeeze %dma_wait3A_318 : memref<1x80xi32, #tpu.memory_space<vmem>> -> memref<80xi32, #tpu.memory_space<vmem>>
        %dma_wait3A_320 = arith.constant 0 : i32
        %dma_wait3A_321 = arith.constant 0 : i32
        %dma_wait3A_322 = tpu.memref_slice %arg9[%dma_wait3A_320, %dma_wait3A_321] : memref<10000x32xf32, #tpu.memory_space<vmem_shared>> -> memref<10000x32xf32, #tpu.memory_space<vmem_shared>>
        tpu.wait_indirect_dma semaphore(%arg19 : memref<!tpu.dma_semaphore, #tpu.memory_space<semaphore_mem>>) src(%dma_wait3A_316 : memref<80x32xf32, #tpu.memory_space<vmem>>) dst(%dma_wait3A_322 : memref<10000x32xf32, #tpu.memory_space<vmem_shared>>)
      } else {
      }
      %add3A_123 = arith.constant 5 : i32
      %add3A_124 = arith.addi %add3A_91, %add3A_123 : i32
      %sub3A = arith.constant 1 : i32
      %sub3A_125 = arith.subi %add3A_124, %sub3A : i32
      %lt3A_126 = arith.constant 250 : i32
      %lt3A_127 = arith.cmpi slt, %sub3A_125, %lt3A_126 : i32
      %convert_element_type3A_128 = arith.extui %lt3A_127 : i1 to i32
      %cond3A_129 = arith.constant 0 : i32
      %cond3A_130 = arith.cmpi ne, %convert_element_type3A_128, %cond3A_129 : i32
      scf.if %cond3A_130 {
        %add3A_311 = arith.constant 5 : i32
        %add3A_312 = arith.addi %add3A_91, %add3A_311 : i32
        %sub3A_313 = arith.constant 1 : i32
        %sub3A_314 = arith.subi %add3A_312, %sub3A_313 : i32
        %dma_start3A_315 = arith.constant 4 : i32
        %dma_start3A_316 = arith.constant 0 : i32
        %dma_start3A_317 = arith.constant 0 : i32
        %dma_start3A_318 = tpu.memref_slice %arg8[%dma_start3A_315, %dma_start3A_316, %dma_start3A_317] : memref<5x80x32xf32, #tpu.memory_space<vmem>> -> memref<1x80x32xf32, #tpu.memory_space<vmem>>
        %dma_start3A_319 = tpu.memref_squeeze %dma_start3A_318 : memref<1x80x32xf32, #tpu.memory_space<vmem>> -> memref<80x32xf32, #tpu.memory_space<vmem>>
        %dma_start3A_320 = arith.constant 0 : i32
        %dma_start3A_321 = tpu.memref_slice %arg6[%sub3A_314, %dma_start3A_320] : memref<250x80xi32, #tpu.memory_space<vmem>> -> memref<1x80xi32, #tpu.memory_space<vmem>>
        %dma_start3A_322 = tpu.memref_squeeze %dma_start3A_321 : memref<1x80xi32, #tpu.memory_space<vmem>> -> memref<80xi32, #tpu.memory_space<vmem>>
        %dma_start3A_323 = arith.constant 0 : i32
        %dma_start3A_324 = arith.constant 0 : i32
        %dma_start3A_325 = tpu.memref_slice %arg2[%arg0, %dma_start3A_323, %dma_start3A_324] : memref<2x10000x32xf32, #tpu.memory_space<hbm>> -> memref<1x10000x32xf32, #tpu.memory_space<hbm>>
        %dma_start3A_326 = tpu.memref_squeeze %dma_start3A_325 : memref<1x10000x32xf32, #tpu.memory_space<hbm>> -> memref<10000x32xf32, #tpu.memory_space<hbm>>
        %dma_start3A_327 = arith.constant 0 : i32
        %dma_start3A_328 = arith.constant 0 : i32
        %dma_start3A_329 = tpu.memref_slice %dma_start3A_326[%dma_start3A_327, %dma_start3A_328] : memref<10000x32xf32, #tpu.memory_space<hbm>> -> memref<10000x32xf32, #tpu.memory_space<hbm>>
        tpu.enqueue_indirect_dma source(%dma_start3A_329 : memref<10000x32xf32, #tpu.memory_space<hbm>>) target(%dma_start3A_319 : memref<80x32xf32, #tpu.memory_space<vmem>>) offsets(%dma_start3A_322 : memref<80xi32, #tpu.memory_space<vmem>>) semaphore(%arg14 : memref<!tpu.dma_semaphore, #tpu.memory_space<semaphore_mem>>)
      } else {
      }
      %mul3A_131 = arith.constant 5 : i32
      %mul3A_132 = arith.muli %scan3A_88, %mul3A_131 : i32
      %add3A_133 = arith.constant 1 : i32
      %add3A_134 = arith.addi %mul3A_132, %add3A_133 : i32
      %dma_wait3A_135 = arith.constant 0 : i32
      %dma_wait3A_136 = arith.constant 1 : i32
      %dma_wait3A_137 = arith.constant 0 : i32
      %dma_wait3A_138 = arith.constant 0 : i32
      %dma_wait3A_139 = tpu.memref_slice %arg8[%dma_wait3A_136, %dma_wait3A_137, %dma_wait3A_138] : memref<5x80x32xf32, #tpu.memory_space<vmem>> -> memref<1x80x32xf32, #tpu.memory_space<vmem>>
      %dma_wait3A_140 = tpu.memref_squeeze %dma_wait3A_139 : memref<1x80x32xf32, #tpu.memory_space<vmem>> -> memref<80x32xf32, #tpu.memory_space<vmem>>
      %dma_wait3A_141 = arith.constant 0 : i32
      %dma_wait3A_142 = tpu.memref_slice %arg6[%dma_wait3A_135, %dma_wait3A_141] : memref<250x80xi32, #tpu.memory_space<vmem>> -> memref<1x80xi32, #tpu.memory_space<vmem>>
      %dma_wait3A_143 = tpu.memref_squeeze %dma_wait3A_142 : memref<1x80xi32, #tpu.memory_space<vmem>> -> memref<80xi32, #tpu.memory_space<vmem>>
      %dma_wait3A_144 = arith.constant 0 : i32
      %dma_wait3A_145 = arith.constant 0 : i32
      %dma_wait3A_146 = tpu.memref_slice %arg2[%arg0, %dma_wait3A_144, %dma_wait3A_145] : memref<2x10000x32xf32, #tpu.memory_space<hbm>> -> memref<1x10000x32xf32, #tpu.memory_space<hbm>>
      %dma_wait3A_147 = tpu.memref_squeeze %dma_wait3A_146 : memref<1x10000x32xf32, #tpu.memory_space<hbm>> -> memref<10000x32xf32, #tpu.memory_space<hbm>>
      %dma_wait3A_148 = arith.constant 0 : i32
      %dma_wait3A_149 = arith.constant 0 : i32
      %dma_wait3A_150 = tpu.memref_slice %dma_wait3A_147[%dma_wait3A_148, %dma_wait3A_149] : memref<10000x32xf32, #tpu.memory_space<hbm>> -> memref<10000x32xf32, #tpu.memory_space<hbm>>
      tpu.wait_indirect_dma semaphore(%arg11 : memref<!tpu.dma_semaphore, #tpu.memory_space<semaphore_mem>>) src(%dma_wait3A_150 : memref<10000x32xf32, #tpu.memory_space<hbm>>) dst(%dma_wait3A_140 : memref<80x32xf32, #tpu.memory_space<vmem>>)
      %dma_start3A_151 = arith.constant 1 : i32
      %dma_start3A_152 = arith.constant 0 : i32
      %dma_start3A_153 = arith.constant 0 : i32
      %dma_start3A_154 = tpu.memref_slice %arg8[%dma_start3A_151, %dma_start3A_152, %dma_start3A_153] : memref<5x80x32xf32, #tpu.memory_space<vmem>> -> memref<1x80x32xf32, #tpu.memory_space<vmem>>
      %dma_start3A_155 = tpu.memref_squeeze %dma_start3A_154 : memref<1x80x32xf32, #tpu.memory_space<vmem>> -> memref<80x32xf32, #tpu.memory_space<vmem>>
      %dma_start3A_156 = arith.constant 0 : i32
      %dma_start3A_157 = tpu.memref_slice %arg7[%add3A_134, %dma_start3A_156] : memref<250x80xi32, #tpu.memory_space<vmem>> -> memref<1x80xi32, #tpu.memory_space<vmem>>
      %dma_start3A_158 = tpu.memref_squeeze %dma_start3A_157 : memref<1x80xi32, #tpu.memory_space<vmem>> -> memref<80xi32, #tpu.memory_space<vmem>>
      %dma_start3A_159 = arith.constant 0 : i32
      %dma_start3A_160 = arith.constant 0 : i32
      %dma_start3A_161 = tpu.memref_slice %arg9[%dma_start3A_159, %dma_start3A_160] : memref<10000x32xf32, #tpu.memory_space<vmem_shared>> -> memref<10000x32xf32, #tpu.memory_space<vmem_shared>>
      tpu.enqueue_indirect_dma source(%dma_start3A_155 : memref<80x32xf32, #tpu.memory_space<vmem>>) target(%dma_start3A_161 : memref<10000x32xf32, #tpu.memory_space<vmem_shared>>) offsets(%dma_start3A_158 : memref<80xi32, #tpu.memory_space<vmem>>) semaphore(%arg16 : memref<!tpu.dma_semaphore, #tpu.memory_space<semaphore_mem>>) {add = true}
      %gt3A_162 = arith.constant 0 : i32
      %gt3A_163 = arith.cmpi sgt, %add3A_134, %gt3A_162 : i32
      %convert_element_type3A_164 = arith.extui %gt3A_163 : i1 to i32
      %cond3A_165 = arith.constant 0 : i32
      %cond3A_166 = arith.cmpi ne, %convert_element_type3A_164, %cond3A_165 : i32
      scf.if %cond3A_166 {
        %dma_wait3A_311 = arith.constant 0 : i32
        %dma_wait3A_312 = arith.constant 0 : i32
        %dma_wait3A_313 = arith.constant 0 : i32
        %dma_wait3A_314 = arith.constant 0 : i32
        %dma_wait3A_315 = tpu.memref_slice %arg8[%dma_wait3A_311, %dma_wait3A_313, %dma_wait3A_314] : memref<5x80x32xf32, #tpu.memory_space<vmem>> -> memref<1x80x32xf32, #tpu.memory_space<vmem>>
        %dma_wait3A_316 = tpu.memref_squeeze %dma_wait3A_315 : memref<1x80x32xf32, #tpu.memory_space<vmem>> -> memref<80x32xf32, #tpu.memory_space<vmem>>
        %dma_wait3A_317 = arith.constant 0 : i32
        %dma_wait3A_318 = tpu.memref_slice %arg7[%dma_wait3A_312, %dma_wait3A_317] : memref<250x80xi32, #tpu.memory_space<vmem>> -> memref<1x80xi32, #tpu.memory_space<vmem>>
        %dma_wait3A_319 = tpu.memref_squeeze %dma_wait3A_318 : memref<1x80xi32, #tpu.memory_space<vmem>> -> memref<80xi32, #tpu.memory_space<vmem>>
        %dma_wait3A_320 = arith.constant 0 : i32
        %dma_wait3A_321 = arith.constant 0 : i32
        %dma_wait3A_322 = tpu.memref_slice %arg9[%dma_wait3A_320, %dma_wait3A_321] : memref<10000x32xf32, #tpu.memory_space<vmem_shared>> -> memref<10000x32xf32, #tpu.memory_space<vmem_shared>>
        tpu.wait_indirect_dma semaphore(%arg15 : memref<!tpu.dma_semaphore, #tpu.memory_space<semaphore_mem>>) src(%dma_wait3A_316 : memref<80x32xf32, #tpu.memory_space<vmem>>) dst(%dma_wait3A_322 : memref<10000x32xf32, #tpu.memory_space<vmem_shared>>)
      } else {
      }
      %add3A_167 = arith.constant 5 : i32
      %add3A_168 = arith.addi %add3A_134, %add3A_167 : i32
      %sub3A_169 = arith.constant 1 : i32
      %sub3A_170 = arith.subi %add3A_168, %sub3A_169 : i32
      %lt3A_171 = arith.constant 250 : i32
      %lt3A_172 = arith.cmpi slt, %sub3A_170, %lt3A_171 : i32
      %convert_element_type3A_173 = arith.extui %lt3A_172 : i1 to i32
      %cond3A_174 = arith.constant 0 : i32
      %cond3A_175 = arith.cmpi ne, %convert_element_type3A_173, %cond3A_174 : i32
      scf.if %cond3A_175 {
        %add3A_311 = arith.constant 5 : i32
        %add3A_312 = arith.addi %add3A_134, %add3A_311 : i32
        %sub3A_313 = arith.constant 1 : i32
        %sub3A_314 = arith.subi %add3A_312, %sub3A_313 : i32
        %dma_start3A_315 = arith.constant 0 : i32
        %dma_start3A_316 = arith.constant 0 : i32
        %dma_start3A_317 = arith.constant 0 : i32
        %dma_start3A_318 = tpu.memref_slice %arg8[%dma_start3A_315, %dma_start3A_316, %dma_start3A_317] : memref<5x80x32xf32, #tpu.memory_space<vmem>> -> memref<1x80x32xf32, #tpu.memory_space<vmem>>
        %dma_start3A_319 = tpu.memref_squeeze %dma_start3A_318 : memref<1x80x32xf32, #tpu.memory_space<vmem>> -> memref<80x32xf32, #tpu.memory_space<vmem>>
        %dma_start3A_320 = arith.constant 0 : i32
        %dma_start3A_321 = tpu.memref_slice %arg6[%sub3A_314, %dma_start3A_320] : memref<250x80xi32, #tpu.memory_space<vmem>> -> memref<1x80xi32, #tpu.memory_space<vmem>>
        %dma_start3A_322 = tpu.memref_squeeze %dma_start3A_321 : memref<1x80xi32, #tpu.memory_space<vmem>> -> memref<80xi32, #tpu.memory_space<vmem>>
        %dma_start3A_323 = arith.constant 0 : i32
        %dma_start3A_324 = arith.constant 0 : i32
        %dma_start3A_325 = tpu.memref_slice %arg2[%arg0, %dma_start3A_323, %dma_start3A_324] : memref<2x10000x32xf32, #tpu.memory_space<hbm>> -> memref<1x10000x32xf32, #tpu.memory_space<hbm>>
        %dma_start3A_326 = tpu.memref_squeeze %dma_start3A_325 : memref<1x10000x32xf32, #tpu.memory_space<hbm>> -> memref<10000x32xf32, #tpu.memory_space<hbm>>
        %dma_start3A_327 = arith.constant 0 : i32
        %dma_start3A_328 = arith.constant 0 : i32
        %dma_start3A_329 = tpu.memref_slice %dma_start3A_326[%dma_start3A_327, %dma_start3A_328] : memref<10000x32xf32, #tpu.memory_space<hbm>> -> memref<10000x32xf32, #tpu.memory_space<hbm>>
        tpu.enqueue_indirect_dma source(%dma_start3A_329 : memref<10000x32xf32, #tpu.memory_space<hbm>>) target(%dma_start3A_319 : memref<80x32xf32, #tpu.memory_space<vmem>>) offsets(%dma_start3A_322 : memref<80xi32, #tpu.memory_space<vmem>>) semaphore(%arg10 : memref<!tpu.dma_semaphore, #tpu.memory_space<semaphore_mem>>)
      } else {
      }
      %mul3A_176 = arith.constant 5 : i32
      %mul3A_177 = arith.muli %scan3A_88, %mul3A_176 : i32
      %add3A_178 = arith.constant 2 : i32
      %add3A_179 = arith.addi %mul3A_177, %add3A_178 : i32
      %dma_wait3A_180 = arith.constant 0 : i32
      %dma_wait3A_181 = arith.constant 2 : i32
      %dma_wait3A_182 = arith.constant 0 : i32
      %dma_wait3A_183 = arith.constant 0 : i32
      %dma_wait3A_184 = tpu.memref_slice %arg8[%dma_wait3A_181, %dma_wait3A_182, %dma_wait3A_183] : memref<5x80x32xf32, #tpu.memory_space<vmem>> -> memref<1x80x32xf32, #tpu.memory_space<vmem>>
      %dma_wait3A_185 = tpu.memref_squeeze %dma_wait3A_184 : memref<1x80x32xf32, #tpu.memory_space<vmem>> -> memref<80x32xf32, #tpu.memory_space<vmem>>
      %dma_wait3A_186 = arith.constant 0 : i32
      %dma_wait3A_187 = tpu.memref_slice %arg6[%dma_wait3A_180, %dma_wait3A_186] : memref<250x80xi32, #tpu.memory_space<vmem>> -> memref<1x80xi32, #tpu.memory_space<vmem>>
      %dma_wait3A_188 = tpu.memref_squeeze %dma_wait3A_187 : memref<1x80xi32, #tpu.memory_space<vmem>> -> memref<80xi32, #tpu.memory_space<vmem>>
      %dma_wait3A_189 = arith.constant 0 : i32
      %dma_wait3A_190 = arith.constant 0 : i32
      %dma_wait3A_191 = tpu.memref_slice %arg2[%arg0, %dma_wait3A_189, %dma_wait3A_190] : memref<2x10000x32xf32, #tpu.memory_space<hbm>> -> memref<1x10000x32xf32, #tpu.memory_space<hbm>>
      %dma_wait3A_192 = tpu.memref_squeeze %dma_wait3A_191 : memref<1x10000x32xf32, #tpu.memory_space<hbm>> -> memref<10000x32xf32, #tpu.memory_space<hbm>>
      %dma_wait3A_193 = arith.constant 0 : i32
      %dma_wait3A_194 = arith.constant 0 : i32
      %dma_wait3A_195 = tpu.memref_slice %dma_wait3A_192[%dma_wait3A_193, %dma_wait3A_194] : memref<10000x32xf32, #tpu.memory_space<hbm>> -> memref<10000x32xf32, #tpu.memory_space<hbm>>
      tpu.wait_indirect_dma semaphore(%arg12 : memref<!tpu.dma_semaphore, #tpu.memory_space<semaphore_mem>>) src(%dma_wait3A_195 : memref<10000x32xf32, #tpu.memory_space<hbm>>) dst(%dma_wait3A_185 : memref<80x32xf32, #tpu.memory_space<vmem>>)
      %dma_start3A_196 = arith.constant 2 : i32
      %dma_start3A_197 = arith.constant 0 : i32
      %dma_start3A_198 = arith.constant 0 : i32
      %dma_start3A_199 = tpu.memref_slice %arg8[%dma_start3A_196, %dma_start3A_197, %dma_start3A_198] : memref<5x80x32xf32, #tpu.memory_space<vmem>> -> memref<1x80x32xf32, #tpu.memory_space<vmem>>
      %dma_start3A_200 = tpu.memref_squeeze %dma_start3A_199 : memref<1x80x32xf32, #tpu.memory_space<vmem>> -> memref<80x32xf32, #tpu.memory_space<vmem>>
      %dma_start3A_201 = arith.constant 0 : i32
      %dma_start3A_202 = tpu.memref_slice %arg7[%add3A_179, %dma_start3A_201] : memref<250x80xi32, #tpu.memory_space<vmem>> -> memref<1x80xi32, #tpu.memory_space<vmem>>
      %dma_start3A_203 = tpu.memref_squeeze %dma_start3A_202 : memref<1x80xi32, #tpu.memory_space<vmem>> -> memref<80xi32, #tpu.memory_space<vmem>>
      %dma_start3A_204 = arith.constant 0 : i32
      %dma_start3A_205 = arith.constant 0 : i32
      %dma_start3A_206 = tpu.memref_slice %arg9[%dma_start3A_204, %dma_start3A_205] : memref<10000x32xf32, #tpu.memory_space<vmem_shared>> -> memref<10000x32xf32, #tpu.memory_space<vmem_shared>>
      tpu.enqueue_indirect_dma source(%dma_start3A_200 : memref<80x32xf32, #tpu.memory_space<vmem>>) target(%dma_start3A_206 : memref<10000x32xf32, #tpu.memory_space<vmem_shared>>) offsets(%dma_start3A_203 : memref<80xi32, #tpu.memory_space<vmem>>) semaphore(%arg17 : memref<!tpu.dma_semaphore, #tpu.memory_space<semaphore_mem>>) {add = true}
      %gt3A_207 = arith.constant 0 : i32
      %gt3A_208 = arith.cmpi sgt, %add3A_179, %gt3A_207 : i32
      %convert_element_type3A_209 = arith.extui %gt3A_208 : i1 to i32
      %cond3A_210 = arith.constant 0 : i32
      %cond3A_211 = arith.cmpi ne, %convert_element_type3A_209, %cond3A_210 : i32
      scf.if %cond3A_211 {
        %dma_wait3A_311 = arith.constant 1 : i32
        %dma_wait3A_312 = arith.constant 0 : i32
        %dma_wait3A_313 = arith.constant 0 : i32
        %dma_wait3A_314 = arith.constant 0 : i32
        %dma_wait3A_315 = tpu.memref_slice %arg8[%dma_wait3A_311, %dma_wait3A_313, %dma_wait3A_314] : memref<5x80x32xf32, #tpu.memory_space<vmem>> -> memref<1x80x32xf32, #tpu.memory_space<vmem>>
        %dma_wait3A_316 = tpu.memref_squeeze %dma_wait3A_315 : memref<1x80x32xf32, #tpu.memory_space<vmem>> -> memref<80x32xf32, #tpu.memory_space<vmem>>
        %dma_wait3A_317 = arith.constant 0 : i32
        %dma_wait3A_318 = tpu.memref_slice %arg7[%dma_wait3A_312, %dma_wait3A_317] : memref<250x80xi32, #tpu.memory_space<vmem>> -> memref<1x80xi32, #tpu.memory_space<vmem>>
        %dma_wait3A_319 = tpu.memref_squeeze %dma_wait3A_318 : memref<1x80xi32, #tpu.memory_space<vmem>> -> memref<80xi32, #tpu.memory_space<vmem>>
        %dma_wait3A_320 = arith.constant 0 : i32
        %dma_wait3A_321 = arith.constant 0 : i32
        %dma_wait3A_322 = tpu.memref_slice %arg9[%dma_wait3A_320, %dma_wait3A_321] : memref<10000x32xf32, #tpu.memory_space<vmem_shared>> -> memref<10000x32xf32, #tpu.memory_space<vmem_shared>>
        tpu.wait_indirect_dma semaphore(%arg16 : memref<!tpu.dma_semaphore, #tpu.memory_space<semaphore_mem>>) src(%dma_wait3A_316 : memref<80x32xf32, #tpu.memory_space<vmem>>) dst(%dma_wait3A_322 : memref<10000x32xf32, #tpu.memory_space<vmem_shared>>)
      } else {
      }
      %add3A_212 = arith.constant 5 : i32
      %add3A_213 = arith.addi %add3A_179, %add3A_212 : i32
      %sub3A_214 = arith.constant 1 : i32
      %sub3A_215 = arith.subi %add3A_213, %sub3A_214 : i32
      %lt3A_216 = arith.constant 250 : i32
      %lt3A_217 = arith.cmpi slt, %sub3A_215, %lt3A_216 : i32
      %convert_element_type3A_218 = arith.extui %lt3A_217 : i1 to i32
      %cond3A_219 = arith.constant 0 : i32
      %cond3A_220 = arith.cmpi ne, %convert_element_type3A_218, %cond3A_219 : i32
      scf.if %cond3A_220 {
        %add3A_311 = arith.constant 5 : i32
        %add3A_312 = arith.addi %add3A_179, %add3A_311 : i32
        %sub3A_313 = arith.constant 1 : i32
        %sub3A_314 = arith.subi %add3A_312, %sub3A_313 : i32
        %dma_start3A_315 = arith.constant 1 : i32
        %dma_start3A_316 = arith.constant 0 : i32
        %dma_start3A_317 = arith.constant 0 : i32
        %dma_start3A_318 = tpu.memref_slice %arg8[%dma_start3A_315, %dma_start3A_316, %dma_start3A_317] : memref<5x80x32xf32, #tpu.memory_space<vmem>> -> memref<1x80x32xf32, #tpu.memory_space<vmem>>
        %dma_start3A_319 = tpu.memref_squeeze %dma_start3A_318 : memref<1x80x32xf32, #tpu.memory_space<vmem>> -> memref<80x32xf32, #tpu.memory_space<vmem>>
        %dma_start3A_320 = arith.constant 0 : i32
        %dma_start3A_321 = tpu.memref_slice %arg6[%sub3A_314, %dma_start3A_320] : memref<250x80xi32, #tpu.memory_space<vmem>> -> memref<1x80xi32, #tpu.memory_space<vmem>>
        %dma_start3A_322 = tpu.memref_squeeze %dma_start3A_321 : memref<1x80xi32, #tpu.memory_space<vmem>> -> memref<80xi32, #tpu.memory_space<vmem>>
        %dma_start3A_323 = arith.constant 0 : i32
        %dma_start3A_324 = arith.constant 0 : i32
        %dma_start3A_325 = tpu.memref_slice %arg2[%arg0, %dma_start3A_323, %dma_start3A_324] : memref<2x10000x32xf32, #tpu.memory_space<hbm>> -> memref<1x10000x32xf32, #tpu.memory_space<hbm>>
        %dma_start3A_326 = tpu.memref_squeeze %dma_start3A_325 : memref<1x10000x32xf32, #tpu.memory_space<hbm>> -> memref<10000x32xf32, #tpu.memory_space<hbm>>
        %dma_start3A_327 = arith.constant 0 : i32
        %dma_start3A_328 = arith.constant 0 : i32
        %dma_start3A_329 = tpu.memref_slice %dma_start3A_326[%dma_start3A_327, %dma_start3A_328] : memref<10000x32xf32, #tpu.memory_space<hbm>> -> memref<10000x32xf32, #tpu.memory_space<hbm>>
        tpu.enqueue_indirect_dma source(%dma_start3A_329 : memref<10000x32xf32, #tpu.memory_space<hbm>>) target(%dma_start3A_319 : memref<80x32xf32, #tpu.memory_space<vmem>>) offsets(%dma_start3A_322 : memref<80xi32, #tpu.memory_space<vmem>>) semaphore(%arg11 : memref<!tpu.dma_semaphore, #tpu.memory_space<semaphore_mem>>)
      } else {
      }
      %mul3A_221 = arith.constant 5 : i32
      %mul3A_222 = arith.muli %scan3A_88, %mul3A_221 : i32
      %add3A_223 = arith.constant 3 : i32
      %add3A_224 = arith.addi %mul3A_222, %add3A_223 : i32
      %dma_wait3A_225 = arith.constant 0 : i32
      %dma_wait3A_226 = arith.constant 3 : i32
      %dma_wait3A_227 = arith.constant 0 : i32
      %dma_wait3A_228 = arith.constant 0 : i32
      %dma_wait3A_229 = tpu.memref_slice %arg8[%dma_wait3A_226, %dma_wait3A_227, %dma_wait3A_228] : memref<5x80x32xf32, #tpu.memory_space<vmem>> -> memref<1x80x32xf32, #tpu.memory_space<vmem>>
      %dma_wait3A_230 = tpu.memref_squeeze %dma_wait3A_229 : memref<1x80x32xf32, #tpu.memory_space<vmem>> -> memref<80x32xf32, #tpu.memory_space<vmem>>
      %dma_wait3A_231 = arith.constant 0 : i32
      %dma_wait3A_232 = tpu.memref_slice %arg6[%dma_wait3A_225, %dma_wait3A_231] : memref<250x80xi32, #tpu.memory_space<vmem>> -> memref<1x80xi32, #tpu.memory_space<vmem>>
      %dma_wait3A_233 = tpu.memref_squeeze %dma_wait3A_232 : memref<1x80xi32, #tpu.memory_space<vmem>> -> memref<80xi32, #tpu.memory_space<vmem>>
      %dma_wait3A_234 = arith.constant 0 : i32
      %dma_wait3A_235 = arith.constant 0 : i32
      %dma_wait3A_236 = tpu.memref_slice %arg2[%arg0, %dma_wait3A_234, %dma_wait3A_235] : memref<2x10000x32xf32, #tpu.memory_space<hbm>> -> memref<1x10000x32xf32, #tpu.memory_space<hbm>>
      %dma_wait3A_237 = tpu.memref_squeeze %dma_wait3A_236 : memref<1x10000x32xf32, #tpu.memory_space<hbm>> -> memref<10000x32xf32, #tpu.memory_space<hbm>>
      %dma_wait3A_238 = arith.constant 0 : i32
      %dma_wait3A_239 = arith.constant 0 : i32
      %dma_wait3A_240 = tpu.memref_slice %dma_wait3A_237[%dma_wait3A_238, %dma_wait3A_239] : memref<10000x32xf32, #tpu.memory_space<hbm>> -> memref<10000x32xf32, #tpu.memory_space<hbm>>
      tpu.wait_indirect_dma semaphore(%arg13 : memref<!tpu.dma_semaphore, #tpu.memory_space<semaphore_mem>>) src(%dma_wait3A_240 : memref<10000x32xf32, #tpu.memory_space<hbm>>) dst(%dma_wait3A_230 : memref<80x32xf32, #tpu.memory_space<vmem>>)
      %dma_start3A_241 = arith.constant 3 : i32
      %dma_start3A_242 = arith.constant 0 : i32
      %dma_start3A_243 = arith.constant 0 : i32
      %dma_start3A_244 = tpu.memref_slice %arg8[%dma_start3A_241, %dma_start3A_242, %dma_start3A_243] : memref<5x80x32xf32, #tpu.memory_space<vmem>> -> memref<1x80x32xf32, #tpu.memory_space<vmem>>
      %dma_start3A_245 = tpu.memref_squeeze %dma_start3A_244 : memref<1x80x32xf32, #tpu.memory_space<vmem>> -> memref<80x32xf32, #tpu.memory_space<vmem>>
      %dma_start3A_246 = arith.constant 0 : i32
      %dma_start3A_247 = tpu.memref_slice %arg7[%add3A_224, %dma_start3A_246] : memref<250x80xi32, #tpu.memory_space<vmem>> -> memref<1x80xi32, #tpu.memory_space<vmem>>
      %dma_start3A_248 = tpu.memref_squeeze %dma_start3A_247 : memref<1x80xi32, #tpu.memory_space<vmem>> -> memref<80xi32, #tpu.memory_space<vmem>>
      %dma_start3A_249 = arith.constant 0 : i32
      %dma_start3A_250 = arith.constant 0 : i32
      %dma_start3A_251 = tpu.memref_slice %arg9[%dma_start3A_249, %dma_start3A_250] : memref<10000x32xf32, #tpu.memory_space<vmem_shared>> -> memref<10000x32xf32, #tpu.memory_space<vmem_shared>>
      tpu.enqueue_indirect_dma source(%dma_start3A_245 : memref<80x32xf32, #tpu.memory_space<vmem>>) target(%dma_start3A_251 : memref<10000x32xf32, #tpu.memory_space<vmem_shared>>) offsets(%dma_start3A_248 : memref<80xi32, #tpu.memory_space<vmem>>) semaphore(%arg18 : memref<!tpu.dma_semaphore, #tpu.memory_space<semaphore_mem>>) {add = true}
      %gt3A_252 = arith.constant 0 : i32
      %gt3A_253 = arith.cmpi sgt, %add3A_224, %gt3A_252 : i32
      %convert_element_type3A_254 = arith.extui %gt3A_253 : i1 to i32
      %cond3A_255 = arith.constant 0 : i32
      %cond3A_256 = arith.cmpi ne, %convert_element_type3A_254, %cond3A_255 : i32
      scf.if %cond3A_256 {
        %dma_wait3A_311 = arith.constant 2 : i32
        %dma_wait3A_312 = arith.constant 0 : i32
        %dma_wait3A_313 = arith.constant 0 : i32
        %dma_wait3A_314 = arith.constant 0 : i32
        %dma_wait3A_315 = tpu.memref_slice %arg8[%dma_wait3A_311, %dma_wait3A_313, %dma_wait3A_314] : memref<5x80x32xf32, #tpu.memory_space<vmem>> -> memref<1x80x32xf32, #tpu.memory_space<vmem>>
        %dma_wait3A_316 = tpu.memref_squeeze %dma_wait3A_315 : memref<1x80x32xf32, #tpu.memory_space<vmem>> -> memref<80x32xf32, #tpu.memory_space<vmem>>
        %dma_wait3A_317 = arith.constant 0 : i32
        %dma_wait3A_318 = tpu.memref_slice %arg7[%dma_wait3A_312, %dma_wait3A_317] : memref<250x80xi32, #tpu.memory_space<vmem>> -> memref<1x80xi32, #tpu.memory_space<vmem>>
        %dma_wait3A_319 = tpu.memref_squeeze %dma_wait3A_318 : memref<1x80xi32, #tpu.memory_space<vmem>> -> memref<80xi32, #tpu.memory_space<vmem>>
        %dma_wait3A_320 = arith.constant 0 : i32
        %dma_wait3A_321 = arith.constant 0 : i32
        %dma_wait3A_322 = tpu.memref_slice %arg9[%dma_wait3A_320, %dma_wait3A_321] : memref<10000x32xf32, #tpu.memory_space<vmem_shared>> -> memref<10000x32xf32, #tpu.memory_space<vmem_shared>>
        tpu.wait_indirect_dma semaphore(%arg17 : memref<!tpu.dma_semaphore, #tpu.memory_space<semaphore_mem>>) src(%dma_wait3A_316 : memref<80x32xf32, #tpu.memory_space<vmem>>) dst(%dma_wait3A_322 : memref<10000x32xf32, #tpu.memory_space<vmem_shared>>)
      } else {
      }
      %add3A_257 = arith.constant 5 : i32
      %add3A_258 = arith.addi %add3A_224, %add3A_257 : i32
      %sub3A_259 = arith.constant 1 : i32
      %sub3A_260 = arith.subi %add3A_258, %sub3A_259 : i32
      %lt3A_261 = arith.constant 250 : i32
      %lt3A_262 = arith.cmpi slt, %sub3A_260, %lt3A_261 : i32
      %convert_element_type3A_263 = arith.extui %lt3A_262 : i1 to i32
      %cond3A_264 = arith.constant 0 : i32
      %cond3A_265 = arith.cmpi ne, %convert_element_type3A_263, %cond3A_264 : i32
      scf.if %cond3A_265 {
        %add3A_311 = arith.constant 5 : i32
        %add3A_312 = arith.addi %add3A_224, %add3A_311 : i32
        %sub3A_313 = arith.constant 1 : i32
        %sub3A_314 = arith.subi %add3A_312, %sub3A_313 : i32
        %dma_start3A_315 = arith.constant 2 : i32
        %dma_start3A_316 = arith.constant 0 : i32
        %dma_start3A_317 = arith.constant 0 : i32
        %dma_start3A_318 = tpu.memref_slice %arg8[%dma_start3A_315, %dma_start3A_316, %dma_start3A_317] : memref<5x80x32xf32, #tpu.memory_space<vmem>> -> memref<1x80x32xf32, #tpu.memory_space<vmem>>
        %dma_start3A_319 = tpu.memref_squeeze %dma_start3A_318 : memref<1x80x32xf32, #tpu.memory_space<vmem>> -> memref<80x32xf32, #tpu.memory_space<vmem>>
        %dma_start3A_320 = arith.constant 0 : i32
        %dma_start3A_321 = tpu.memref_slice %arg6[%sub3A_314, %dma_start3A_320] : memref<250x80xi32, #tpu.memory_space<vmem>> -> memref<1x80xi32, #tpu.memory_space<vmem>>
        %dma_start3A_322 = tpu.memref_squeeze %dma_start3A_321 : memref<1x80xi32, #tpu.memory_space<vmem>> -> memref<80xi32, #tpu.memory_space<vmem>>
        %dma_start3A_323 = arith.constant 0 : i32
        %dma_start3A_324 = arith.constant 0 : i32
        %dma_start3A_325 = tpu.memref_slice %arg2[%arg0, %dma_start3A_323, %dma_start3A_324] : memref<2x10000x32xf32, #tpu.memory_space<hbm>> -> memref<1x10000x32xf32, #tpu.memory_space<hbm>>
        %dma_start3A_326 = tpu.memref_squeeze %dma_start3A_325 : memref<1x10000x32xf32, #tpu.memory_space<hbm>> -> memref<10000x32xf32, #tpu.memory_space<hbm>>
        %dma_start3A_327 = arith.constant 0 : i32
        %dma_start3A_328 = arith.constant 0 : i32
        %dma_start3A_329 = tpu.memref_slice %dma_start3A_326[%dma_start3A_327, %dma_start3A_328] : memref<10000x32xf32, #tpu.memory_space<hbm>> -> memref<10000x32xf32, #tpu.memory_space<hbm>>
        tpu.enqueue_indirect_dma source(%dma_start3A_329 : memref<10000x32xf32, #tpu.memory_space<hbm>>) target(%dma_start3A_319 : memref<80x32xf32, #tpu.memory_space<vmem>>) offsets(%dma_start3A_322 : memref<80xi32, #tpu.memory_space<vmem>>) semaphore(%arg12 : memref<!tpu.dma_semaphore, #tpu.memory_space<semaphore_mem>>)
      } else {
      }
      %mul3A_266 = arith.constant 5 : i32
      %mul3A_267 = arith.muli %scan3A_88, %mul3A_266 : i32
      %add3A_268 = arith.constant 4 : i32
      %add3A_269 = arith.addi %mul3A_267, %add3A_268 : i32
      %dma_wait3A_270 = arith.constant 0 : i32
      %dma_wait3A_271 = arith.constant 4 : i32
      %dma_wait3A_272 = arith.constant 0 : i32
      %dma_wait3A_273 = arith.constant 0 : i32
      %dma_wait3A_274 = tpu.memref_slice %arg8[%dma_wait3A_271, %dma_wait3A_272, %dma_wait3A_273] : memref<5x80x32xf32, #tpu.memory_space<vmem>> -> memref<1x80x32xf32, #tpu.memory_space<vmem>>
      %dma_wait3A_275 = tpu.memref_squeeze %dma_wait3A_274 : memref<1x80x32xf32, #tpu.memory_space<vmem>> -> memref<80x32xf32, #tpu.memory_space<vmem>>
      %dma_wait3A_276 = arith.constant 0 : i32
      %dma_wait3A_277 = tpu.memref_slice %arg6[%dma_wait3A_270, %dma_wait3A_276] : memref<250x80xi32, #tpu.memory_space<vmem>> -> memref<1x80xi32, #tpu.memory_space<vmem>>
      %dma_wait3A_278 = tpu.memref_squeeze %dma_wait3A_277 : memref<1x80xi32, #tpu.memory_space<vmem>> -> memref<80xi32, #tpu.memory_space<vmem>>
      %dma_wait3A_279 = arith.constant 0 : i32
      %dma_wait3A_280 = arith.constant 0 : i32
      %dma_wait3A_281 = tpu.memref_slice %arg2[%arg0, %dma_wait3A_279, %dma_wait3A_280] : memref<2x10000x32xf32, #tpu.memory_space<hbm>> -> memref<1x10000x32xf32, #tpu.memory_space<hbm>>
      %dma_wait3A_282 = tpu.memref_squeeze %dma_wait3A_281 : memref<1x10000x32xf32, #tpu.memory_space<hbm>> -> memref<10000x32xf32, #tpu.memory_space<hbm>>
      %dma_wait3A_283 = arith.constant 0 : i32
      %dma_wait3A_284 = arith.constant 0 : i32
      %dma_wait3A_285 = tpu.memref_slice %dma_wait3A_282[%dma_wait3A_283, %dma_wait3A_284] : memref<10000x32xf32, #tpu.memory_space<hbm>> -> memref<10000x32xf32, #tpu.memory_space<hbm>>
      tpu.wait_indirect_dma semaphore(%arg14 : memref<!tpu.dma_semaphore, #tpu.memory_space<semaphore_mem>>) src(%dma_wait3A_285 : memref<10000x32xf32, #tpu.memory_space<hbm>>) dst(%dma_wait3A_275 : memref<80x32xf32, #tpu.memory_space<vmem>>)
      %dma_start3A_286 = arith.constant 4 : i32
      %dma_start3A_287 = arith.constant 0 : i32
      %dma_start3A_288 = arith.constant 0 : i32
      %dma_start3A_289 = tpu.memref_slice %arg8[%dma_start3A_286, %dma_start3A_287, %dma_start3A_288] : memref<5x80x32xf32, #tpu.memory_space<vmem>> -> memref<1x80x32xf32, #tpu.memory_space<vmem>>
      %dma_start3A_290 = tpu.memref_squeeze %dma_start3A_289 : memref<1x80x32xf32, #tpu.memory_space<vmem>> -> memref<80x32xf32, #tpu.memory_space<vmem>>
      %dma_start3A_291 = arith.constant 0 : i32
      %dma_start3A_292 = tpu.memref_slice %arg7[%add3A_269, %dma_start3A_291] : memref<250x80xi32, #tpu.memory_space<vmem>> -> memref<1x80xi32, #tpu.memory_space<vmem>>
      %dma_start3A_293 = tpu.memref_squeeze %dma_start3A_292 : memref<1x80xi32, #tpu.memory_space<vmem>> -> memref<80xi32, #tpu.memory_space<vmem>>
      %dma_start3A_294 = arith.constant 0 : i32
      %dma_start3A_295 = arith.constant 0 : i32
      %dma_start3A_296 = tpu.memref_slice %arg9[%dma_start3A_294, %dma_start3A_295] : memref<10000x32xf32, #tpu.memory_space<vmem_shared>> -> memref<10000x32xf32, #tpu.memory_space<vmem_shared>>
      tpu.enqueue_indirect_dma source(%dma_start3A_290 : memref<80x32xf32, #tpu.memory_space<vmem>>) target(%dma_start3A_296 : memref<10000x32xf32, #tpu.memory_space<vmem_shared>>) offsets(%dma_start3A_293 : memref<80xi32, #tpu.memory_space<vmem>>) semaphore(%arg19 : memref<!tpu.dma_semaphore, #tpu.memory_space<semaphore_mem>>) {add = true}
      %gt3A_297 = arith.constant 0 : i32
      %gt3A_298 = arith.cmpi sgt, %add3A_269, %gt3A_297 : i32
      %convert_element_type3A_299 = arith.extui %gt3A_298 : i1 to i32
      %cond3A_300 = arith.constant 0 : i32
      %cond3A_301 = arith.cmpi ne, %convert_element_type3A_299, %cond3A_300 : i32
      scf.if %cond3A_301 {
        %dma_wait3A_311 = arith.constant 3 : i32
        %dma_wait3A_312 = arith.constant 0 : i32
        %dma_wait3A_313 = arith.constant 0 : i32
        %dma_wait3A_314 = arith.constant 0 : i32
        %dma_wait3A_315 = tpu.memref_slice %arg8[%dma_wait3A_311, %dma_wait3A_313, %dma_wait3A_314] : memref<5x80x32xf32, #tpu.memory_space<vmem>> -> memref<1x80x32xf32, #tpu.memory_space<vmem>>
        %dma_wait3A_316 = tpu.memref_squeeze %dma_wait3A_315 : memref<1x80x32xf32, #tpu.memory_space<vmem>> -> memref<80x32xf32, #tpu.memory_space<vmem>>
        %dma_wait3A_317 = arith.constant 0 : i32
        %dma_wait3A_318 = tpu.memref_slice %arg7[%dma_wait3A_312, %dma_wait3A_317] : memref<250x80xi32, #tpu.memory_space<vmem>> -> memref<1x80xi32, #tpu.memory_space<vmem>>
        %dma_wait3A_319 = tpu.memref_squeeze %dma_wait3A_318 : memref<1x80xi32, #tpu.memory_space<vmem>> -> memref<80xi32, #tpu.memory_space<vmem>>
        %dma_wait3A_320 = arith.constant 0 : i32
        %dma_wait3A_321 = arith.constant 0 : i32
        %dma_wait3A_322 = tpu.memref_slice %arg9[%dma_wait3A_320, %dma_wait3A_321] : memref<10000x32xf32, #tpu.memory_space<vmem_shared>> -> memref<10000x32xf32, #tpu.memory_space<vmem_shared>>
        tpu.wait_indirect_dma semaphore(%arg18 : memref<!tpu.dma_semaphore, #tpu.memory_space<semaphore_mem>>) src(%dma_wait3A_316 : memref<80x32xf32, #tpu.memory_space<vmem>>) dst(%dma_wait3A_322 : memref<10000x32xf32, #tpu.memory_space<vmem_shared>>)
      } else {
      }
      %add3A_302 = arith.constant 5 : i32
      %add3A_303 = arith.addi %add3A_269, %add3A_302 : i32
      %sub3A_304 = arith.constant 1 : i32
      %sub3A_305 = arith.subi %add3A_303, %sub3A_304 : i32
      %lt3A_306 = arith.constant 250 : i32
      %lt3A_307 = arith.cmpi slt, %sub3A_305, %lt3A_306 : i32
      %convert_element_type3A_308 = arith.extui %lt3A_307 : i1 to i32
      %cond3A_309 = arith.constant 0 : i32
      %cond3A_310 = arith.cmpi ne, %convert_element_type3A_308, %cond3A_309 : i32
      scf.if %cond3A_310 {
        %add3A_311 = arith.constant 5 : i32
        %add3A_312 = arith.addi %add3A_269, %add3A_311 : i32
        %sub3A_313 = arith.constant 1 : i32
        %sub3A_314 = arith.subi %add3A_312, %sub3A_313 : i32
        %dma_start3A_315 = arith.constant 3 : i32
        %dma_start3A_316 = arith.constant 0 : i32
        %dma_start3A_317 = arith.constant 0 : i32
        %dma_start3A_318 = tpu.memref_slice %arg8[%dma_start3A_315, %dma_start3A_316, %dma_start3A_317] : memref<5x80x32xf32, #tpu.memory_space<vmem>> -> memref<1x80x32xf32, #tpu.memory_space<vmem>>
        %dma_start3A_319 = tpu.memref_squeeze %dma_start3A_318 : memref<1x80x32xf32, #tpu.memory_space<vmem>> -> memref<80x32xf32, #tpu.memory_space<vmem>>
        %dma_start3A_320 = arith.constant 0 : i32
        %dma_start3A_321 = tpu.memref_slice %arg6[%sub3A_314, %dma_start3A_320] : memref<250x80xi32, #tpu.memory_space<vmem>> -> memref<1x80xi32, #tpu.memory_space<vmem>>
        %dma_start3A_322 = tpu.memref_squeeze %dma_start3A_321 : memref<1x80xi32, #tpu.memory_space<vmem>> -> memref<80xi32, #tpu.memory_space<vmem>>
        %dma_start3A_323 = arith.constant 0 : i32
        %dma_start3A_324 = arith.constant 0 : i32
        %dma_start3A_325 = tpu.memref_slice %arg2[%arg0, %dma_start3A_323, %dma_start3A_324] : memref<2x10000x32xf32, #tpu.memory_space<hbm>> -> memref<1x10000x32xf32, #tpu.memory_space<hbm>>
        %dma_start3A_326 = tpu.memref_squeeze %dma_start3A_325 : memref<1x10000x32xf32, #tpu.memory_space<hbm>> -> memref<10000x32xf32, #tpu.memory_space<hbm>>
        %dma_start3A_327 = arith.constant 0 : i32
        %dma_start3A_328 = arith.constant 0 : i32
        %dma_start3A_329 = tpu.memref_slice %dma_start3A_326[%dma_start3A_327, %dma_start3A_328] : memref<10000x32xf32, #tpu.memory_space<hbm>> -> memref<10000x32xf32, #tpu.memory_space<hbm>>
        tpu.enqueue_indirect_dma source(%dma_start3A_329 : memref<10000x32xf32, #tpu.memory_space<hbm>>) target(%dma_start3A_319 : memref<80x32xf32, #tpu.memory_space<vmem>>) offsets(%dma_start3A_322 : memref<80xi32, #tpu.memory_space<vmem>>) semaphore(%arg13 : memref<!tpu.dma_semaphore, #tpu.memory_space<semaphore_mem>>)
      } else {
      }
    }
    %scan3A_70 = arith.constant 50 : i32
    %dma_wait3A = arith.constant 4 : i32
    %dma_wait3A_71 = arith.constant 0 : i32
    %dma_wait3A_72 = arith.constant 0 : i32
    %dma_wait3A_73 = arith.constant 0 : i32
    %dma_wait3A_74 = tpu.memref_slice %arg8[%dma_wait3A, %dma_wait3A_72, %dma_wait3A_73] : memref<5x80x32xf32, #tpu.memory_space<vmem>> -> memref<1x80x32xf32, #tpu.memory_space<vmem>>
    %dma_wait3A_75 = tpu.memref_squeeze %dma_wait3A_74 : memref<1x80x32xf32, #tpu.memory_space<vmem>> -> memref<80x32xf32, #tpu.memory_space<vmem>>
    %dma_wait3A_76 = arith.constant 0 : i32
    %dma_wait3A_77 = tpu.memref_slice %arg7[%dma_wait3A_71, %dma_wait3A_76] : memref<250x80xi32, #tpu.memory_space<vmem>> -> memref<1x80xi32, #tpu.memory_space<vmem>>
    %dma_wait3A_78 = tpu.memref_squeeze %dma_wait3A_77 : memref<1x80xi32, #tpu.memory_space<vmem>> -> memref<80xi32, #tpu.memory_space<vmem>>
    %dma_wait3A_79 = arith.constant 0 : i32
    %dma_wait3A_80 = arith.constant 0 : i32
    %dma_wait3A_81 = tpu.memref_slice %arg9[%dma_wait3A_79, %dma_wait3A_80] : memref<10000x32xf32, #tpu.memory_space<vmem_shared>> -> memref<10000x32xf32, #tpu.memory_space<vmem_shared>>
    tpu.wait_indirect_dma semaphore(%arg19 : memref<!tpu.dma_semaphore, #tpu.memory_space<semaphore_mem>>) src(%dma_wait3A_75 : memref<80x32xf32, #tpu.memory_space<vmem>>) dst(%dma_wait3A_81 : memref<10000x32xf32, #tpu.memory_space<vmem_shared>>)
    %barrier3A_82 = arith.constant 0 : index
    tpu.barrier barrier_id(%barrier3A_82)
    %lt3A_83 = arith.constant 10 : i32
    %lt3A_84 = arith.cmpi slt, %arg1, %lt3A_83 : i32
    %convert_element_type3A_85 = arith.extui %lt3A_84 : i1 to i32
    %cond3A_86 = arith.constant 0 : i32
    %cond3A_87 = arith.cmpi ne, %convert_element_type3A_85, %cond3A_86 : i32
    scf.if %cond3A_87 {
      "tpu.region"() ({
        %run_scoped3A = tpu.sem_alloc : memref<!tpu.dma_semaphore, #tpu.memory_space<semaphore_mem>>
        %dma_start3A_88 = arith.constant 0 : i32
        %dma_start3A_89 = tpu.memref_slice %arg5[%arg0, %mul3A_0, %dma_start3A_88] : memref<2x10000x32xf32, #tpu.memory_space<hbm>> -> memref<1x1000x32xf32, #tpu.memory_space<hbm>>
        %dma_start3A_90 = tpu.memref_squeeze %dma_start3A_89 : memref<1x1000x32xf32, #tpu.memory_space<hbm>> -> memref<1000x32xf32, #tpu.memory_space<hbm>>
        %dma_start3A_91 = arith.constant 0 : i32
        %dma_start3A_92 = tpu.memref_slice %arg9[%mul3A_0, %dma_start3A_91] : memref<10000x32xf32, #tpu.memory_space<vmem_shared>> -> memref<1000x32xf32, #tpu.memory_space<vmem_shared>>
        tpu.enqueue_dma source(%dma_start3A_92 : memref<1000x32xf32, #tpu.memory_space<vmem_shared>>) target(%dma_start3A_90 : memref<1000x32xf32, #tpu.memory_space<hbm>>) target_semaphore(%run_scoped3A : memref<!tpu.dma_semaphore, #tpu.memory_space<semaphore_mem>>)
        %dma_wait3A_93 = arith.constant 0 : i32
        %dma_wait3A_94 = tpu.memref_slice %arg5[%arg0, %mul3A_0, %dma_wait3A_93] : memref<2x10000x32xf32, #tpu.memory_space<hbm>> -> memref<1x1000x32xf32, #tpu.memory_space<hbm>>
        %dma_wait3A_95 = tpu.memref_squeeze %dma_wait3A_94 : memref<1x1000x32xf32, #tpu.memory_space<hbm>> -> memref<1000x32xf32, #tpu.memory_space<hbm>>
        %dma_wait3A_96 = arith.constant 0 : i32
        %dma_wait3A_97 = tpu.memref_slice %arg9[%mul3A_0, %dma_wait3A_96] : memref<10000x32xf32, #tpu.memory_space<vmem_shared>> -> memref<1000x32xf32, #tpu.memory_space<vmem_shared>>
        tpu.wait_dma2 semaphore(%run_scoped3A : memref<!tpu.dma_semaphore, #tpu.memory_space<semaphore_mem>>) src(%dma_wait3A_97 : memref<1000x32xf32, #tpu.memory_space<vmem_shared>>) dst(%dma_wait3A_95 : memref<1000x32xf32, #tpu.memory_space<hbm>>)
        tpu.yield
      }) : () -> ()
    } else {
    }
    return
  }
}

#map = affine_map<(d0, d1) -> (0, 0, 0)>
#map1 = affine_map<(d0, d1) -> (0, 0)>
module attributes {stable_mosaic.version = 14 : i64} {
  func.func @_deg_kernel(%arg0: i32, %arg1: i32, %arg2: memref<32x125x80xi32, #tpu.memory_space<hbm>>, %arg3: memref<10000x1xf32, #tpu.memory_space<hbm>>, %arg4: memref<10000x1xf32, #tpu.memory_space<hbm>>, %arg5: memref<2x10000x1xf32, #tpu.memory_space<hbm>>, %arg6: memref<125x80xi32, #tpu.memory_space<vmem>>, %arg7: memref<80x1xf32, #tpu.memory_space<vmem>>, %arg8: memref<10000x1xf32, #tpu.memory_space<vmem_shared>>, %arg9: memref<!tpu.dma_semaphore, #tpu.memory_space<semaphore_mem>>) attributes {dimension_semantics = [#tpu.dimension_semantics<core_parallel>, #tpu.dimension_semantics<subcore_parallel>], iteration_bounds = array<i64: 2, 16>, scalar_prefetch = 0 : i64, scratch_operands = 4 : i64, tpu.core_type = #tpu.core_type<sc_vector_subcore>, window_params = [{transform_indices = #map}, {transform_indices = #map1}, {transform_indices = #map1}, {transform_indices = #map}]} {
    %mul3A = arith.constant 16 : i32
    %mul3A_0 = arith.muli %arg0, %mul3A : i32
    %add3A = arith.addi %mul3A_0, %arg1 : i32
    %mul3A_1 = arith.constant 1000 : i32
    %mul3A_2 = arith.muli %arg1, %mul3A_1 : i32
    %eq3A = arith.constant 0 : i32
    %eq3A_3 = arith.cmpi eq, %arg0, %eq3A : i32
    %lt3A = arith.constant 10 : i32
    %lt3A_4 = arith.cmpi slt, %arg1, %lt3A : i32
    %and3A = arith.andi %eq3A_3, %lt3A_4 : i1
    %convert_element_type3A = arith.extui %and3A : i1 to i32
    %cond3A = arith.constant 0 : i32
    %cond3A_5 = arith.cmpi ne, %convert_element_type3A, %cond3A : i32
    scf.if %cond3A_5 {
      "tpu.region"() ({
        %run_scoped3A = tpu.sem_alloc : memref<!tpu.dma_semaphore, #tpu.memory_space<semaphore_mem>>
        %dma_start3A = arith.constant 0 : i32
        %dma_start3A_31 = tpu.memref_slice %arg8[%mul3A_2, %dma_start3A] : memref<10000x1xf32, #tpu.memory_space<vmem_shared>> -> memref<1000x1xf32, #tpu.memory_space<vmem_shared>>
        %dma_start3A_32 = arith.constant 0 : i32
        %dma_start3A_33 = tpu.memref_slice %arg3[%mul3A_2, %dma_start3A_32] : memref<10000x1xf32, #tpu.memory_space<hbm>> -> memref<1000x1xf32, #tpu.memory_space<hbm>>
        tpu.enqueue_dma source(%dma_start3A_33 : memref<1000x1xf32, #tpu.memory_space<hbm>>) target(%dma_start3A_31 : memref<1000x1xf32, #tpu.memory_space<vmem_shared>>) target_semaphore(%run_scoped3A : memref<!tpu.dma_semaphore, #tpu.memory_space<semaphore_mem>>)
        %dma_wait3A = arith.constant 0 : i32
        %dma_wait3A_34 = tpu.memref_slice %arg8[%mul3A_2, %dma_wait3A] : memref<10000x1xf32, #tpu.memory_space<vmem_shared>> -> memref<1000x1xf32, #tpu.memory_space<vmem_shared>>
        %dma_wait3A_35 = arith.constant 0 : i32
        %dma_wait3A_36 = tpu.memref_slice %arg3[%mul3A_2, %dma_wait3A_35] : memref<10000x1xf32, #tpu.memory_space<hbm>> -> memref<1000x1xf32, #tpu.memory_space<hbm>>
        tpu.wait_dma2 semaphore(%run_scoped3A : memref<!tpu.dma_semaphore, #tpu.memory_space<semaphore_mem>>) src(%dma_wait3A_36 : memref<1000x1xf32, #tpu.memory_space<hbm>>) dst(%dma_wait3A_34 : memref<1000x1xf32, #tpu.memory_space<vmem_shared>>)
        tpu.yield
      }) : () -> ()
    } else {
    }
    %eq3A_6 = arith.constant 1 : i32
    %eq3A_7 = arith.cmpi eq, %arg0, %eq3A_6 : i32
    %lt3A_8 = arith.constant 10 : i32
    %lt3A_9 = arith.cmpi slt, %arg1, %lt3A_8 : i32
    %and3A_10 = arith.andi %eq3A_7, %lt3A_9 : i1
    %convert_element_type3A_11 = arith.extui %and3A_10 : i1 to i32
    %cond3A_12 = arith.constant 0 : i32
    %cond3A_13 = arith.cmpi ne, %convert_element_type3A_11, %cond3A_12 : i32
    scf.if %cond3A_13 {
      "tpu.region"() ({
        %run_scoped3A = tpu.sem_alloc : memref<!tpu.dma_semaphore, #tpu.memory_space<semaphore_mem>>
        %dma_start3A = arith.constant 0 : i32
        %dma_start3A_31 = tpu.memref_slice %arg8[%mul3A_2, %dma_start3A] : memref<10000x1xf32, #tpu.memory_space<vmem_shared>> -> memref<1000x1xf32, #tpu.memory_space<vmem_shared>>
        %dma_start3A_32 = arith.constant 0 : i32
        %dma_start3A_33 = tpu.memref_slice %arg4[%mul3A_2, %dma_start3A_32] : memref<10000x1xf32, #tpu.memory_space<hbm>> -> memref<1000x1xf32, #tpu.memory_space<hbm>>
        tpu.enqueue_dma source(%dma_start3A_33 : memref<1000x1xf32, #tpu.memory_space<hbm>>) target(%dma_start3A_31 : memref<1000x1xf32, #tpu.memory_space<vmem_shared>>) target_semaphore(%run_scoped3A : memref<!tpu.dma_semaphore, #tpu.memory_space<semaphore_mem>>)
        %dma_wait3A = arith.constant 0 : i32
        %dma_wait3A_34 = tpu.memref_slice %arg8[%mul3A_2, %dma_wait3A] : memref<10000x1xf32, #tpu.memory_space<vmem_shared>> -> memref<1000x1xf32, #tpu.memory_space<vmem_shared>>
        %dma_wait3A_35 = arith.constant 0 : i32
        %dma_wait3A_36 = tpu.memref_slice %arg4[%mul3A_2, %dma_wait3A_35] : memref<10000x1xf32, #tpu.memory_space<hbm>> -> memref<1000x1xf32, #tpu.memory_space<hbm>>
        tpu.wait_dma2 semaphore(%run_scoped3A : memref<!tpu.dma_semaphore, #tpu.memory_space<semaphore_mem>>) src(%dma_wait3A_36 : memref<1000x1xf32, #tpu.memory_space<hbm>>) dst(%dma_wait3A_34 : memref<1000x1xf32, #tpu.memory_space<vmem_shared>>)
        tpu.yield
      }) : () -> ()
    } else {
    }
    "tpu.region"() ({
      %run_scoped3A = tpu.sem_alloc : memref<!tpu.dma_semaphore, #tpu.memory_space<semaphore_mem>>
      %dma_start3A = arith.constant 0 : i32
      %dma_start3A_31 = arith.constant 0 : i32
      %dma_start3A_32 = tpu.memref_slice %arg2[%add3A, %dma_start3A, %dma_start3A_31] : memref<32x125x80xi32, #tpu.memory_space<hbm>> -> memref<1x125x80xi32, #tpu.memory_space<hbm>>
      %dma_start3A_33 = tpu.memref_squeeze %dma_start3A_32 : memref<1x125x80xi32, #tpu.memory_space<hbm>> -> memref<125x80xi32, #tpu.memory_space<hbm>>
      %dma_start3A_34 = arith.constant 0 : i32
      %dma_start3A_35 = arith.constant 0 : i32
      %dma_start3A_36 = tpu.memref_slice %arg2[%add3A, %dma_start3A_34, %dma_start3A_35] : memref<32x125x80xi32, #tpu.memory_space<hbm>> -> memref<1x125x80xi32, #tpu.memory_space<hbm>>
      %dma_start3A_37 = tpu.memref_squeeze %dma_start3A_36 : memref<1x125x80xi32, #tpu.memory_space<hbm>> -> memref<125x80xi32, #tpu.memory_space<hbm>>
      tpu.enqueue_dma source(%dma_start3A_37 : memref<125x80xi32, #tpu.memory_space<hbm>>) target(%arg6 : memref<125x80xi32, #tpu.memory_space<vmem>>) target_semaphore(%run_scoped3A : memref<!tpu.dma_semaphore, #tpu.memory_space<semaphore_mem>>)
      %dma_wait3A = arith.constant 0 : i32
      %dma_wait3A_38 = arith.constant 0 : i32
      %dma_wait3A_39 = tpu.memref_slice %arg2[%add3A, %dma_wait3A, %dma_wait3A_38] : memref<32x125x80xi32, #tpu.memory_space<hbm>> -> memref<1x125x80xi32, #tpu.memory_space<hbm>>
      %dma_wait3A_40 = tpu.memref_squeeze %dma_wait3A_39 : memref<1x125x80xi32, #tpu.memory_space<hbm>> -> memref<125x80xi32, #tpu.memory_space<hbm>>
      %dma_wait3A_41 = arith.constant 0 : i32
      %dma_wait3A_42 = arith.constant 0 : i32
      %dma_wait3A_43 = tpu.memref_slice %arg2[%add3A, %dma_wait3A_41, %dma_wait3A_42] : memref<32x125x80xi32, #tpu.memory_space<hbm>> -> memref<1x125x80xi32, #tpu.memory_space<hbm>>
      %dma_wait3A_44 = tpu.memref_squeeze %dma_wait3A_43 : memref<1x125x80xi32, #tpu.memory_space<hbm>> -> memref<125x80xi32, #tpu.memory_space<hbm>>
      tpu.wait_dma2 semaphore(%run_scoped3A : memref<!tpu.dma_semaphore, #tpu.memory_space<semaphore_mem>>) src(%dma_wait3A_44 : memref<125x80xi32, #tpu.memory_space<hbm>>) dst(%arg6 : memref<125x80xi32, #tpu.memory_space<vmem>>)
      tpu.yield
    }) : () -> ()
    "tpu.region"() ({
      %run_scoped3A = tpu.sem_alloc : memref<!tpu.dma_semaphore, #tpu.memory_space<semaphore_mem>>
      %dma_start3A = arith.constant 0 : i32
      %dma_start3A_31 = arith.constant 0 : i32
      %dma_start3A_32 = tpu.memref_slice %arg4[%dma_start3A, %dma_start3A_31] : memref<10000x1xf32, #tpu.memory_space<hbm>> -> memref<80x1xf32, #tpu.memory_space<hbm>>
      %dma_start3A_33 = arith.constant 0 : i32
      %dma_start3A_34 = arith.constant 0 : i32
      %dma_start3A_35 = tpu.memref_slice %arg4[%dma_start3A_33, %dma_start3A_34] : memref<10000x1xf32, #tpu.memory_space<hbm>> -> memref<80x1xf32, #tpu.memory_space<hbm>>
      tpu.enqueue_dma source(%dma_start3A_35 : memref<80x1xf32, #tpu.memory_space<hbm>>) target(%arg7 : memref<80x1xf32, #tpu.memory_space<vmem>>) target_semaphore(%run_scoped3A : memref<!tpu.dma_semaphore, #tpu.memory_space<semaphore_mem>>)
      %dma_wait3A = arith.constant 0 : i32
      %dma_wait3A_36 = arith.constant 0 : i32
      %dma_wait3A_37 = tpu.memref_slice %arg4[%dma_wait3A, %dma_wait3A_36] : memref<10000x1xf32, #tpu.memory_space<hbm>> -> memref<80x1xf32, #tpu.memory_space<hbm>>
      %dma_wait3A_38 = arith.constant 0 : i32
      %dma_wait3A_39 = arith.constant 0 : i32
      %dma_wait3A_40 = tpu.memref_slice %arg4[%dma_wait3A_38, %dma_wait3A_39] : memref<10000x1xf32, #tpu.memory_space<hbm>> -> memref<80x1xf32, #tpu.memory_space<hbm>>
      tpu.wait_dma2 semaphore(%run_scoped3A : memref<!tpu.dma_semaphore, #tpu.memory_space<semaphore_mem>>) src(%dma_wait3A_40 : memref<80x1xf32, #tpu.memory_space<hbm>>) dst(%arg7 : memref<80x1xf32, #tpu.memory_space<vmem>>)
      tpu.yield
    }) : () -> ()
    %barrier3A = arith.constant 0 : index
    tpu.barrier barrier_id(%barrier3A)
    %scan3A = arith.constant 0 : i32
    %scan3A_14 = arith.constant 0 : i32
    %scan3A_15 = arith.constant 125 : i32
    %scan3A_16 = arith.addi %scan3A_14, %scan3A_15 : i32
    %scan3A_17 = arith.constant 1 : i32
    scf.for %scan3A_31 = %scan3A_14 to %scan3A_16 step %scan3A_17  : i32 {
      %dma_start3A = arith.constant 0 : i32
      %dma_start3A_32 = tpu.memref_slice %arg6[%scan3A_31, %dma_start3A] : memref<125x80xi32, #tpu.memory_space<vmem>> -> memref<1x80xi32, #tpu.memory_space<vmem>>
      %dma_start3A_33 = tpu.memref_squeeze %dma_start3A_32 : memref<1x80xi32, #tpu.memory_space<vmem>> -> memref<80xi32, #tpu.memory_space<vmem>>
      %dma_start3A_34 = arith.constant 0 : i32
      %dma_start3A_35 = arith.constant 0 : i32
      %dma_start3A_36 = tpu.memref_slice %arg8[%dma_start3A_34, %dma_start3A_35] : memref<10000x1xf32, #tpu.memory_space<vmem_shared>> -> memref<10000x1xf32, #tpu.memory_space<vmem_shared>>
      tpu.enqueue_indirect_dma source(%arg7 : memref<80x1xf32, #tpu.memory_space<vmem>>) target(%dma_start3A_36 : memref<10000x1xf32, #tpu.memory_space<vmem_shared>>) offsets(%dma_start3A_33 : memref<80xi32, #tpu.memory_space<vmem>>) semaphore(%arg9 : memref<!tpu.dma_semaphore, #tpu.memory_space<semaphore_mem>>) {add = true}
    }
    %scan3A_18 = arith.constant 125 : i32
    %scan3A_19 = arith.constant 0 : i32
    %scan3A_20 = arith.constant 0 : i32
    %scan3A_21 = arith.constant 125 : i32
    %scan3A_22 = arith.addi %scan3A_20, %scan3A_21 : i32
    %scan3A_23 = arith.constant 1 : i32
    scf.for %scan3A_31 = %scan3A_20 to %scan3A_22 step %scan3A_23  : i32 {
      %dma_wait3A = arith.constant 0 : i32
      %dma_wait3A_32 = arith.constant 0 : i32
      %dma_wait3A_33 = tpu.memref_slice %arg6[%dma_wait3A, %dma_wait3A_32] : memref<125x80xi32, #tpu.memory_space<vmem>> -> memref<1x80xi32, #tpu.memory_space<vmem>>
      %dma_wait3A_34 = tpu.memref_squeeze %dma_wait3A_33 : memref<1x80xi32, #tpu.memory_space<vmem>> -> memref<80xi32, #tpu.memory_space<vmem>>
      %dma_wait3A_35 = arith.constant 0 : i32
      %dma_wait3A_36 = arith.constant 0 : i32
      %dma_wait3A_37 = tpu.memref_slice %arg8[%dma_wait3A_35, %dma_wait3A_36] : memref<10000x1xf32, #tpu.memory_space<vmem_shared>> -> memref<10000x1xf32, #tpu.memory_space<vmem_shared>>
      tpu.wait_indirect_dma semaphore(%arg9 : memref<!tpu.dma_semaphore, #tpu.memory_space<semaphore_mem>>) src(%arg7 : memref<80x1xf32, #tpu.memory_space<vmem>>) dst(%dma_wait3A_37 : memref<10000x1xf32, #tpu.memory_space<vmem_shared>>)
    }
    %scan3A_24 = arith.constant 125 : i32
    %barrier3A_25 = arith.constant 0 : index
    tpu.barrier barrier_id(%barrier3A_25)
    %lt3A_26 = arith.constant 10 : i32
    %lt3A_27 = arith.cmpi slt, %arg1, %lt3A_26 : i32
    %convert_element_type3A_28 = arith.extui %lt3A_27 : i1 to i32
    %cond3A_29 = arith.constant 0 : i32
    %cond3A_30 = arith.cmpi ne, %convert_element_type3A_28, %cond3A_29 : i32
    scf.if %cond3A_30 {
      "tpu.region"() ({
        %run_scoped3A = tpu.sem_alloc : memref<!tpu.dma_semaphore, #tpu.memory_space<semaphore_mem>>
        %dma_start3A = arith.constant 0 : i32
        %dma_start3A_31 = tpu.memref_slice %arg5[%arg0, %mul3A_2, %dma_start3A] : memref<2x10000x1xf32, #tpu.memory_space<hbm>> -> memref<1x1000x1xf32, #tpu.memory_space<hbm>>
        %dma_start3A_32 = tpu.memref_squeeze %dma_start3A_31 : memref<1x1000x1xf32, #tpu.memory_space<hbm>> -> memref<1000x1xf32, #tpu.memory_space<hbm>>
        %dma_start3A_33 = arith.constant 0 : i32
        %dma_start3A_34 = tpu.memref_slice %arg8[%mul3A_2, %dma_start3A_33] : memref<10000x1xf32, #tpu.memory_space<vmem_shared>> -> memref<1000x1xf32, #tpu.memory_space<vmem_shared>>
        tpu.enqueue_dma source(%dma_start3A_34 : memref<1000x1xf32, #tpu.memory_space<vmem_shared>>) target(%dma_start3A_32 : memref<1000x1xf32, #tpu.memory_space<hbm>>) target_semaphore(%run_scoped3A : memref<!tpu.dma_semaphore, #tpu.memory_space<semaphore_mem>>)
        %dma_wait3A = arith.constant 0 : i32
        %dma_wait3A_35 = tpu.memref_slice %arg5[%arg0, %mul3A_2, %dma_wait3A] : memref<2x10000x1xf32, #tpu.memory_space<hbm>> -> memref<1x1000x1xf32, #tpu.memory_space<hbm>>
        %dma_wait3A_36 = tpu.memref_squeeze %dma_wait3A_35 : memref<1x1000x1xf32, #tpu.memory_space<hbm>> -> memref<1000x1xf32, #tpu.memory_space<hbm>>
        %dma_wait3A_37 = arith.constant 0 : i32
        %dma_wait3A_38 = tpu.memref_slice %arg8[%mul3A_2, %dma_wait3A_37] : memref<10000x1xf32, #tpu.memory_space<vmem_shared>> -> memref<1000x1xf32, #tpu.memory_space<vmem_shared>>
        tpu.wait_dma2 semaphore(%run_scoped3A : memref<!tpu.dma_semaphore, #tpu.memory_space<semaphore_mem>>) src(%dma_wait3A_38 : memref<1000x1xf32, #tpu.memory_space<vmem_shared>>) dst(%dma_wait3A_36 : memref<1000x1xf32, #tpu.memory_space<hbm>>)
        tpu.yield
      }) : () -> ()
    } else {
    }
    return
  }
}

#map = affine_map<(d0, d1) -> (0, 0, 0)>
module attributes {stable_mosaic.version = 14 : i64} {
  func.func @agg(%arg0: i32, %arg1: i32, %arg2: memref<2x10000x64xf32, #tpu.memory_space<hbm>>, %arg3: memref<16x250x80xi32, #tpu.memory_space<hbm>>, %arg4: memref<16x250x80xi32, #tpu.memory_space<hbm>>, %arg5: memref<2x10000x64xf32, #tpu.memory_space<hbm>>, %arg6: memref<250x80xi32, #tpu.memory_space<vmem>>, %arg7: memref<250x80xi32, #tpu.memory_space<vmem>>, %arg8: memref<5x80x64xf32, #tpu.memory_space<vmem>>, %arg9: memref<10000x64xf32, #tpu.memory_space<vmem_shared>>, %arg10: memref<!tpu.dma_semaphore, #tpu.memory_space<semaphore_mem>>, %arg11: memref<!tpu.dma_semaphore, #tpu.memory_space<semaphore_mem>>, %arg12: memref<!tpu.dma_semaphore, #tpu.memory_space<semaphore_mem>>, %arg13: memref<!tpu.dma_semaphore, #tpu.memory_space<semaphore_mem>>, %arg14: memref<!tpu.dma_semaphore, #tpu.memory_space<semaphore_mem>>, %arg15: memref<!tpu.dma_semaphore, #tpu.memory_space<semaphore_mem>>, %arg16: memref<!tpu.dma_semaphore, #tpu.memory_space<semaphore_mem>>, %arg17: memref<!tpu.dma_semaphore, #tpu.memory_space<semaphore_mem>>, %arg18: memref<!tpu.dma_semaphore, #tpu.memory_space<semaphore_mem>>, %arg19: memref<!tpu.dma_semaphore, #tpu.memory_space<semaphore_mem>>) attributes {dimension_semantics = [#tpu.dimension_semantics<core_parallel>, #tpu.dimension_semantics<subcore_parallel>], iteration_bounds = array<i64: 2, 16>, scalar_prefetch = 0 : i64, scratch_operands = 14 : i64, tpu.core_type = #tpu.core_type<sc_vector_subcore>, window_params = [{transform_indices = #map}, {transform_indices = #map}, {transform_indices = #map}, {transform_indices = #map}]} {
    %mul3A = arith.constant 1000 : i32
    %mul3A_0 = arith.muli %arg1, %mul3A : i32
    %lt3A = arith.constant 10 : i32
    %lt3A_1 = arith.cmpi slt, %arg1, %lt3A : i32
    %convert_element_type3A = arith.extui %lt3A_1 : i1 to i32
    %cond3A = arith.constant 0 : i32
    %cond3A_2 = arith.cmpi ne, %convert_element_type3A, %cond3A : i32
    scf.if %cond3A_2 {
      "tpu.region"() ({
        %run_scoped3A = tpu.sem_alloc : memref<!tpu.dma_semaphore, #tpu.memory_space<semaphore_mem>>
        %dma_start3A_88 = arith.constant 0 : i32
        %dma_start3A_89 = tpu.memref_slice %arg9[%mul3A_0, %dma_start3A_88] : memref<10000x64xf32, #tpu.memory_space<vmem_shared>> -> memref<1000x64xf32, #tpu.memory_space<vmem_shared>>
        %dma_start3A_90 = arith.constant 0 : i32
        %dma_start3A_91 = arith.constant 0 : i32
        %dma_start3A_92 = tpu.memref_slice %arg2[%arg0, %dma_start3A_90, %dma_start3A_91] : memref<2x10000x64xf32, #tpu.memory_space<hbm>> -> memref<1x10000x64xf32, #tpu.memory_space<hbm>>
        %dma_start3A_93 = tpu.memref_squeeze %dma_start3A_92 : memref<1x10000x64xf32, #tpu.memory_space<hbm>> -> memref<10000x64xf32, #tpu.memory_space<hbm>>
        %dma_start3A_94 = arith.constant 0 : i32
        %dma_start3A_95 = tpu.memref_slice %dma_start3A_93[%mul3A_0, %dma_start3A_94] : memref<10000x64xf32, #tpu.memory_space<hbm>> -> memref<1000x64xf32, #tpu.memory_space<hbm>>
        tpu.enqueue_dma source(%dma_start3A_95 : memref<1000x64xf32, #tpu.memory_space<hbm>>) target(%dma_start3A_89 : memref<1000x64xf32, #tpu.memory_space<vmem_shared>>) target_semaphore(%run_scoped3A : memref<!tpu.dma_semaphore, #tpu.memory_space<semaphore_mem>>)
        %dma_wait3A_96 = arith.constant 0 : i32
        %dma_wait3A_97 = tpu.memref_slice %arg9[%mul3A_0, %dma_wait3A_96] : memref<10000x64xf32, #tpu.memory_space<vmem_shared>> -> memref<1000x64xf32, #tpu.memory_space<vmem_shared>>
        %dma_wait3A_98 = arith.constant 0 : i32
        %dma_wait3A_99 = arith.constant 0 : i32
        %dma_wait3A_100 = tpu.memref_slice %arg2[%arg0, %dma_wait3A_98, %dma_wait3A_99] : memref<2x10000x64xf32, #tpu.memory_space<hbm>> -> memref<1x10000x64xf32, #tpu.memory_space<hbm>>
        %dma_wait3A_101 = tpu.memref_squeeze %dma_wait3A_100 : memref<1x10000x64xf32, #tpu.memory_space<hbm>> -> memref<10000x64xf32, #tpu.memory_space<hbm>>
        %dma_wait3A_102 = arith.constant 0 : i32
        %dma_wait3A_103 = tpu.memref_slice %dma_wait3A_101[%mul3A_0, %dma_wait3A_102] : memref<10000x64xf32, #tpu.memory_space<hbm>> -> memref<1000x64xf32, #tpu.memory_space<hbm>>
        tpu.wait_dma2 semaphore(%run_scoped3A : memref<!tpu.dma_semaphore, #tpu.memory_space<semaphore_mem>>) src(%dma_wait3A_103 : memref<1000x64xf32, #tpu.memory_space<hbm>>) dst(%dma_wait3A_97 : memref<1000x64xf32, #tpu.memory_space<vmem_shared>>)
        tpu.yield
      }) : () -> ()
    } else {
    }
    "tpu.region"() ({
      %run_scoped3A = tpu.sem_alloc : memref<!tpu.dma_semaphore, #tpu.memory_space<semaphore_mem>>
      %dma_start3A_88 = arith.constant 0 : i32
      %dma_start3A_89 = arith.constant 0 : i32
      %dma_start3A_90 = tpu.memref_slice %arg3[%arg1, %dma_start3A_88, %dma_start3A_89] : memref<16x250x80xi32, #tpu.memory_space<hbm>> -> memref<1x250x80xi32, #tpu.memory_space<hbm>>
      %dma_start3A_91 = tpu.memref_squeeze %dma_start3A_90 : memref<1x250x80xi32, #tpu.memory_space<hbm>> -> memref<250x80xi32, #tpu.memory_space<hbm>>
      %dma_start3A_92 = arith.constant 0 : i32
      %dma_start3A_93 = arith.constant 0 : i32
      %dma_start3A_94 = tpu.memref_slice %arg3[%arg1, %dma_start3A_92, %dma_start3A_93] : memref<16x250x80xi32, #tpu.memory_space<hbm>> -> memref<1x250x80xi32, #tpu.memory_space<hbm>>
      %dma_start3A_95 = tpu.memref_squeeze %dma_start3A_94 : memref<1x250x80xi32, #tpu.memory_space<hbm>> -> memref<250x80xi32, #tpu.memory_space<hbm>>
      tpu.enqueue_dma source(%dma_start3A_95 : memref<250x80xi32, #tpu.memory_space<hbm>>) target(%arg6 : memref<250x80xi32, #tpu.memory_space<vmem>>) target_semaphore(%run_scoped3A : memref<!tpu.dma_semaphore, #tpu.memory_space<semaphore_mem>>)
      %dma_wait3A_96 = arith.constant 0 : i32
      %dma_wait3A_97 = arith.constant 0 : i32
      %dma_wait3A_98 = tpu.memref_slice %arg3[%arg1, %dma_wait3A_96, %dma_wait3A_97] : memref<16x250x80xi32, #tpu.memory_space<hbm>> -> memref<1x250x80xi32, #tpu.memory_space<hbm>>
      %dma_wait3A_99 = tpu.memref_squeeze %dma_wait3A_98 : memref<1x250x80xi32, #tpu.memory_space<hbm>> -> memref<250x80xi32, #tpu.memory_space<hbm>>
      %dma_wait3A_100 = arith.constant 0 : i32
      %dma_wait3A_101 = arith.constant 0 : i32
      %dma_wait3A_102 = tpu.memref_slice %arg3[%arg1, %dma_wait3A_100, %dma_wait3A_101] : memref<16x250x80xi32, #tpu.memory_space<hbm>> -> memref<1x250x80xi32, #tpu.memory_space<hbm>>
      %dma_wait3A_103 = tpu.memref_squeeze %dma_wait3A_102 : memref<1x250x80xi32, #tpu.memory_space<hbm>> -> memref<250x80xi32, #tpu.memory_space<hbm>>
      tpu.wait_dma2 semaphore(%run_scoped3A : memref<!tpu.dma_semaphore, #tpu.memory_space<semaphore_mem>>) src(%dma_wait3A_103 : memref<250x80xi32, #tpu.memory_space<hbm>>) dst(%arg6 : memref<250x80xi32, #tpu.memory_space<vmem>>)
      tpu.yield
    }) : () -> ()
    "tpu.region"() ({
      %run_scoped3A = tpu.sem_alloc : memref<!tpu.dma_semaphore, #tpu.memory_space<semaphore_mem>>
      %dma_start3A_88 = arith.constant 0 : i32
      %dma_start3A_89 = arith.constant 0 : i32
      %dma_start3A_90 = tpu.memref_slice %arg4[%arg1, %dma_start3A_88, %dma_start3A_89] : memref<16x250x80xi32, #tpu.memory_space<hbm>> -> memref<1x250x80xi32, #tpu.memory_space<hbm>>
      %dma_start3A_91 = tpu.memref_squeeze %dma_start3A_90 : memref<1x250x80xi32, #tpu.memory_space<hbm>> -> memref<250x80xi32, #tpu.memory_space<hbm>>
      %dma_start3A_92 = arith.constant 0 : i32
      %dma_start3A_93 = arith.constant 0 : i32
      %dma_start3A_94 = tpu.memref_slice %arg4[%arg1, %dma_start3A_92, %dma_start3A_93] : memref<16x250x80xi32, #tpu.memory_space<hbm>> -> memref<1x250x80xi32, #tpu.memory_space<hbm>>
      %dma_start3A_95 = tpu.memref_squeeze %dma_start3A_94 : memref<1x250x80xi32, #tpu.memory_space<hbm>> -> memref<250x80xi32, #tpu.memory_space<hbm>>
      tpu.enqueue_dma source(%dma_start3A_95 : memref<250x80xi32, #tpu.memory_space<hbm>>) target(%arg7 : memref<250x80xi32, #tpu.memory_space<vmem>>) target_semaphore(%run_scoped3A : memref<!tpu.dma_semaphore, #tpu.memory_space<semaphore_mem>>)
      %dma_wait3A_96 = arith.constant 0 : i32
      %dma_wait3A_97 = arith.constant 0 : i32
      %dma_wait3A_98 = tpu.memref_slice %arg4[%arg1, %dma_wait3A_96, %dma_wait3A_97] : memref<16x250x80xi32, #tpu.memory_space<hbm>> -> memref<1x250x80xi32, #tpu.memory_space<hbm>>
      %dma_wait3A_99 = tpu.memref_squeeze %dma_wait3A_98 : memref<1x250x80xi32, #tpu.memory_space<hbm>> -> memref<250x80xi32, #tpu.memory_space<hbm>>
      %dma_wait3A_100 = arith.constant 0 : i32
      %dma_wait3A_101 = arith.constant 0 : i32
      %dma_wait3A_102 = tpu.memref_slice %arg4[%arg1, %dma_wait3A_100, %dma_wait3A_101] : memref<16x250x80xi32, #tpu.memory_space<hbm>> -> memref<1x250x80xi32, #tpu.memory_space<hbm>>
      %dma_wait3A_103 = tpu.memref_squeeze %dma_wait3A_102 : memref<1x250x80xi32, #tpu.memory_space<hbm>> -> memref<250x80xi32, #tpu.memory_space<hbm>>
      tpu.wait_dma2 semaphore(%run_scoped3A : memref<!tpu.dma_semaphore, #tpu.memory_space<semaphore_mem>>) src(%dma_wait3A_103 : memref<250x80xi32, #tpu.memory_space<hbm>>) dst(%arg7 : memref<250x80xi32, #tpu.memory_space<vmem>>)
      tpu.yield
    }) : () -> ()
    %barrier3A = arith.constant 0 : index
    tpu.barrier barrier_id(%barrier3A)
    %dma_start3A = arith.constant 0 : i32
    %dma_start3A_3 = arith.constant 0 : i32
    %dma_start3A_4 = arith.constant 0 : i32
    %dma_start3A_5 = arith.constant 0 : i32
    %dma_start3A_6 = tpu.memref_slice %arg8[%dma_start3A_3, %dma_start3A_4, %dma_start3A_5] : memref<5x80x64xf32, #tpu.memory_space<vmem>> -> memref<1x80x64xf32, #tpu.memory_space<vmem>>
    %dma_start3A_7 = tpu.memref_squeeze %dma_start3A_6 : memref<1x80x64xf32, #tpu.memory_space<vmem>> -> memref<80x64xf32, #tpu.memory_space<vmem>>
    %dma_start3A_8 = arith.constant 0 : i32
    %dma_start3A_9 = tpu.memref_slice %arg6[%dma_start3A, %dma_start3A_8] : memref<250x80xi32, #tpu.memory_space<vmem>> -> memref<1x80xi32, #tpu.memory_space<vmem>>
    %dma_start3A_10 = tpu.memref_squeeze %dma_start3A_9 : memref<1x80xi32, #tpu.memory_space<vmem>> -> memref<80xi32, #tpu.memory_space<vmem>>
    %dma_start3A_11 = arith.constant 0 : i32
    %dma_start3A_12 = arith.constant 0 : i32
    %dma_start3A_13 = tpu.memref_slice %arg2[%arg0, %dma_start3A_11, %dma_start3A_12] : memref<2x10000x64xf32, #tpu.memory_space<hbm>> -> memref<1x10000x64xf32, #tpu.memory_space<hbm>>
    %dma_start3A_14 = tpu.memref_squeeze %dma_start3A_13 : memref<1x10000x64xf32, #tpu.memory_space<hbm>> -> memref<10000x64xf32, #tpu.memory_space<hbm>>
    %dma_start3A_15 = arith.constant 0 : i32
    %dma_start3A_16 = arith.constant 0 : i32
    %dma_start3A_17 = tpu.memref_slice %dma_start3A_14[%dma_start3A_15, %dma_start3A_16] : memref<10000x64xf32, #tpu.memory_space<hbm>> -> memref<10000x64xf32, #tpu.memory_space<hbm>>
    tpu.enqueue_indirect_dma source(%dma_start3A_17 : memref<10000x64xf32, #tpu.memory_space<hbm>>) target(%dma_start3A_7 : memref<80x64xf32, #tpu.memory_space<vmem>>) offsets(%dma_start3A_10 : memref<80xi32, #tpu.memory_space<vmem>>) semaphore(%arg10 : memref<!tpu.dma_semaphore, #tpu.memory_space<semaphore_mem>>)
    %dma_start3A_18 = arith.constant 1 : i32
    %dma_start3A_19 = arith.constant 1 : i32
    %dma_start3A_20 = arith.constant 0 : i32
    %dma_start3A_21 = arith.constant 0 : i32
    %dma_start3A_22 = tpu.memref_slice %arg8[%dma_start3A_19, %dma_start3A_20, %dma_start3A_21] : memref<5x80x64xf32, #tpu.memory_space<vmem>> -> memref<1x80x64xf32, #tpu.memory_space<vmem>>
    %dma_start3A_23 = tpu.memref_squeeze %dma_start3A_22 : memref<1x80x64xf32, #tpu.memory_space<vmem>> -> memref<80x64xf32, #tpu.memory_space<vmem>>
    %dma_start3A_24 = arith.constant 0 : i32
    %dma_start3A_25 = tpu.memref_slice %arg6[%dma_start3A_18, %dma_start3A_24] : memref<250x80xi32, #tpu.memory_space<vmem>> -> memref<1x80xi32, #tpu.memory_space<vmem>>
    %dma_start3A_26 = tpu.memref_squeeze %dma_start3A_25 : memref<1x80xi32, #tpu.memory_space<vmem>> -> memref<80xi32, #tpu.memory_space<vmem>>
    %dma_start3A_27 = arith.constant 0 : i32
    %dma_start3A_28 = arith.constant 0 : i32
    %dma_start3A_29 = tpu.memref_slice %arg2[%arg0, %dma_start3A_27, %dma_start3A_28] : memref<2x10000x64xf32, #tpu.memory_space<hbm>> -> memref<1x10000x64xf32, #tpu.memory_space<hbm>>
    %dma_start3A_30 = tpu.memref_squeeze %dma_start3A_29 : memref<1x10000x64xf32, #tpu.memory_space<hbm>> -> memref<10000x64xf32, #tpu.memory_space<hbm>>
    %dma_start3A_31 = arith.constant 0 : i32
    %dma_start3A_32 = arith.constant 0 : i32
    %dma_start3A_33 = tpu.memref_slice %dma_start3A_30[%dma_start3A_31, %dma_start3A_32] : memref<10000x64xf32, #tpu.memory_space<hbm>> -> memref<10000x64xf32, #tpu.memory_space<hbm>>
    tpu.enqueue_indirect_dma source(%dma_start3A_33 : memref<10000x64xf32, #tpu.memory_space<hbm>>) target(%dma_start3A_23 : memref<80x64xf32, #tpu.memory_space<vmem>>) offsets(%dma_start3A_26 : memref<80xi32, #tpu.memory_space<vmem>>) semaphore(%arg11 : memref<!tpu.dma_semaphore, #tpu.memory_space<semaphore_mem>>)
    %dma_start3A_34 = arith.constant 2 : i32
    %dma_start3A_35 = arith.constant 2 : i32
    %dma_start3A_36 = arith.constant 0 : i32
    %dma_start3A_37 = arith.constant 0 : i32
    %dma_start3A_38 = tpu.memref_slice %arg8[%dma_start3A_35, %dma_start3A_36, %dma_start3A_37] : memref<5x80x64xf32, #tpu.memory_space<vmem>> -> memref<1x80x64xf32, #tpu.memory_space<vmem>>
    %dma_start3A_39 = tpu.memref_squeeze %dma_start3A_38 : memref<1x80x64xf32, #tpu.memory_space<vmem>> -> memref<80x64xf32, #tpu.memory_space<vmem>>
    %dma_start3A_40 = arith.constant 0 : i32
    %dma_start3A_41 = tpu.memref_slice %arg6[%dma_start3A_34, %dma_start3A_40] : memref<250x80xi32, #tpu.memory_space<vmem>> -> memref<1x80xi32, #tpu.memory_space<vmem>>
    %dma_start3A_42 = tpu.memref_squeeze %dma_start3A_41 : memref<1x80xi32, #tpu.memory_space<vmem>> -> memref<80xi32, #tpu.memory_space<vmem>>
    %dma_start3A_43 = arith.constant 0 : i32
    %dma_start3A_44 = arith.constant 0 : i32
    %dma_start3A_45 = tpu.memref_slice %arg2[%arg0, %dma_start3A_43, %dma_start3A_44] : memref<2x10000x64xf32, #tpu.memory_space<hbm>> -> memref<1x10000x64xf32, #tpu.memory_space<hbm>>
    %dma_start3A_46 = tpu.memref_squeeze %dma_start3A_45 : memref<1x10000x64xf32, #tpu.memory_space<hbm>> -> memref<10000x64xf32, #tpu.memory_space<hbm>>
    %dma_start3A_47 = arith.constant 0 : i32
    %dma_start3A_48 = arith.constant 0 : i32
    %dma_start3A_49 = tpu.memref_slice %dma_start3A_46[%dma_start3A_47, %dma_start3A_48] : memref<10000x64xf32, #tpu.memory_space<hbm>> -> memref<10000x64xf32, #tpu.memory_space<hbm>>
    tpu.enqueue_indirect_dma source(%dma_start3A_49 : memref<10000x64xf32, #tpu.memory_space<hbm>>) target(%dma_start3A_39 : memref<80x64xf32, #tpu.memory_space<vmem>>) offsets(%dma_start3A_42 : memref<80xi32, #tpu.memory_space<vmem>>) semaphore(%arg12 : memref<!tpu.dma_semaphore, #tpu.memory_space<semaphore_mem>>)
    %dma_start3A_50 = arith.constant 3 : i32
    %dma_start3A_51 = arith.constant 3 : i32
    %dma_start3A_52 = arith.constant 0 : i32
    %dma_start3A_53 = arith.constant 0 : i32
    %dma_start3A_54 = tpu.memref_slice %arg8[%dma_start3A_51, %dma_start3A_52, %dma_start3A_53] : memref<5x80x64xf32, #tpu.memory_space<vmem>> -> memref<1x80x64xf32, #tpu.memory_space<vmem>>
    %dma_start3A_55 = tpu.memref_squeeze %dma_start3A_54 : memref<1x80x64xf32, #tpu.memory_space<vmem>> -> memref<80x64xf32, #tpu.memory_space<vmem>>
    %dma_start3A_56 = arith.constant 0 : i32
    %dma_start3A_57 = tpu.memref_slice %arg6[%dma_start3A_50, %dma_start3A_56] : memref<250x80xi32, #tpu.memory_space<vmem>> -> memref<1x80xi32, #tpu.memory_space<vmem>>
    %dma_start3A_58 = tpu.memref_squeeze %dma_start3A_57 : memref<1x80xi32, #tpu.memory_space<vmem>> -> memref<80xi32, #tpu.memory_space<vmem>>
    %dma_start3A_59 = arith.constant 0 : i32
    %dma_start3A_60 = arith.constant 0 : i32
    %dma_start3A_61 = tpu.memref_slice %arg2[%arg0, %dma_start3A_59, %dma_start3A_60] : memref<2x10000x64xf32, #tpu.memory_space<hbm>> -> memref<1x10000x64xf32, #tpu.memory_space<hbm>>
    %dma_start3A_62 = tpu.memref_squeeze %dma_start3A_61 : memref<1x10000x64xf32, #tpu.memory_space<hbm>> -> memref<10000x64xf32, #tpu.memory_space<hbm>>
    %dma_start3A_63 = arith.constant 0 : i32
    %dma_start3A_64 = arith.constant 0 : i32
    %dma_start3A_65 = tpu.memref_slice %dma_start3A_62[%dma_start3A_63, %dma_start3A_64] : memref<10000x64xf32, #tpu.memory_space<hbm>> -> memref<10000x64xf32, #tpu.memory_space<hbm>>
    tpu.enqueue_indirect_dma source(%dma_start3A_65 : memref<10000x64xf32, #tpu.memory_space<hbm>>) target(%dma_start3A_55 : memref<80x64xf32, #tpu.memory_space<vmem>>) offsets(%dma_start3A_58 : memref<80xi32, #tpu.memory_space<vmem>>) semaphore(%arg13 : memref<!tpu.dma_semaphore, #tpu.memory_space<semaphore_mem>>)
    %scan3A = arith.constant 0 : i32
    %scan3A_66 = arith.constant 0 : i32
    %scan3A_67 = arith.constant 50 : i32
    %scan3A_68 = arith.addi %scan3A_66, %scan3A_67 : i32
    %scan3A_69 = arith.constant 1 : i32
    scf.for %scan3A_88 = %scan3A_66 to %scan3A_68 step %scan3A_69  : i32 {
      %mul3A_89 = arith.constant 5 : i32
      %mul3A_90 = arith.muli %scan3A_88, %mul3A_89 : i32
      %add3A = arith.constant 0 : i32
      %add3A_91 = arith.addi %mul3A_90, %add3A : i32
      %dma_wait3A_92 = arith.constant 0 : i32
      %dma_wait3A_93 = arith.constant 0 : i32
      %dma_wait3A_94 = arith.constant 0 : i32
      %dma_wait3A_95 = arith.constant 0 : i32
      %dma_wait3A_96 = tpu.memref_slice %arg8[%dma_wait3A_93, %dma_wait3A_94, %dma_wait3A_95] : memref<5x80x64xf32, #tpu.memory_space<vmem>> -> memref<1x80x64xf32, #tpu.memory_space<vmem>>
      %dma_wait3A_97 = tpu.memref_squeeze %dma_wait3A_96 : memref<1x80x64xf32, #tpu.memory_space<vmem>> -> memref<80x64xf32, #tpu.memory_space<vmem>>
      %dma_wait3A_98 = arith.constant 0 : i32
      %dma_wait3A_99 = tpu.memref_slice %arg6[%dma_wait3A_92, %dma_wait3A_98] : memref<250x80xi32, #tpu.memory_space<vmem>> -> memref<1x80xi32, #tpu.memory_space<vmem>>
      %dma_wait3A_100 = tpu.memref_squeeze %dma_wait3A_99 : memref<1x80xi32, #tpu.memory_space<vmem>> -> memref<80xi32, #tpu.memory_space<vmem>>
      %dma_wait3A_101 = arith.constant 0 : i32
      %dma_wait3A_102 = arith.constant 0 : i32
      %dma_wait3A_103 = tpu.memref_slice %arg2[%arg0, %dma_wait3A_101, %dma_wait3A_102] : memref<2x10000x64xf32, #tpu.memory_space<hbm>> -> memref<1x10000x64xf32, #tpu.memory_space<hbm>>
      %dma_wait3A_104 = tpu.memref_squeeze %dma_wait3A_103 : memref<1x10000x64xf32, #tpu.memory_space<hbm>> -> memref<10000x64xf32, #tpu.memory_space<hbm>>
      %dma_wait3A_105 = arith.constant 0 : i32
      %dma_wait3A_106 = arith.constant 0 : i32
      %dma_wait3A_107 = tpu.memref_slice %dma_wait3A_104[%dma_wait3A_105, %dma_wait3A_106] : memref<10000x64xf32, #tpu.memory_space<hbm>> -> memref<10000x64xf32, #tpu.memory_space<hbm>>
      tpu.wait_indirect_dma semaphore(%arg10 : memref<!tpu.dma_semaphore, #tpu.memory_space<semaphore_mem>>) src(%dma_wait3A_107 : memref<10000x64xf32, #tpu.memory_space<hbm>>) dst(%dma_wait3A_97 : memref<80x64xf32, #tpu.memory_space<vmem>>)
      %dma_start3A_108 = arith.constant 0 : i32
      %dma_start3A_109 = arith.constant 0 : i32
      %dma_start3A_110 = arith.constant 0 : i32
      %dma_start3A_111 = tpu.memref_slice %arg8[%dma_start3A_108, %dma_start3A_109, %dma_start3A_110] : memref<5x80x64xf32, #tpu.memory_space<vmem>> -> memref<1x80x64xf32, #tpu.memory_space<vmem>>
      %dma_start3A_112 = tpu.memref_squeeze %dma_start3A_111 : memref<1x80x64xf32, #tpu.memory_space<vmem>> -> memref<80x64xf32, #tpu.memory_space<vmem>>
      %dma_start3A_113 = arith.constant 0 : i32
      %dma_start3A_114 = tpu.memref_slice %arg7[%add3A_91, %dma_start3A_113] : memref<250x80xi32, #tpu.memory_space<vmem>> -> memref<1x80xi32, #tpu.memory_space<vmem>>
      %dma_start3A_115 = tpu.memref_squeeze %dma_start3A_114 : memref<1x80xi32, #tpu.memory_space<vmem>> -> memref<80xi32, #tpu.memory_space<vmem>>
      %dma_start3A_116 = arith.constant 0 : i32
      %dma_start3A_117 = arith.constant 0 : i32
      %dma_start3A_118 = tpu.memref_slice %arg9[%dma_start3A_116, %dma_start3A_117] : memref<10000x64xf32, #tpu.memory_space<vmem_shared>> -> memref<10000x64xf32, #tpu.memory_space<vmem_shared>>
      tpu.enqueue_indirect_dma source(%dma_start3A_112 : memref<80x64xf32, #tpu.memory_space<vmem>>) target(%dma_start3A_118 : memref<10000x64xf32, #tpu.memory_space<vmem_shared>>) offsets(%dma_start3A_115 : memref<80xi32, #tpu.memory_space<vmem>>) semaphore(%arg15 : memref<!tpu.dma_semaphore, #tpu.memory_space<semaphore_mem>>) {add = true}
      %gt3A = arith.constant 0 : i32
      %gt3A_119 = arith.cmpi sgt, %add3A_91, %gt3A : i32
      %convert_element_type3A_120 = arith.extui %gt3A_119 : i1 to i32
      %cond3A_121 = arith.constant 0 : i32
      %cond3A_122 = arith.cmpi ne, %convert_element_type3A_120, %cond3A_121 : i32
      scf.if %cond3A_122 {
        %dma_wait3A_311 = arith.constant 4 : i32
        %dma_wait3A_312 = arith.constant 0 : i32
        %dma_wait3A_313 = arith.constant 0 : i32
        %dma_wait3A_314 = arith.constant 0 : i32
        %dma_wait3A_315 = tpu.memref_slice %arg8[%dma_wait3A_311, %dma_wait3A_313, %dma_wait3A_314] : memref<5x80x64xf32, #tpu.memory_space<vmem>> -> memref<1x80x64xf32, #tpu.memory_space<vmem>>
        %dma_wait3A_316 = tpu.memref_squeeze %dma_wait3A_315 : memref<1x80x64xf32, #tpu.memory_space<vmem>> -> memref<80x64xf32, #tpu.memory_space<vmem>>
        %dma_wait3A_317 = arith.constant 0 : i32
        %dma_wait3A_318 = tpu.memref_slice %arg7[%dma_wait3A_312, %dma_wait3A_317] : memref<250x80xi32, #tpu.memory_space<vmem>> -> memref<1x80xi32, #tpu.memory_space<vmem>>
        %dma_wait3A_319 = tpu.memref_squeeze %dma_wait3A_318 : memref<1x80xi32, #tpu.memory_space<vmem>> -> memref<80xi32, #tpu.memory_space<vmem>>
        %dma_wait3A_320 = arith.constant 0 : i32
        %dma_wait3A_321 = arith.constant 0 : i32
        %dma_wait3A_322 = tpu.memref_slice %arg9[%dma_wait3A_320, %dma_wait3A_321] : memref<10000x64xf32, #tpu.memory_space<vmem_shared>> -> memref<10000x64xf32, #tpu.memory_space<vmem_shared>>
        tpu.wait_indirect_dma semaphore(%arg19 : memref<!tpu.dma_semaphore, #tpu.memory_space<semaphore_mem>>) src(%dma_wait3A_316 : memref<80x64xf32, #tpu.memory_space<vmem>>) dst(%dma_wait3A_322 : memref<10000x64xf32, #tpu.memory_space<vmem_shared>>)
      } else {
      }
      %add3A_123 = arith.constant 5 : i32
      %add3A_124 = arith.addi %add3A_91, %add3A_123 : i32
      %sub3A = arith.constant 1 : i32
      %sub3A_125 = arith.subi %add3A_124, %sub3A : i32
      %lt3A_126 = arith.constant 250 : i32
      %lt3A_127 = arith.cmpi slt, %sub3A_125, %lt3A_126 : i32
      %convert_element_type3A_128 = arith.extui %lt3A_127 : i1 to i32
      %cond3A_129 = arith.constant 0 : i32
      %cond3A_130 = arith.cmpi ne, %convert_element_type3A_128, %cond3A_129 : i32
      scf.if %cond3A_130 {
        %add3A_311 = arith.constant 5 : i32
        %add3A_312 = arith.addi %add3A_91, %add3A_311 : i32
        %sub3A_313 = arith.constant 1 : i32
        %sub3A_314 = arith.subi %add3A_312, %sub3A_313 : i32
        %dma_start3A_315 = arith.constant 4 : i32
        %dma_start3A_316 = arith.constant 0 : i32
        %dma_start3A_317 = arith.constant 0 : i32
        %dma_start3A_318 = tpu.memref_slice %arg8[%dma_start3A_315, %dma_start3A_316, %dma_start3A_317] : memref<5x80x64xf32, #tpu.memory_space<vmem>> -> memref<1x80x64xf32, #tpu.memory_space<vmem>>
        %dma_start3A_319 = tpu.memref_squeeze %dma_start3A_318 : memref<1x80x64xf32, #tpu.memory_space<vmem>> -> memref<80x64xf32, #tpu.memory_space<vmem>>
        %dma_start3A_320 = arith.constant 0 : i32
        %dma_start3A_321 = tpu.memref_slice %arg6[%sub3A_314, %dma_start3A_320] : memref<250x80xi32, #tpu.memory_space<vmem>> -> memref<1x80xi32, #tpu.memory_space<vmem>>
        %dma_start3A_322 = tpu.memref_squeeze %dma_start3A_321 : memref<1x80xi32, #tpu.memory_space<vmem>> -> memref<80xi32, #tpu.memory_space<vmem>>
        %dma_start3A_323 = arith.constant 0 : i32
        %dma_start3A_324 = arith.constant 0 : i32
        %dma_start3A_325 = tpu.memref_slice %arg2[%arg0, %dma_start3A_323, %dma_start3A_324] : memref<2x10000x64xf32, #tpu.memory_space<hbm>> -> memref<1x10000x64xf32, #tpu.memory_space<hbm>>
        %dma_start3A_326 = tpu.memref_squeeze %dma_start3A_325 : memref<1x10000x64xf32, #tpu.memory_space<hbm>> -> memref<10000x64xf32, #tpu.memory_space<hbm>>
        %dma_start3A_327 = arith.constant 0 : i32
        %dma_start3A_328 = arith.constant 0 : i32
        %dma_start3A_329 = tpu.memref_slice %dma_start3A_326[%dma_start3A_327, %dma_start3A_328] : memref<10000x64xf32, #tpu.memory_space<hbm>> -> memref<10000x64xf32, #tpu.memory_space<hbm>>
        tpu.enqueue_indirect_dma source(%dma_start3A_329 : memref<10000x64xf32, #tpu.memory_space<hbm>>) target(%dma_start3A_319 : memref<80x64xf32, #tpu.memory_space<vmem>>) offsets(%dma_start3A_322 : memref<80xi32, #tpu.memory_space<vmem>>) semaphore(%arg14 : memref<!tpu.dma_semaphore, #tpu.memory_space<semaphore_mem>>)
      } else {
      }
      %mul3A_131 = arith.constant 5 : i32
      %mul3A_132 = arith.muli %scan3A_88, %mul3A_131 : i32
      %add3A_133 = arith.constant 1 : i32
      %add3A_134 = arith.addi %mul3A_132, %add3A_133 : i32
      %dma_wait3A_135 = arith.constant 0 : i32
      %dma_wait3A_136 = arith.constant 1 : i32
      %dma_wait3A_137 = arith.constant 0 : i32
      %dma_wait3A_138 = arith.constant 0 : i32
      %dma_wait3A_139 = tpu.memref_slice %arg8[%dma_wait3A_136, %dma_wait3A_137, %dma_wait3A_138] : memref<5x80x64xf32, #tpu.memory_space<vmem>> -> memref<1x80x64xf32, #tpu.memory_space<vmem>>
      %dma_wait3A_140 = tpu.memref_squeeze %dma_wait3A_139 : memref<1x80x64xf32, #tpu.memory_space<vmem>> -> memref<80x64xf32, #tpu.memory_space<vmem>>
      %dma_wait3A_141 = arith.constant 0 : i32
      %dma_wait3A_142 = tpu.memref_slice %arg6[%dma_wait3A_135, %dma_wait3A_141] : memref<250x80xi32, #tpu.memory_space<vmem>> -> memref<1x80xi32, #tpu.memory_space<vmem>>
      %dma_wait3A_143 = tpu.memref_squeeze %dma_wait3A_142 : memref<1x80xi32, #tpu.memory_space<vmem>> -> memref<80xi32, #tpu.memory_space<vmem>>
      %dma_wait3A_144 = arith.constant 0 : i32
      %dma_wait3A_145 = arith.constant 0 : i32
      %dma_wait3A_146 = tpu.memref_slice %arg2[%arg0, %dma_wait3A_144, %dma_wait3A_145] : memref<2x10000x64xf32, #tpu.memory_space<hbm>> -> memref<1x10000x64xf32, #tpu.memory_space<hbm>>
      %dma_wait3A_147 = tpu.memref_squeeze %dma_wait3A_146 : memref<1x10000x64xf32, #tpu.memory_space<hbm>> -> memref<10000x64xf32, #tpu.memory_space<hbm>>
      %dma_wait3A_148 = arith.constant 0 : i32
      %dma_wait3A_149 = arith.constant 0 : i32
      %dma_wait3A_150 = tpu.memref_slice %dma_wait3A_147[%dma_wait3A_148, %dma_wait3A_149] : memref<10000x64xf32, #tpu.memory_space<hbm>> -> memref<10000x64xf32, #tpu.memory_space<hbm>>
      tpu.wait_indirect_dma semaphore(%arg11 : memref<!tpu.dma_semaphore, #tpu.memory_space<semaphore_mem>>) src(%dma_wait3A_150 : memref<10000x64xf32, #tpu.memory_space<hbm>>) dst(%dma_wait3A_140 : memref<80x64xf32, #tpu.memory_space<vmem>>)
      %dma_start3A_151 = arith.constant 1 : i32
      %dma_start3A_152 = arith.constant 0 : i32
      %dma_start3A_153 = arith.constant 0 : i32
      %dma_start3A_154 = tpu.memref_slice %arg8[%dma_start3A_151, %dma_start3A_152, %dma_start3A_153] : memref<5x80x64xf32, #tpu.memory_space<vmem>> -> memref<1x80x64xf32, #tpu.memory_space<vmem>>
      %dma_start3A_155 = tpu.memref_squeeze %dma_start3A_154 : memref<1x80x64xf32, #tpu.memory_space<vmem>> -> memref<80x64xf32, #tpu.memory_space<vmem>>
      %dma_start3A_156 = arith.constant 0 : i32
      %dma_start3A_157 = tpu.memref_slice %arg7[%add3A_134, %dma_start3A_156] : memref<250x80xi32, #tpu.memory_space<vmem>> -> memref<1x80xi32, #tpu.memory_space<vmem>>
      %dma_start3A_158 = tpu.memref_squeeze %dma_start3A_157 : memref<1x80xi32, #tpu.memory_space<vmem>> -> memref<80xi32, #tpu.memory_space<vmem>>
      %dma_start3A_159 = arith.constant 0 : i32
      %dma_start3A_160 = arith.constant 0 : i32
      %dma_start3A_161 = tpu.memref_slice %arg9[%dma_start3A_159, %dma_start3A_160] : memref<10000x64xf32, #tpu.memory_space<vmem_shared>> -> memref<10000x64xf32, #tpu.memory_space<vmem_shared>>
      tpu.enqueue_indirect_dma source(%dma_start3A_155 : memref<80x64xf32, #tpu.memory_space<vmem>>) target(%dma_start3A_161 : memref<10000x64xf32, #tpu.memory_space<vmem_shared>>) offsets(%dma_start3A_158 : memref<80xi32, #tpu.memory_space<vmem>>) semaphore(%arg16 : memref<!tpu.dma_semaphore, #tpu.memory_space<semaphore_mem>>) {add = true}
      %gt3A_162 = arith.constant 0 : i32
      %gt3A_163 = arith.cmpi sgt, %add3A_134, %gt3A_162 : i32
      %convert_element_type3A_164 = arith.extui %gt3A_163 : i1 to i32
      %cond3A_165 = arith.constant 0 : i32
      %cond3A_166 = arith.cmpi ne, %convert_element_type3A_164, %cond3A_165 : i32
      scf.if %cond3A_166 {
        %dma_wait3A_311 = arith.constant 0 : i32
        %dma_wait3A_312 = arith.constant 0 : i32
        %dma_wait3A_313 = arith.constant 0 : i32
        %dma_wait3A_314 = arith.constant 0 : i32
        %dma_wait3A_315 = tpu.memref_slice %arg8[%dma_wait3A_311, %dma_wait3A_313, %dma_wait3A_314] : memref<5x80x64xf32, #tpu.memory_space<vmem>> -> memref<1x80x64xf32, #tpu.memory_space<vmem>>
        %dma_wait3A_316 = tpu.memref_squeeze %dma_wait3A_315 : memref<1x80x64xf32, #tpu.memory_space<vmem>> -> memref<80x64xf32, #tpu.memory_space<vmem>>
        %dma_wait3A_317 = arith.constant 0 : i32
        %dma_wait3A_318 = tpu.memref_slice %arg7[%dma_wait3A_312, %dma_wait3A_317] : memref<250x80xi32, #tpu.memory_space<vmem>> -> memref<1x80xi32, #tpu.memory_space<vmem>>
        %dma_wait3A_319 = tpu.memref_squeeze %dma_wait3A_318 : memref<1x80xi32, #tpu.memory_space<vmem>> -> memref<80xi32, #tpu.memory_space<vmem>>
        %dma_wait3A_320 = arith.constant 0 : i32
        %dma_wait3A_321 = arith.constant 0 : i32
        %dma_wait3A_322 = tpu.memref_slice %arg9[%dma_wait3A_320, %dma_wait3A_321] : memref<10000x64xf32, #tpu.memory_space<vmem_shared>> -> memref<10000x64xf32, #tpu.memory_space<vmem_shared>>
        tpu.wait_indirect_dma semaphore(%arg15 : memref<!tpu.dma_semaphore, #tpu.memory_space<semaphore_mem>>) src(%dma_wait3A_316 : memref<80x64xf32, #tpu.memory_space<vmem>>) dst(%dma_wait3A_322 : memref<10000x64xf32, #tpu.memory_space<vmem_shared>>)
      } else {
      }
      %add3A_167 = arith.constant 5 : i32
      %add3A_168 = arith.addi %add3A_134, %add3A_167 : i32
      %sub3A_169 = arith.constant 1 : i32
      %sub3A_170 = arith.subi %add3A_168, %sub3A_169 : i32
      %lt3A_171 = arith.constant 250 : i32
      %lt3A_172 = arith.cmpi slt, %sub3A_170, %lt3A_171 : i32
      %convert_element_type3A_173 = arith.extui %lt3A_172 : i1 to i32
      %cond3A_174 = arith.constant 0 : i32
      %cond3A_175 = arith.cmpi ne, %convert_element_type3A_173, %cond3A_174 : i32
      scf.if %cond3A_175 {
        %add3A_311 = arith.constant 5 : i32
        %add3A_312 = arith.addi %add3A_134, %add3A_311 : i32
        %sub3A_313 = arith.constant 1 : i32
        %sub3A_314 = arith.subi %add3A_312, %sub3A_313 : i32
        %dma_start3A_315 = arith.constant 0 : i32
        %dma_start3A_316 = arith.constant 0 : i32
        %dma_start3A_317 = arith.constant 0 : i32
        %dma_start3A_318 = tpu.memref_slice %arg8[%dma_start3A_315, %dma_start3A_316, %dma_start3A_317] : memref<5x80x64xf32, #tpu.memory_space<vmem>> -> memref<1x80x64xf32, #tpu.memory_space<vmem>>
        %dma_start3A_319 = tpu.memref_squeeze %dma_start3A_318 : memref<1x80x64xf32, #tpu.memory_space<vmem>> -> memref<80x64xf32, #tpu.memory_space<vmem>>
        %dma_start3A_320 = arith.constant 0 : i32
        %dma_start3A_321 = tpu.memref_slice %arg6[%sub3A_314, %dma_start3A_320] : memref<250x80xi32, #tpu.memory_space<vmem>> -> memref<1x80xi32, #tpu.memory_space<vmem>>
        %dma_start3A_322 = tpu.memref_squeeze %dma_start3A_321 : memref<1x80xi32, #tpu.memory_space<vmem>> -> memref<80xi32, #tpu.memory_space<vmem>>
        %dma_start3A_323 = arith.constant 0 : i32
        %dma_start3A_324 = arith.constant 0 : i32
        %dma_start3A_325 = tpu.memref_slice %arg2[%arg0, %dma_start3A_323, %dma_start3A_324] : memref<2x10000x64xf32, #tpu.memory_space<hbm>> -> memref<1x10000x64xf32, #tpu.memory_space<hbm>>
        %dma_start3A_326 = tpu.memref_squeeze %dma_start3A_325 : memref<1x10000x64xf32, #tpu.memory_space<hbm>> -> memref<10000x64xf32, #tpu.memory_space<hbm>>
        %dma_start3A_327 = arith.constant 0 : i32
        %dma_start3A_328 = arith.constant 0 : i32
        %dma_start3A_329 = tpu.memref_slice %dma_start3A_326[%dma_start3A_327, %dma_start3A_328] : memref<10000x64xf32, #tpu.memory_space<hbm>> -> memref<10000x64xf32, #tpu.memory_space<hbm>>
        tpu.enqueue_indirect_dma source(%dma_start3A_329 : memref<10000x64xf32, #tpu.memory_space<hbm>>) target(%dma_start3A_319 : memref<80x64xf32, #tpu.memory_space<vmem>>) offsets(%dma_start3A_322 : memref<80xi32, #tpu.memory_space<vmem>>) semaphore(%arg10 : memref<!tpu.dma_semaphore, #tpu.memory_space<semaphore_mem>>)
      } else {
      }
      %mul3A_176 = arith.constant 5 : i32
      %mul3A_177 = arith.muli %scan3A_88, %mul3A_176 : i32
      %add3A_178 = arith.constant 2 : i32
      %add3A_179 = arith.addi %mul3A_177, %add3A_178 : i32
      %dma_wait3A_180 = arith.constant 0 : i32
      %dma_wait3A_181 = arith.constant 2 : i32
      %dma_wait3A_182 = arith.constant 0 : i32
      %dma_wait3A_183 = arith.constant 0 : i32
      %dma_wait3A_184 = tpu.memref_slice %arg8[%dma_wait3A_181, %dma_wait3A_182, %dma_wait3A_183] : memref<5x80x64xf32, #tpu.memory_space<vmem>> -> memref<1x80x64xf32, #tpu.memory_space<vmem>>
      %dma_wait3A_185 = tpu.memref_squeeze %dma_wait3A_184 : memref<1x80x64xf32, #tpu.memory_space<vmem>> -> memref<80x64xf32, #tpu.memory_space<vmem>>
      %dma_wait3A_186 = arith.constant 0 : i32
      %dma_wait3A_187 = tpu.memref_slice %arg6[%dma_wait3A_180, %dma_wait3A_186] : memref<250x80xi32, #tpu.memory_space<vmem>> -> memref<1x80xi32, #tpu.memory_space<vmem>>
      %dma_wait3A_188 = tpu.memref_squeeze %dma_wait3A_187 : memref<1x80xi32, #tpu.memory_space<vmem>> -> memref<80xi32, #tpu.memory_space<vmem>>
      %dma_wait3A_189 = arith.constant 0 : i32
      %dma_wait3A_190 = arith.constant 0 : i32
      %dma_wait3A_191 = tpu.memref_slice %arg2[%arg0, %dma_wait3A_189, %dma_wait3A_190] : memref<2x10000x64xf32, #tpu.memory_space<hbm>> -> memref<1x10000x64xf32, #tpu.memory_space<hbm>>
      %dma_wait3A_192 = tpu.memref_squeeze %dma_wait3A_191 : memref<1x10000x64xf32, #tpu.memory_space<hbm>> -> memref<10000x64xf32, #tpu.memory_space<hbm>>
      %dma_wait3A_193 = arith.constant 0 : i32
      %dma_wait3A_194 = arith.constant 0 : i32
      %dma_wait3A_195 = tpu.memref_slice %dma_wait3A_192[%dma_wait3A_193, %dma_wait3A_194] : memref<10000x64xf32, #tpu.memory_space<hbm>> -> memref<10000x64xf32, #tpu.memory_space<hbm>>
      tpu.wait_indirect_dma semaphore(%arg12 : memref<!tpu.dma_semaphore, #tpu.memory_space<semaphore_mem>>) src(%dma_wait3A_195 : memref<10000x64xf32, #tpu.memory_space<hbm>>) dst(%dma_wait3A_185 : memref<80x64xf32, #tpu.memory_space<vmem>>)
      %dma_start3A_196 = arith.constant 2 : i32
      %dma_start3A_197 = arith.constant 0 : i32
      %dma_start3A_198 = arith.constant 0 : i32
      %dma_start3A_199 = tpu.memref_slice %arg8[%dma_start3A_196, %dma_start3A_197, %dma_start3A_198] : memref<5x80x64xf32, #tpu.memory_space<vmem>> -> memref<1x80x64xf32, #tpu.memory_space<vmem>>
      %dma_start3A_200 = tpu.memref_squeeze %dma_start3A_199 : memref<1x80x64xf32, #tpu.memory_space<vmem>> -> memref<80x64xf32, #tpu.memory_space<vmem>>
      %dma_start3A_201 = arith.constant 0 : i32
      %dma_start3A_202 = tpu.memref_slice %arg7[%add3A_179, %dma_start3A_201] : memref<250x80xi32, #tpu.memory_space<vmem>> -> memref<1x80xi32, #tpu.memory_space<vmem>>
      %dma_start3A_203 = tpu.memref_squeeze %dma_start3A_202 : memref<1x80xi32, #tpu.memory_space<vmem>> -> memref<80xi32, #tpu.memory_space<vmem>>
      %dma_start3A_204 = arith.constant 0 : i32
      %dma_start3A_205 = arith.constant 0 : i32
      %dma_start3A_206 = tpu.memref_slice %arg9[%dma_start3A_204, %dma_start3A_205] : memref<10000x64xf32, #tpu.memory_space<vmem_shared>> -> memref<10000x64xf32, #tpu.memory_space<vmem_shared>>
      tpu.enqueue_indirect_dma source(%dma_start3A_200 : memref<80x64xf32, #tpu.memory_space<vmem>>) target(%dma_start3A_206 : memref<10000x64xf32, #tpu.memory_space<vmem_shared>>) offsets(%dma_start3A_203 : memref<80xi32, #tpu.memory_space<vmem>>) semaphore(%arg17 : memref<!tpu.dma_semaphore, #tpu.memory_space<semaphore_mem>>) {add = true}
      %gt3A_207 = arith.constant 0 : i32
      %gt3A_208 = arith.cmpi sgt, %add3A_179, %gt3A_207 : i32
      %convert_element_type3A_209 = arith.extui %gt3A_208 : i1 to i32
      %cond3A_210 = arith.constant 0 : i32
      %cond3A_211 = arith.cmpi ne, %convert_element_type3A_209, %cond3A_210 : i32
      scf.if %cond3A_211 {
        %dma_wait3A_311 = arith.constant 1 : i32
        %dma_wait3A_312 = arith.constant 0 : i32
        %dma_wait3A_313 = arith.constant 0 : i32
        %dma_wait3A_314 = arith.constant 0 : i32
        %dma_wait3A_315 = tpu.memref_slice %arg8[%dma_wait3A_311, %dma_wait3A_313, %dma_wait3A_314] : memref<5x80x64xf32, #tpu.memory_space<vmem>> -> memref<1x80x64xf32, #tpu.memory_space<vmem>>
        %dma_wait3A_316 = tpu.memref_squeeze %dma_wait3A_315 : memref<1x80x64xf32, #tpu.memory_space<vmem>> -> memref<80x64xf32, #tpu.memory_space<vmem>>
        %dma_wait3A_317 = arith.constant 0 : i32
        %dma_wait3A_318 = tpu.memref_slice %arg7[%dma_wait3A_312, %dma_wait3A_317] : memref<250x80xi32, #tpu.memory_space<vmem>> -> memref<1x80xi32, #tpu.memory_space<vmem>>
        %dma_wait3A_319 = tpu.memref_squeeze %dma_wait3A_318 : memref<1x80xi32, #tpu.memory_space<vmem>> -> memref<80xi32, #tpu.memory_space<vmem>>
        %dma_wait3A_320 = arith.constant 0 : i32
        %dma_wait3A_321 = arith.constant 0 : i32
        %dma_wait3A_322 = tpu.memref_slice %arg9[%dma_wait3A_320, %dma_wait3A_321] : memref<10000x64xf32, #tpu.memory_space<vmem_shared>> -> memref<10000x64xf32, #tpu.memory_space<vmem_shared>>
        tpu.wait_indirect_dma semaphore(%arg16 : memref<!tpu.dma_semaphore, #tpu.memory_space<semaphore_mem>>) src(%dma_wait3A_316 : memref<80x64xf32, #tpu.memory_space<vmem>>) dst(%dma_wait3A_322 : memref<10000x64xf32, #tpu.memory_space<vmem_shared>>)
      } else {
      }
      %add3A_212 = arith.constant 5 : i32
      %add3A_213 = arith.addi %add3A_179, %add3A_212 : i32
      %sub3A_214 = arith.constant 1 : i32
      %sub3A_215 = arith.subi %add3A_213, %sub3A_214 : i32
      %lt3A_216 = arith.constant 250 : i32
      %lt3A_217 = arith.cmpi slt, %sub3A_215, %lt3A_216 : i32
      %convert_element_type3A_218 = arith.extui %lt3A_217 : i1 to i32
      %cond3A_219 = arith.constant 0 : i32
      %cond3A_220 = arith.cmpi ne, %convert_element_type3A_218, %cond3A_219 : i32
      scf.if %cond3A_220 {
        %add3A_311 = arith.constant 5 : i32
        %add3A_312 = arith.addi %add3A_179, %add3A_311 : i32
        %sub3A_313 = arith.constant 1 : i32
        %sub3A_314 = arith.subi %add3A_312, %sub3A_313 : i32
        %dma_start3A_315 = arith.constant 1 : i32
        %dma_start3A_316 = arith.constant 0 : i32
        %dma_start3A_317 = arith.constant 0 : i32
        %dma_start3A_318 = tpu.memref_slice %arg8[%dma_start3A_315, %dma_start3A_316, %dma_start3A_317] : memref<5x80x64xf32, #tpu.memory_space<vmem>> -> memref<1x80x64xf32, #tpu.memory_space<vmem>>
        %dma_start3A_319 = tpu.memref_squeeze %dma_start3A_318 : memref<1x80x64xf32, #tpu.memory_space<vmem>> -> memref<80x64xf32, #tpu.memory_space<vmem>>
        %dma_start3A_320 = arith.constant 0 : i32
        %dma_start3A_321 = tpu.memref_slice %arg6[%sub3A_314, %dma_start3A_320] : memref<250x80xi32, #tpu.memory_space<vmem>> -> memref<1x80xi32, #tpu.memory_space<vmem>>
        %dma_start3A_322 = tpu.memref_squeeze %dma_start3A_321 : memref<1x80xi32, #tpu.memory_space<vmem>> -> memref<80xi32, #tpu.memory_space<vmem>>
        %dma_start3A_323 = arith.constant 0 : i32
        %dma_start3A_324 = arith.constant 0 : i32
        %dma_start3A_325 = tpu.memref_slice %arg2[%arg0, %dma_start3A_323, %dma_start3A_324] : memref<2x10000x64xf32, #tpu.memory_space<hbm>> -> memref<1x10000x64xf32, #tpu.memory_space<hbm>>
        %dma_start3A_326 = tpu.memref_squeeze %dma_start3A_325 : memref<1x10000x64xf32, #tpu.memory_space<hbm>> -> memref<10000x64xf32, #tpu.memory_space<hbm>>
        %dma_start3A_327 = arith.constant 0 : i32
        %dma_start3A_328 = arith.constant 0 : i32
        %dma_start3A_329 = tpu.memref_slice %dma_start3A_326[%dma_start3A_327, %dma_start3A_328] : memref<10000x64xf32, #tpu.memory_space<hbm>> -> memref<10000x64xf32, #tpu.memory_space<hbm>>
        tpu.enqueue_indirect_dma source(%dma_start3A_329 : memref<10000x64xf32, #tpu.memory_space<hbm>>) target(%dma_start3A_319 : memref<80x64xf32, #tpu.memory_space<vmem>>) offsets(%dma_start3A_322 : memref<80xi32, #tpu.memory_space<vmem>>) semaphore(%arg11 : memref<!tpu.dma_semaphore, #tpu.memory_space<semaphore_mem>>)
      } else {
      }
      %mul3A_221 = arith.constant 5 : i32
      %mul3A_222 = arith.muli %scan3A_88, %mul3A_221 : i32
      %add3A_223 = arith.constant 3 : i32
      %add3A_224 = arith.addi %mul3A_222, %add3A_223 : i32
      %dma_wait3A_225 = arith.constant 0 : i32
      %dma_wait3A_226 = arith.constant 3 : i32
      %dma_wait3A_227 = arith.constant 0 : i32
      %dma_wait3A_228 = arith.constant 0 : i32
      %dma_wait3A_229 = tpu.memref_slice %arg8[%dma_wait3A_226, %dma_wait3A_227, %dma_wait3A_228] : memref<5x80x64xf32, #tpu.memory_space<vmem>> -> memref<1x80x64xf32, #tpu.memory_space<vmem>>
      %dma_wait3A_230 = tpu.memref_squeeze %dma_wait3A_229 : memref<1x80x64xf32, #tpu.memory_space<vmem>> -> memref<80x64xf32, #tpu.memory_space<vmem>>
      %dma_wait3A_231 = arith.constant 0 : i32
      %dma_wait3A_232 = tpu.memref_slice %arg6[%dma_wait3A_225, %dma_wait3A_231] : memref<250x80xi32, #tpu.memory_space<vmem>> -> memref<1x80xi32, #tpu.memory_space<vmem>>
      %dma_wait3A_233 = tpu.memref_squeeze %dma_wait3A_232 : memref<1x80xi32, #tpu.memory_space<vmem>> -> memref<80xi32, #tpu.memory_space<vmem>>
      %dma_wait3A_234 = arith.constant 0 : i32
      %dma_wait3A_235 = arith.constant 0 : i32
      %dma_wait3A_236 = tpu.memref_slice %arg2[%arg0, %dma_wait3A_234, %dma_wait3A_235] : memref<2x10000x64xf32, #tpu.memory_space<hbm>> -> memref<1x10000x64xf32, #tpu.memory_space<hbm>>
      %dma_wait3A_237 = tpu.memref_squeeze %dma_wait3A_236 : memref<1x10000x64xf32, #tpu.memory_space<hbm>> -> memref<10000x64xf32, #tpu.memory_space<hbm>>
      %dma_wait3A_238 = arith.constant 0 : i32
      %dma_wait3A_239 = arith.constant 0 : i32
      %dma_wait3A_240 = tpu.memref_slice %dma_wait3A_237[%dma_wait3A_238, %dma_wait3A_239] : memref<10000x64xf32, #tpu.memory_space<hbm>> -> memref<10000x64xf32, #tpu.memory_space<hbm>>
      tpu.wait_indirect_dma semaphore(%arg13 : memref<!tpu.dma_semaphore, #tpu.memory_space<semaphore_mem>>) src(%dma_wait3A_240 : memref<10000x64xf32, #tpu.memory_space<hbm>>) dst(%dma_wait3A_230 : memref<80x64xf32, #tpu.memory_space<vmem>>)
      %dma_start3A_241 = arith.constant 3 : i32
      %dma_start3A_242 = arith.constant 0 : i32
      %dma_start3A_243 = arith.constant 0 : i32
      %dma_start3A_244 = tpu.memref_slice %arg8[%dma_start3A_241, %dma_start3A_242, %dma_start3A_243] : memref<5x80x64xf32, #tpu.memory_space<vmem>> -> memref<1x80x64xf32, #tpu.memory_space<vmem>>
      %dma_start3A_245 = tpu.memref_squeeze %dma_start3A_244 : memref<1x80x64xf32, #tpu.memory_space<vmem>> -> memref<80x64xf32, #tpu.memory_space<vmem>>
      %dma_start3A_246 = arith.constant 0 : i32
      %dma_start3A_247 = tpu.memref_slice %arg7[%add3A_224, %dma_start3A_246] : memref<250x80xi32, #tpu.memory_space<vmem>> -> memref<1x80xi32, #tpu.memory_space<vmem>>
      %dma_start3A_248 = tpu.memref_squeeze %dma_start3A_247 : memref<1x80xi32, #tpu.memory_space<vmem>> -> memref<80xi32, #tpu.memory_space<vmem>>
      %dma_start3A_249 = arith.constant 0 : i32
      %dma_start3A_250 = arith.constant 0 : i32
      %dma_start3A_251 = tpu.memref_slice %arg9[%dma_start3A_249, %dma_start3A_250] : memref<10000x64xf32, #tpu.memory_space<vmem_shared>> -> memref<10000x64xf32, #tpu.memory_space<vmem_shared>>
      tpu.enqueue_indirect_dma source(%dma_start3A_245 : memref<80x64xf32, #tpu.memory_space<vmem>>) target(%dma_start3A_251 : memref<10000x64xf32, #tpu.memory_space<vmem_shared>>) offsets(%dma_start3A_248 : memref<80xi32, #tpu.memory_space<vmem>>) semaphore(%arg18 : memref<!tpu.dma_semaphore, #tpu.memory_space<semaphore_mem>>) {add = true}
      %gt3A_252 = arith.constant 0 : i32
      %gt3A_253 = arith.cmpi sgt, %add3A_224, %gt3A_252 : i32
      %convert_element_type3A_254 = arith.extui %gt3A_253 : i1 to i32
      %cond3A_255 = arith.constant 0 : i32
      %cond3A_256 = arith.cmpi ne, %convert_element_type3A_254, %cond3A_255 : i32
      scf.if %cond3A_256 {
        %dma_wait3A_311 = arith.constant 2 : i32
        %dma_wait3A_312 = arith.constant 0 : i32
        %dma_wait3A_313 = arith.constant 0 : i32
        %dma_wait3A_314 = arith.constant 0 : i32
        %dma_wait3A_315 = tpu.memref_slice %arg8[%dma_wait3A_311, %dma_wait3A_313, %dma_wait3A_314] : memref<5x80x64xf32, #tpu.memory_space<vmem>> -> memref<1x80x64xf32, #tpu.memory_space<vmem>>
        %dma_wait3A_316 = tpu.memref_squeeze %dma_wait3A_315 : memref<1x80x64xf32, #tpu.memory_space<vmem>> -> memref<80x64xf32, #tpu.memory_space<vmem>>
        %dma_wait3A_317 = arith.constant 0 : i32
        %dma_wait3A_318 = tpu.memref_slice %arg7[%dma_wait3A_312, %dma_wait3A_317] : memref<250x80xi32, #tpu.memory_space<vmem>> -> memref<1x80xi32, #tpu.memory_space<vmem>>
        %dma_wait3A_319 = tpu.memref_squeeze %dma_wait3A_318 : memref<1x80xi32, #tpu.memory_space<vmem>> -> memref<80xi32, #tpu.memory_space<vmem>>
        %dma_wait3A_320 = arith.constant 0 : i32
        %dma_wait3A_321 = arith.constant 0 : i32
        %dma_wait3A_322 = tpu.memref_slice %arg9[%dma_wait3A_320, %dma_wait3A_321] : memref<10000x64xf32, #tpu.memory_space<vmem_shared>> -> memref<10000x64xf32, #tpu.memory_space<vmem_shared>>
        tpu.wait_indirect_dma semaphore(%arg17 : memref<!tpu.dma_semaphore, #tpu.memory_space<semaphore_mem>>) src(%dma_wait3A_316 : memref<80x64xf32, #tpu.memory_space<vmem>>) dst(%dma_wait3A_322 : memref<10000x64xf32, #tpu.memory_space<vmem_shared>>)
      } else {
      }
      %add3A_257 = arith.constant 5 : i32
      %add3A_258 = arith.addi %add3A_224, %add3A_257 : i32
      %sub3A_259 = arith.constant 1 : i32
      %sub3A_260 = arith.subi %add3A_258, %sub3A_259 : i32
      %lt3A_261 = arith.constant 250 : i32
      %lt3A_262 = arith.cmpi slt, %sub3A_260, %lt3A_261 : i32
      %convert_element_type3A_263 = arith.extui %lt3A_262 : i1 to i32
      %cond3A_264 = arith.constant 0 : i32
      %cond3A_265 = arith.cmpi ne, %convert_element_type3A_263, %cond3A_264 : i32
      scf.if %cond3A_265 {
        %add3A_311 = arith.constant 5 : i32
        %add3A_312 = arith.addi %add3A_224, %add3A_311 : i32
        %sub3A_313 = arith.constant 1 : i32
        %sub3A_314 = arith.subi %add3A_312, %sub3A_313 : i32
        %dma_start3A_315 = arith.constant 2 : i32
        %dma_start3A_316 = arith.constant 0 : i32
        %dma_start3A_317 = arith.constant 0 : i32
        %dma_start3A_318 = tpu.memref_slice %arg8[%dma_start3A_315, %dma_start3A_316, %dma_start3A_317] : memref<5x80x64xf32, #tpu.memory_space<vmem>> -> memref<1x80x64xf32, #tpu.memory_space<vmem>>
        %dma_start3A_319 = tpu.memref_squeeze %dma_start3A_318 : memref<1x80x64xf32, #tpu.memory_space<vmem>> -> memref<80x64xf32, #tpu.memory_space<vmem>>
        %dma_start3A_320 = arith.constant 0 : i32
        %dma_start3A_321 = tpu.memref_slice %arg6[%sub3A_314, %dma_start3A_320] : memref<250x80xi32, #tpu.memory_space<vmem>> -> memref<1x80xi32, #tpu.memory_space<vmem>>
        %dma_start3A_322 = tpu.memref_squeeze %dma_start3A_321 : memref<1x80xi32, #tpu.memory_space<vmem>> -> memref<80xi32, #tpu.memory_space<vmem>>
        %dma_start3A_323 = arith.constant 0 : i32
        %dma_start3A_324 = arith.constant 0 : i32
        %dma_start3A_325 = tpu.memref_slice %arg2[%arg0, %dma_start3A_323, %dma_start3A_324] : memref<2x10000x64xf32, #tpu.memory_space<hbm>> -> memref<1x10000x64xf32, #tpu.memory_space<hbm>>
        %dma_start3A_326 = tpu.memref_squeeze %dma_start3A_325 : memref<1x10000x64xf32, #tpu.memory_space<hbm>> -> memref<10000x64xf32, #tpu.memory_space<hbm>>
        %dma_start3A_327 = arith.constant 0 : i32
        %dma_start3A_328 = arith.constant 0 : i32
        %dma_start3A_329 = tpu.memref_slice %dma_start3A_326[%dma_start3A_327, %dma_start3A_328] : memref<10000x64xf32, #tpu.memory_space<hbm>> -> memref<10000x64xf32, #tpu.memory_space<hbm>>
        tpu.enqueue_indirect_dma source(%dma_start3A_329 : memref<10000x64xf32, #tpu.memory_space<hbm>>) target(%dma_start3A_319 : memref<80x64xf32, #tpu.memory_space<vmem>>) offsets(%dma_start3A_322 : memref<80xi32, #tpu.memory_space<vmem>>) semaphore(%arg12 : memref<!tpu.dma_semaphore, #tpu.memory_space<semaphore_mem>>)
      } else {
      }
      %mul3A_266 = arith.constant 5 : i32
      %mul3A_267 = arith.muli %scan3A_88, %mul3A_266 : i32
      %add3A_268 = arith.constant 4 : i32
      %add3A_269 = arith.addi %mul3A_267, %add3A_268 : i32
      %dma_wait3A_270 = arith.constant 0 : i32
      %dma_wait3A_271 = arith.constant 4 : i32
      %dma_wait3A_272 = arith.constant 0 : i32
      %dma_wait3A_273 = arith.constant 0 : i32
      %dma_wait3A_274 = tpu.memref_slice %arg8[%dma_wait3A_271, %dma_wait3A_272, %dma_wait3A_273] : memref<5x80x64xf32, #tpu.memory_space<vmem>> -> memref<1x80x64xf32, #tpu.memory_space<vmem>>
      %dma_wait3A_275 = tpu.memref_squeeze %dma_wait3A_274 : memref<1x80x64xf32, #tpu.memory_space<vmem>> -> memref<80x64xf32, #tpu.memory_space<vmem>>
      %dma_wait3A_276 = arith.constant 0 : i32
      %dma_wait3A_277 = tpu.memref_slice %arg6[%dma_wait3A_270, %dma_wait3A_276] : memref<250x80xi32, #tpu.memory_space<vmem>> -> memref<1x80xi32, #tpu.memory_space<vmem>>
      %dma_wait3A_278 = tpu.memref_squeeze %dma_wait3A_277 : memref<1x80xi32, #tpu.memory_space<vmem>> -> memref<80xi32, #tpu.memory_space<vmem>>
      %dma_wait3A_279 = arith.constant 0 : i32
      %dma_wait3A_280 = arith.constant 0 : i32
      %dma_wait3A_281 = tpu.memref_slice %arg2[%arg0, %dma_wait3A_279, %dma_wait3A_280] : memref<2x10000x64xf32, #tpu.memory_space<hbm>> -> memref<1x10000x64xf32, #tpu.memory_space<hbm>>
      %dma_wait3A_282 = tpu.memref_squeeze %dma_wait3A_281 : memref<1x10000x64xf32, #tpu.memory_space<hbm>> -> memref<10000x64xf32, #tpu.memory_space<hbm>>
      %dma_wait3A_283 = arith.constant 0 : i32
      %dma_wait3A_284 = arith.constant 0 : i32
      %dma_wait3A_285 = tpu.memref_slice %dma_wait3A_282[%dma_wait3A_283, %dma_wait3A_284] : memref<10000x64xf32, #tpu.memory_space<hbm>> -> memref<10000x64xf32, #tpu.memory_space<hbm>>
      tpu.wait_indirect_dma semaphore(%arg14 : memref<!tpu.dma_semaphore, #tpu.memory_space<semaphore_mem>>) src(%dma_wait3A_285 : memref<10000x64xf32, #tpu.memory_space<hbm>>) dst(%dma_wait3A_275 : memref<80x64xf32, #tpu.memory_space<vmem>>)
      %dma_start3A_286 = arith.constant 4 : i32
      %dma_start3A_287 = arith.constant 0 : i32
      %dma_start3A_288 = arith.constant 0 : i32
      %dma_start3A_289 = tpu.memref_slice %arg8[%dma_start3A_286, %dma_start3A_287, %dma_start3A_288] : memref<5x80x64xf32, #tpu.memory_space<vmem>> -> memref<1x80x64xf32, #tpu.memory_space<vmem>>
      %dma_start3A_290 = tpu.memref_squeeze %dma_start3A_289 : memref<1x80x64xf32, #tpu.memory_space<vmem>> -> memref<80x64xf32, #tpu.memory_space<vmem>>
      %dma_start3A_291 = arith.constant 0 : i32
      %dma_start3A_292 = tpu.memref_slice %arg7[%add3A_269, %dma_start3A_291] : memref<250x80xi32, #tpu.memory_space<vmem>> -> memref<1x80xi32, #tpu.memory_space<vmem>>
      %dma_start3A_293 = tpu.memref_squeeze %dma_start3A_292 : memref<1x80xi32, #tpu.memory_space<vmem>> -> memref<80xi32, #tpu.memory_space<vmem>>
      %dma_start3A_294 = arith.constant 0 : i32
      %dma_start3A_295 = arith.constant 0 : i32
      %dma_start3A_296 = tpu.memref_slice %arg9[%dma_start3A_294, %dma_start3A_295] : memref<10000x64xf32, #tpu.memory_space<vmem_shared>> -> memref<10000x64xf32, #tpu.memory_space<vmem_shared>>
      tpu.enqueue_indirect_dma source(%dma_start3A_290 : memref<80x64xf32, #tpu.memory_space<vmem>>) target(%dma_start3A_296 : memref<10000x64xf32, #tpu.memory_space<vmem_shared>>) offsets(%dma_start3A_293 : memref<80xi32, #tpu.memory_space<vmem>>) semaphore(%arg19 : memref<!tpu.dma_semaphore, #tpu.memory_space<semaphore_mem>>) {add = true}
      %gt3A_297 = arith.constant 0 : i32
      %gt3A_298 = arith.cmpi sgt, %add3A_269, %gt3A_297 : i32
      %convert_element_type3A_299 = arith.extui %gt3A_298 : i1 to i32
      %cond3A_300 = arith.constant 0 : i32
      %cond3A_301 = arith.cmpi ne, %convert_element_type3A_299, %cond3A_300 : i32
      scf.if %cond3A_301 {
        %dma_wait3A_311 = arith.constant 3 : i32
        %dma_wait3A_312 = arith.constant 0 : i32
        %dma_wait3A_313 = arith.constant 0 : i32
        %dma_wait3A_314 = arith.constant 0 : i32
        %dma_wait3A_315 = tpu.memref_slice %arg8[%dma_wait3A_311, %dma_wait3A_313, %dma_wait3A_314] : memref<5x80x64xf32, #tpu.memory_space<vmem>> -> memref<1x80x64xf32, #tpu.memory_space<vmem>>
        %dma_wait3A_316 = tpu.memref_squeeze %dma_wait3A_315 : memref<1x80x64xf32, #tpu.memory_space<vmem>> -> memref<80x64xf32, #tpu.memory_space<vmem>>
        %dma_wait3A_317 = arith.constant 0 : i32
        %dma_wait3A_318 = tpu.memref_slice %arg7[%dma_wait3A_312, %dma_wait3A_317] : memref<250x80xi32, #tpu.memory_space<vmem>> -> memref<1x80xi32, #tpu.memory_space<vmem>>
        %dma_wait3A_319 = tpu.memref_squeeze %dma_wait3A_318 : memref<1x80xi32, #tpu.memory_space<vmem>> -> memref<80xi32, #tpu.memory_space<vmem>>
        %dma_wait3A_320 = arith.constant 0 : i32
        %dma_wait3A_321 = arith.constant 0 : i32
        %dma_wait3A_322 = tpu.memref_slice %arg9[%dma_wait3A_320, %dma_wait3A_321] : memref<10000x64xf32, #tpu.memory_space<vmem_shared>> -> memref<10000x64xf32, #tpu.memory_space<vmem_shared>>
        tpu.wait_indirect_dma semaphore(%arg18 : memref<!tpu.dma_semaphore, #tpu.memory_space<semaphore_mem>>) src(%dma_wait3A_316 : memref<80x64xf32, #tpu.memory_space<vmem>>) dst(%dma_wait3A_322 : memref<10000x64xf32, #tpu.memory_space<vmem_shared>>)
      } else {
      }
      %add3A_302 = arith.constant 5 : i32
      %add3A_303 = arith.addi %add3A_269, %add3A_302 : i32
      %sub3A_304 = arith.constant 1 : i32
      %sub3A_305 = arith.subi %add3A_303, %sub3A_304 : i32
      %lt3A_306 = arith.constant 250 : i32
      %lt3A_307 = arith.cmpi slt, %sub3A_305, %lt3A_306 : i32
      %convert_element_type3A_308 = arith.extui %lt3A_307 : i1 to i32
      %cond3A_309 = arith.constant 0 : i32
      %cond3A_310 = arith.cmpi ne, %convert_element_type3A_308, %cond3A_309 : i32
      scf.if %cond3A_310 {
        %add3A_311 = arith.constant 5 : i32
        %add3A_312 = arith.addi %add3A_269, %add3A_311 : i32
        %sub3A_313 = arith.constant 1 : i32
        %sub3A_314 = arith.subi %add3A_312, %sub3A_313 : i32
        %dma_start3A_315 = arith.constant 3 : i32
        %dma_start3A_316 = arith.constant 0 : i32
        %dma_start3A_317 = arith.constant 0 : i32
        %dma_start3A_318 = tpu.memref_slice %arg8[%dma_start3A_315, %dma_start3A_316, %dma_start3A_317] : memref<5x80x64xf32, #tpu.memory_space<vmem>> -> memref<1x80x64xf32, #tpu.memory_space<vmem>>
        %dma_start3A_319 = tpu.memref_squeeze %dma_start3A_318 : memref<1x80x64xf32, #tpu.memory_space<vmem>> -> memref<80x64xf32, #tpu.memory_space<vmem>>
        %dma_start3A_320 = arith.constant 0 : i32
        %dma_start3A_321 = tpu.memref_slice %arg6[%sub3A_314, %dma_start3A_320] : memref<250x80xi32, #tpu.memory_space<vmem>> -> memref<1x80xi32, #tpu.memory_space<vmem>>
        %dma_start3A_322 = tpu.memref_squeeze %dma_start3A_321 : memref<1x80xi32, #tpu.memory_space<vmem>> -> memref<80xi32, #tpu.memory_space<vmem>>
        %dma_start3A_323 = arith.constant 0 : i32
        %dma_start3A_324 = arith.constant 0 : i32
        %dma_start3A_325 = tpu.memref_slice %arg2[%arg0, %dma_start3A_323, %dma_start3A_324] : memref<2x10000x64xf32, #tpu.memory_space<hbm>> -> memref<1x10000x64xf32, #tpu.memory_space<hbm>>
        %dma_start3A_326 = tpu.memref_squeeze %dma_start3A_325 : memref<1x10000x64xf32, #tpu.memory_space<hbm>> -> memref<10000x64xf32, #tpu.memory_space<hbm>>
        %dma_start3A_327 = arith.constant 0 : i32
        %dma_start3A_328 = arith.constant 0 : i32
        %dma_start3A_329 = tpu.memref_slice %dma_start3A_326[%dma_start3A_327, %dma_start3A_328] : memref<10000x64xf32, #tpu.memory_space<hbm>> -> memref<10000x64xf32, #tpu.memory_space<hbm>>
        tpu.enqueue_indirect_dma source(%dma_start3A_329 : memref<10000x64xf32, #tpu.memory_space<hbm>>) target(%dma_start3A_319 : memref<80x64xf32, #tpu.memory_space<vmem>>) offsets(%dma_start3A_322 : memref<80xi32, #tpu.memory_space<vmem>>) semaphore(%arg13 : memref<!tpu.dma_semaphore, #tpu.memory_space<semaphore_mem>>)
      } else {
      }
    }
    %scan3A_70 = arith.constant 50 : i32
    %dma_wait3A = arith.constant 4 : i32
    %dma_wait3A_71 = arith.constant 0 : i32
    %dma_wait3A_72 = arith.constant 0 : i32
    %dma_wait3A_73 = arith.constant 0 : i32
    %dma_wait3A_74 = tpu.memref_slice %arg8[%dma_wait3A, %dma_wait3A_72, %dma_wait3A_73] : memref<5x80x64xf32, #tpu.memory_space<vmem>> -> memref<1x80x64xf32, #tpu.memory_space<vmem>>
    %dma_wait3A_75 = tpu.memref_squeeze %dma_wait3A_74 : memref<1x80x64xf32, #tpu.memory_space<vmem>> -> memref<80x64xf32, #tpu.memory_space<vmem>>
    %dma_wait3A_76 = arith.constant 0 : i32
    %dma_wait3A_77 = tpu.memref_slice %arg7[%dma_wait3A_71, %dma_wait3A_76] : memref<250x80xi32, #tpu.memory_space<vmem>> -> memref<1x80xi32, #tpu.memory_space<vmem>>
    %dma_wait3A_78 = tpu.memref_squeeze %dma_wait3A_77 : memref<1x80xi32, #tpu.memory_space<vmem>> -> memref<80xi32, #tpu.memory_space<vmem>>
    %dma_wait3A_79 = arith.constant 0 : i32
    %dma_wait3A_80 = arith.constant 0 : i32
    %dma_wait3A_81 = tpu.memref_slice %arg9[%dma_wait3A_79, %dma_wait3A_80] : memref<10000x64xf32, #tpu.memory_space<vmem_shared>> -> memref<10000x64xf32, #tpu.memory_space<vmem_shared>>
    tpu.wait_indirect_dma semaphore(%arg19 : memref<!tpu.dma_semaphore, #tpu.memory_space<semaphore_mem>>) src(%dma_wait3A_75 : memref<80x64xf32, #tpu.memory_space<vmem>>) dst(%dma_wait3A_81 : memref<10000x64xf32, #tpu.memory_space<vmem_shared>>)
    %barrier3A_82 = arith.constant 0 : index
    tpu.barrier barrier_id(%barrier3A_82)
    %lt3A_83 = arith.constant 10 : i32
    %lt3A_84 = arith.cmpi slt, %arg1, %lt3A_83 : i32
    %convert_element_type3A_85 = arith.extui %lt3A_84 : i1 to i32
    %cond3A_86 = arith.constant 0 : i32
    %cond3A_87 = arith.cmpi ne, %convert_element_type3A_85, %cond3A_86 : i32
    scf.if %cond3A_87 {
      "tpu.region"() ({
        %run_scoped3A = tpu.sem_alloc : memref<!tpu.dma_semaphore, #tpu.memory_space<semaphore_mem>>
        %dma_start3A_88 = arith.constant 0 : i32
        %dma_start3A_89 = tpu.memref_slice %arg5[%arg0, %mul3A_0, %dma_start3A_88] : memref<2x10000x64xf32, #tpu.memory_space<hbm>> -> memref<1x1000x64xf32, #tpu.memory_space<hbm>>
        %dma_start3A_90 = tpu.memref_squeeze %dma_start3A_89 : memref<1x1000x64xf32, #tpu.memory_space<hbm>> -> memref<1000x64xf32, #tpu.memory_space<hbm>>
        %dma_start3A_91 = arith.constant 0 : i32
        %dma_start3A_92 = tpu.memref_slice %arg9[%mul3A_0, %dma_start3A_91] : memref<10000x64xf32, #tpu.memory_space<vmem_shared>> -> memref<1000x64xf32, #tpu.memory_space<vmem_shared>>
        tpu.enqueue_dma source(%dma_start3A_92 : memref<1000x64xf32, #tpu.memory_space<vmem_shared>>) target(%dma_start3A_90 : memref<1000x64xf32, #tpu.memory_space<hbm>>) target_semaphore(%run_scoped3A : memref<!tpu.dma_semaphore, #tpu.memory_space<semaphore_mem>>)
        %dma_wait3A_93 = arith.constant 0 : i32
        %dma_wait3A_94 = tpu.memref_slice %arg5[%arg0, %mul3A_0, %dma_wait3A_93] : memref<2x10000x64xf32, #tpu.memory_space<hbm>> -> memref<1x1000x64xf32, #tpu.memory_space<hbm>>
        %dma_wait3A_95 = tpu.memref_squeeze %dma_wait3A_94 : memref<1x1000x64xf32, #tpu.memory_space<hbm>> -> memref<1000x64xf32, #tpu.memory_space<hbm>>
        %dma_wait3A_96 = arith.constant 0 : i32
        %dma_wait3A_97 = tpu.memref_slice %arg9[%mul3A_0, %dma_wait3A_96] : memref<10000x64xf32, #tpu.memory_space<vmem_shared>> -> memref<1000x64xf32, #tpu.memory_space<vmem_shared>>
        tpu.wait_dma2 semaphore(%run_scoped3A : memref<!tpu.dma_semaphore, #tpu.memory_space<semaphore_mem>>) src(%dma_wait3A_97 : memref<1000x64xf32, #tpu.memory_space<vmem_shared>>) dst(%dma_wait3A_95 : memref<1000x64xf32, #tpu.memory_space<hbm>>)
        tpu.yield
      }) : () -> ()
    } else {
    }
    return
  }
}

module attributes {stable_mosaic.version = 14 : i64} {
  func.func @_tc1_body(%arg0: i32, %arg1: memref<2000x128xf32, #tpu.memory_space<vmem>>, %arg2: memref<128x128xf32, #tpu.memory_space<vmem>>, %arg3: memref<2x2000x1xf32, #tpu.memory_space<vmem>>, %arg4: memref<2x2000x64xf32, #tpu.memory_space<vmem>>, %arg5: memref<2000x1xf32, #tpu.memory_space<vmem>>) attributes {dimension_semantics = [#tpu.dimension_semantics<arbitrary>], iteration_bounds = array<i64: 5>, scalar_prefetch = 0 : i64, scratch_operands = 0 : i64, tpu.core_type = #tpu.core_type<tc>, window_params = [{transform_indices = @transform_0, window_bounds = array<i64: 2000, 128>}, {pipeline_mode = #tpu.pipeline_mode<synchronous>, transform_indices = @transform_1, window_bounds = array<i64: 128, 128>}, {transform_indices = @transform_2, window_bounds = array<i64: 2, 2000, 1>}, {transform_indices = @transform_3, window_bounds = array<i64: 2, 2000, 64>}, {transform_indices = @transform_4, window_bounds = array<i64: 2000, 1>}]} {
    %get3A = arith.constant 0 : index
    %get3A_0 = arith.constant 0 : index
    %get3A_1 = vector.load %arg1[%get3A, %get3A_0] : memref<2000x128xf32, #tpu.memory_space<vmem>>, vector<2000x128xf32>
    %get3A_2 = arith.constant 0 : index
    %get3A_3 = arith.constant 0 : index
    %get3A_4 = arith.constant 0 : index
    %get3A_5 = vector.load %arg3[%get3A_2, %get3A_3, %get3A_4] : memref<2x2000x1xf32, #tpu.memory_space<vmem>>, vector<1x2000x1xf32>
    %get3A_6 = vector.shape_cast %get3A_5 : vector<1x2000x1xf32> to vector<2000x1xf32>
    %get3A_7 = arith.constant 1 : index
    %get3A_8 = arith.constant 0 : index
    %get3A_9 = arith.constant 0 : index
    %get3A_10 = vector.load %arg3[%get3A_7, %get3A_8, %get3A_9] : memref<2x2000x1xf32, #tpu.memory_space<vmem>>, vector<1x2000x1xf32>
    %get3A_11 = vector.shape_cast %get3A_10 : vector<1x2000x1xf32> to vector<2000x1xf32>
    %add3A = arith.addf %get3A_6, %get3A_11 : vector<2000x1xf32>
    %rsqrt3A = math.rsqrt %add3A : vector<2000x1xf32>
    %swap3A = arith.constant 0 : index
    %swap3A_12 = arith.constant 0 : index
    %swap3A_13 = vector.load %arg5[%swap3A, %swap3A_12] : memref<2000x1xf32, #tpu.memory_space<vmem>>, vector<2000x1xf32>
    tpu.vector_store %arg5[%swap3A, %swap3A_12], %rsqrt3A {strides = array<i32>} : memref<2000x1xf32, #tpu.memory_space<vmem>>, vector<2000x1xf32>,
    %get3A_14 = arith.constant 0 : index
    %get3A_15 = arith.constant 0 : index
    %get3A_16 = vector.load %arg2[%get3A_14, %get3A_15] : memref<128x128xf32, #tpu.memory_space<vmem>>, vector<128x64xf32>
    %dot_general3A = arith.constant dense<0.000000e+00> : vector<2000x64xf32>
    %dot_general3A_17 = tpu.matmul %get3A_1, %get3A_16, %dot_general3A {dimension_numbers = #tpu.dot_dimension_numbers<[1], [0], [0], [1], [0, 0, 1, 1], [], []>, precision = #tpu.contract_precision<fp32>, transpose_lhs_hint = false} : vector<2000x128xf32>, vector<128x64xf32>, vector<2000x64xf32> -> vector<2000x64xf32>
    %mul3A = vector.broadcast %rsqrt3A : vector<2000x1xf32> to vector<2000x64xf32>
    %mul3A_18 = arith.mulf %dot_general3A_17, %mul3A : vector<2000x64xf32>
    %swap3A_19 = arith.constant 0 : index
    %swap3A_20 = arith.constant 0 : index
    %swap3A_21 = arith.constant 0 : index
    %swap3A_22 = vector.load %arg4[%swap3A_19, %swap3A_20, %swap3A_21] : memref<2x2000x64xf32, #tpu.memory_space<vmem>>, vector<1x2000x64xf32>
    %swap3A_23 = vector.shape_cast %swap3A_22 : vector<1x2000x64xf32> to vector<2000x64xf32>
    %swap3A_24 = vector.shape_cast %mul3A_18 : vector<2000x64xf32> to vector<1x2000x64xf32>
    tpu.vector_store %arg4[%swap3A_19, %swap3A_20, %swap3A_21], %swap3A_24 {strides = array<i32>} : memref<2x2000x64xf32, #tpu.memory_space<vmem>>, vector<1x2000x64xf32>,
    %get3A_25 = arith.constant 0 : index
    %get3A_26 = arith.constant 64 : index
    %get3A_27 = vector.load %arg2[%get3A_25, %get3A_26] : memref<128x128xf32, #tpu.memory_space<vmem>>, vector<128x64xf32>
    %dot_general3A_28 = arith.constant dense<0.000000e+00> : vector<2000x64xf32>
    %dot_general3A_29 = tpu.matmul %get3A_1, %get3A_27, %dot_general3A_28 {dimension_numbers = #tpu.dot_dimension_numbers<[1], [0], [0], [1], [0, 0, 1, 1], [], []>, precision = #tpu.contract_precision<fp32>, transpose_lhs_hint = false} : vector<2000x128xf32>, vector<128x64xf32>, vector<2000x64xf32> -> vector<2000x64xf32>
    %mul3A_30 = vector.broadcast %rsqrt3A : vector<2000x1xf32> to vector<2000x64xf32>
    %mul3A_31 = arith.mulf %dot_general3A_29, %mul3A_30 : vector<2000x64xf32>
    %swap3A_32 = arith.constant 1 : index
    %swap3A_33 = arith.constant 0 : index
    %swap3A_34 = arith.constant 0 : index
    %swap3A_35 = vector.load %arg4[%swap3A_32, %swap3A_33, %swap3A_34] : memref<2x2000x64xf32, #tpu.memory_space<vmem>>, vector<1x2000x64xf32>
    %swap3A_36 = vector.shape_cast %swap3A_35 : vector<1x2000x64xf32> to vector<2000x64xf32>
    %swap3A_37 = vector.shape_cast %mul3A_31 : vector<2000x64xf32> to vector<1x2000x64xf32>
    tpu.vector_store %arg4[%swap3A_32, %swap3A_33, %swap3A_34], %swap3A_37 {strides = array<i32>} : memref<2x2000x64xf32, #tpu.memory_space<vmem>>, vector<1x2000x64xf32>,
    return
  }
  func.func @transform_0(%arg0: i32) -> (i32, i32) {
    %c0_i32 = arith.constant 0 : i32
    %c0_i32_0 = arith.constant 0 : i32
    return %arg0, %c0_i32 : i32, i32
  }
  func.func @transform_1(%arg0: i32) -> (i32, i32) {
    %c0_i32 = arith.constant 0 : i32
    %c0_i32_0 = arith.constant 0 : i32
    %c0_i32_1 = arith.constant 0 : i32
    return %c0_i32, %c0_i32_0 : i32, i32
  }
  func.func @transform_2(%arg0: i32) -> (i32, i32, i32) {
    %c0_i32 = arith.constant 0 : i32
    %c0_i32_0 = arith.constant 0 : i32
    %c0_i32_1 = arith.constant 0 : i32
    return %c0_i32, %arg0, %c0_i32_0 : i32, i32, i32
  }
  func.func @transform_3(%arg0: i32) -> (i32, i32, i32) {
    %c0_i32 = arith.constant 0 : i32
    %c0_i32_0 = arith.constant 0 : i32
    %c0_i32_1 = arith.constant 0 : i32
    return %c0_i32, %arg0, %c0_i32_0 : i32, i32, i32
  }
  func.func @transform_4(%arg0: i32) -> (i32, i32) {
    %c0_i32 = arith.constant 0 : i32
    %c0_i32_0 = arith.constant 0 : i32
    return %arg0, %c0_i32 : i32, i32
  }
}

module attributes {stable_mosaic.version = 14 : i64} {
  func.func @_tc2_body(%arg0: i32, %arg1: memref<2x2000x64xf32, #tpu.memory_space<vmem>>, %arg2: memref<2000x1xf32, #tpu.memory_space<vmem>>, %arg3: memref<1x128xf32, #tpu.memory_space<vmem>>, %arg4: memref<1x128xf32, #tpu.memory_space<vmem>>, %arg5: memref<1x128xf32, #tpu.memory_space<vmem>>, %arg6: memref<128x64xf32, #tpu.memory_space<vmem>>, %arg7: memref<2x2000x32xf32, #tpu.memory_space<vmem>>) attributes {dimension_semantics = [#tpu.dimension_semantics<arbitrary>], iteration_bounds = array<i64: 5>, scalar_prefetch = 0 : i64, scratch_operands = 0 : i64, tpu.core_type = #tpu.core_type<tc>, window_params = [{transform_indices = @transform_0, window_bounds = array<i64: 2, 2000, 64>}, {transform_indices = @transform_1, window_bounds = array<i64: 2000, 1>}, {pipeline_mode = #tpu.pipeline_mode<synchronous>, transform_indices = @transform_2, window_bounds = array<i64: 1, 128>}, {pipeline_mode = #tpu.pipeline_mode<synchronous>, transform_indices = @transform_3, window_bounds = array<i64: 1, 128>}, {pipeline_mode = #tpu.pipeline_mode<synchronous>, transform_indices = @transform_4, window_bounds = array<i64: 1, 128>}, {pipeline_mode = #tpu.pipeline_mode<synchronous>, transform_indices = @transform_5, window_bounds = array<i64: 128, 64>}, {transform_indices = @transform_6, window_bounds = array<i64: 2, 2000, 32>}]} {
    %get3A = arith.constant 0 : index
    %get3A_0 = arith.constant 0 : index
    %get3A_1 = vector.load %arg2[%get3A, %get3A_0] : memref<2000x1xf32, #tpu.memory_space<vmem>>, vector<2000x1xf32>
    %get3A_2 = arith.constant 0 : index
    %get3A_3 = arith.constant 0 : index
    %get3A_4 = arith.constant 0 : index
    %get3A_5 = vector.load %arg1[%get3A_2, %get3A_3, %get3A_4] : memref<2x2000x64xf32, #tpu.memory_space<vmem>>, vector<1x2000x64xf32>
    %get3A_6 = vector.shape_cast %get3A_5 : vector<1x2000x64xf32> to vector<2000x64xf32>
    %mul3A = vector.broadcast %get3A_1 : vector<2000x1xf32> to vector<2000x64xf32>
    %mul3A_7 = arith.mulf %get3A_6, %mul3A : vector<2000x64xf32>
    %get3A_8 = arith.constant 0 : index
    %get3A_9 = arith.constant 0 : index
    %get3A_10 = vector.load %arg3[%get3A_8, %get3A_9] : memref<1x128xf32, #tpu.memory_space<vmem>>, vector<1x64xf32>
    %add3A = vector.broadcast %get3A_10 : vector<1x64xf32> to vector<2000x64xf32>
    %add3A_11 = arith.addf %mul3A_7, %add3A : vector<2000x64xf32>
    %get3A_12 = arith.constant 1 : index
    %get3A_13 = arith.constant 0 : index
    %get3A_14 = arith.constant 0 : index
    %get3A_15 = vector.load %arg1[%get3A_12, %get3A_13, %get3A_14] : memref<2x2000x64xf32, #tpu.memory_space<vmem>>, vector<1x2000x64xf32>
    %get3A_16 = vector.shape_cast %get3A_15 : vector<1x2000x64xf32> to vector<2000x64xf32>
    %mul3A_17 = vector.broadcast %get3A_1 : vector<2000x1xf32> to vector<2000x64xf32>
    %mul3A_18 = arith.mulf %get3A_16, %mul3A_17 : vector<2000x64xf32>
    %get3A_19 = arith.constant 0 : index
    %get3A_20 = arith.constant 64 : index
    %get3A_21 = vector.load %arg3[%get3A_19, %get3A_20] : memref<1x128xf32, #tpu.memory_space<vmem>>, vector<1x64xf32>
    %add3A_22 = vector.broadcast %get3A_21 : vector<1x64xf32> to vector<2000x64xf32>
    %add3A_23 = arith.addf %mul3A_18, %add3A_22 : vector<2000x64xf32>
    %reduce_sum3A = arith.constant dense<0.000000e+00> : vector<2000xf32>
    %reduce_sum3A_24 = vector.multi_reduction <add>, %add3A_11, %reduce_sum3A [1] : vector<2000x64xf32> to vector<2000xf32>
    %broadcast_in_dim3A = vector.shape_cast %reduce_sum3A_24 : vector<2000xf32> to vector<2000x1xf32>
    %reduce_sum3A_25 = arith.constant dense<0.000000e+00> : vector<2000xf32>
    %reduce_sum3A_26 = vector.multi_reduction <add>, %add3A_23, %reduce_sum3A_25 [1] : vector<2000x64xf32> to vector<2000xf32>
    %broadcast_in_dim3A_27 = vector.shape_cast %reduce_sum3A_26 : vector<2000xf32> to vector<2000x1xf32>
    %add3A_28 = arith.addf %broadcast_in_dim3A, %broadcast_in_dim3A_27 : vector<2000x1xf32>
    %mul3A_29 = arith.constant 7.812500e-03 : f32
    %mul3A_30 = vector.broadcast %mul3A_29 : f32 to vector<2000x1xf32>
    %mul3A_31 = arith.mulf %add3A_28, %mul3A_30 : vector<2000x1xf32>
    %sub3A = vector.broadcast %mul3A_31 : vector<2000x1xf32> to vector<2000x64xf32>
    %sub3A_32 = arith.subf %add3A_11, %sub3A : vector<2000x64xf32>
    %sub3A_33 = vector.broadcast %mul3A_31 : vector<2000x1xf32> to vector<2000x64xf32>
    %sub3A_34 = arith.subf %add3A_23, %sub3A_33 : vector<2000x64xf32>
    %mul3A_35 = arith.mulf %sub3A_32, %sub3A_32 : vector<2000x64xf32>
    %reduce_sum3A_36 = arith.constant dense<0.000000e+00> : vector<2000xf32>
    %reduce_sum3A_37 = vector.multi_reduction <add>, %mul3A_35, %reduce_sum3A_36 [1] : vector<2000x64xf32> to vector<2000xf32>
    %broadcast_in_dim3A_38 = vector.shape_cast %reduce_sum3A_37 : vector<2000xf32> to vector<2000x1xf32>
    %mul3A_39 = arith.mulf %sub3A_34, %sub3A_34 : vector<2000x64xf32>
    %reduce_sum3A_40 = arith.constant dense<0.000000e+00> : vector<2000xf32>
    %reduce_sum3A_41 = vector.multi_reduction <add>, %mul3A_39, %reduce_sum3A_40 [1] : vector<2000x64xf32> to vector<2000xf32>
    %broadcast_in_dim3A_42 = vector.shape_cast %reduce_sum3A_41 : vector<2000xf32> to vector<2000x1xf32>
    %add3A_43 = arith.addf %broadcast_in_dim3A_38, %broadcast_in_dim3A_42 : vector<2000x1xf32>
    %mul3A_44 = arith.constant 7.812500e-03 : f32
    %mul3A_45 = vector.broadcast %mul3A_44 : f32 to vector<2000x1xf32>
    %mul3A_46 = arith.mulf %add3A_43, %mul3A_45 : vector<2000x1xf32>
    %add3A_47 = arith.constant 9.99999974E-6 : f32
    %add3A_48 = vector.broadcast %add3A_47 : f32 to vector<2000x1xf32>
    %add3A_49 = arith.addf %mul3A_46, %add3A_48 : vector<2000x1xf32>
    %rsqrt3A = math.rsqrt %add3A_49 : vector<2000x1xf32>
    %mul3A_50 = vector.broadcast %rsqrt3A : vector<2000x1xf32> to vector<2000x64xf32>
    %mul3A_51 = arith.mulf %sub3A_32, %mul3A_50 : vector<2000x64xf32>
    %get3A_52 = arith.constant 0 : index
    %get3A_53 = arith.constant 0 : index
    %get3A_54 = vector.load %arg4[%get3A_52, %get3A_53] : memref<1x128xf32, #tpu.memory_space<vmem>>, vector<1x64xf32>
    %mul3A_55 = vector.broadcast %get3A_54 : vector<1x64xf32> to vector<2000x64xf32>
    %mul3A_56 = arith.mulf %mul3A_51, %mul3A_55 : vector<2000x64xf32>
    %get3A_57 = arith.constant 0 : index
    %get3A_58 = arith.constant 0 : index
    %get3A_59 = vector.load %arg5[%get3A_57, %get3A_58] : memref<1x128xf32, #tpu.memory_space<vmem>>, vector<1x64xf32>
    %add3A_60 = vector.broadcast %get3A_59 : vector<1x64xf32> to vector<2000x64xf32>
    %add3A_61 = arith.addf %mul3A_56, %add3A_60 : vector<2000x64xf32>
    %max3A = arith.constant 0.000000e+00 : f32
    %max3A_62 = vector.broadcast %max3A : f32 to vector<2000x64xf32>
    %max3A_63 = arith.maximumf %add3A_61, %max3A_62 : vector<2000x64xf32>
    %mul3A_64 = vector.broadcast %rsqrt3A : vector<2000x1xf32> to vector<2000x64xf32>
    %mul3A_65 = arith.mulf %sub3A_34, %mul3A_64 : vector<2000x64xf32>
    %get3A_66 = arith.constant 0 : index
    %get3A_67 = arith.constant 64 : index
    %get3A_68 = vector.load %arg4[%get3A_66, %get3A_67] : memref<1x128xf32, #tpu.memory_space<vmem>>, vector<1x64xf32>
    %mul3A_69 = vector.broadcast %get3A_68 : vector<1x64xf32> to vector<2000x64xf32>
    %mul3A_70 = arith.mulf %mul3A_65, %mul3A_69 : vector<2000x64xf32>
    %get3A_71 = arith.constant 0 : index
    %get3A_72 = arith.constant 64 : index
    %get3A_73 = vector.load %arg5[%get3A_71, %get3A_72] : memref<1x128xf32, #tpu.memory_space<vmem>>, vector<1x64xf32>
    %add3A_74 = vector.broadcast %get3A_73 : vector<1x64xf32> to vector<2000x64xf32>
    %add3A_75 = arith.addf %mul3A_70, %add3A_74 : vector<2000x64xf32>
    %max3A_76 = arith.constant 0.000000e+00 : f32
    %max3A_77 = vector.broadcast %max3A_76 : f32 to vector<2000x64xf32>
    %max3A_78 = arith.maximumf %add3A_75, %max3A_77 : vector<2000x64xf32>
    %get3A_79 = arith.constant 0 : index
    %get3A_80 = arith.constant 0 : index
    %get3A_81 = vector.load %arg6[%get3A_79, %get3A_80] : memref<128x64xf32, #tpu.memory_space<vmem>>, vector<64x32xf32>
    %dot_general3A = arith.constant dense<0.000000e+00> : vector<2000x32xf32>
    %dot_general3A_82 = tpu.matmul %max3A_63, %get3A_81, %dot_general3A {dimension_numbers = #tpu.dot_dimension_numbers<[1], [0], [0], [1], [0, 0, 1, 1], [], []>, precision = #tpu.contract_precision<fp32>, transpose_lhs_hint = false} : vector<2000x64xf32>, vector<64x32xf32>, vector<2000x32xf32> -> vector<2000x32xf32>
    %get3A_83 = arith.constant 64 : index
    %get3A_84 = arith.constant 0 : index
    %get3A_85 = vector.load %arg6[%get3A_83, %get3A_84] : memref<128x64xf32, #tpu.memory_space<vmem>>, vector<64x32xf32>
    %dot_general3A_86 = arith.constant dense<0.000000e+00> : vector<2000x32xf32>
    %dot_general3A_87 = tpu.matmul %max3A_78, %get3A_85, %dot_general3A_86 {dimension_numbers = #tpu.dot_dimension_numbers<[1], [0], [0], [1], [0, 0, 1, 1], [], []>, precision = #tpu.contract_precision<fp32>, transpose_lhs_hint = false} : vector<2000x64xf32>, vector<64x32xf32>, vector<2000x32xf32> -> vector<2000x32xf32>
    %add3A_88 = arith.addf %dot_general3A_82, %dot_general3A_87 : vector<2000x32xf32>
    %mul3A_89 = vector.broadcast %get3A_1 : vector<2000x1xf32> to vector<2000x32xf32>
    %mul3A_90 = arith.mulf %add3A_88, %mul3A_89 : vector<2000x32xf32>
    %swap3A = arith.constant 0 : index
    %swap3A_91 = arith.constant 0 : index
    %swap3A_92 = arith.constant 0 : index
    %swap3A_93 = vector.load %arg7[%swap3A, %swap3A_91, %swap3A_92] : memref<2x2000x32xf32, #tpu.memory_space<vmem>>, vector<1x2000x32xf32>
    %swap3A_94 = vector.shape_cast %swap3A_93 : vector<1x2000x32xf32> to vector<2000x32xf32>
    %swap3A_95 = vector.shape_cast %mul3A_90 : vector<2000x32xf32> to vector<1x2000x32xf32>
    tpu.vector_store %arg7[%swap3A, %swap3A_91, %swap3A_92], %swap3A_95 {strides = array<i32>} : memref<2x2000x32xf32, #tpu.memory_space<vmem>>, vector<1x2000x32xf32>,
    %get3A_96 = arith.constant 0 : index
    %get3A_97 = arith.constant 32 : index
    %get3A_98 = vector.load %arg6[%get3A_96, %get3A_97] : memref<128x64xf32, #tpu.memory_space<vmem>>, vector<64x32xf32>
    %dot_general3A_99 = arith.constant dense<0.000000e+00> : vector<2000x32xf32>
    %dot_general3A_100 = tpu.matmul %max3A_63, %get3A_98, %dot_general3A_99 {dimension_numbers = #tpu.dot_dimension_numbers<[1], [0], [0], [1], [0, 0, 1, 1], [], []>, precision = #tpu.contract_precision<fp32>, transpose_lhs_hint = false} : vector<2000x64xf32>, vector<64x32xf32>, vector<2000x32xf32> -> vector<2000x32xf32>
    %get3A_101 = arith.constant 64 : index
    %get3A_102 = arith.constant 32 : index
    %get3A_103 = vector.load %arg6[%get3A_101, %get3A_102] : memref<128x64xf32, #tpu.memory_space<vmem>>, vector<64x32xf32>
    %dot_general3A_104 = arith.constant dense<0.000000e+00> : vector<2000x32xf32>
    %dot_general3A_105 = tpu.matmul %max3A_78, %get3A_103, %dot_general3A_104 {dimension_numbers = #tpu.dot_dimension_numbers<[1], [0], [0], [1], [0, 0, 1, 1], [], []>, precision = #tpu.contract_precision<fp32>, transpose_lhs_hint = false} : vector<2000x64xf32>, vector<64x32xf32>, vector<2000x32xf32> -> vector<2000x32xf32>
    %add3A_106 = arith.addf %dot_general3A_100, %dot_general3A_105 : vector<2000x32xf32>
    %mul3A_107 = vector.broadcast %get3A_1 : vector<2000x1xf32> to vector<2000x32xf32>
    %mul3A_108 = arith.mulf %add3A_106, %mul3A_107 : vector<2000x32xf32>
    %swap3A_109 = arith.constant 1 : index
    %swap3A_110 = arith.constant 0 : index
    %swap3A_111 = arith.constant 0 : index
    %swap3A_112 = vector.load %arg7[%swap3A_109, %swap3A_110, %swap3A_111] : memref<2x2000x32xf32, #tpu.memory_space<vmem>>, vector<1x2000x32xf32>
    %swap3A_113 = vector.shape_cast %swap3A_112 : vector<1x2000x32xf32> to vector<2000x32xf32>
    %swap3A_114 = vector.shape_cast %mul3A_108 : vector<2000x32xf32> to vector<1x2000x32xf32>
    tpu.vector_store %arg7[%swap3A_109, %swap3A_110, %swap3A_111], %swap3A_114 {strides = array<i32>} : memref<2x2000x32xf32, #tpu.memory_space<vmem>>, vector<1x2000x32xf32>,
    return
  }
  func.func @transform_0(%arg0: i32) -> (i32, i32, i32) {
    %c0_i32 = arith.constant 0 : i32
    %c0_i32_0 = arith.constant 0 : i32
    %c0_i32_1 = arith.constant 0 : i32
    return %c0_i32, %arg0, %c0_i32_0 : i32, i32, i32
  }
  func.func @transform_1(%arg0: i32) -> (i32, i32) {
    %c0_i32 = arith.constant 0 : i32
    %c0_i32_0 = arith.constant 0 : i32
    return %arg0, %c0_i32 : i32, i32
  }
  func.func @transform_2(%arg0: i32) -> (i32, i32) {
    %c0_i32 = arith.constant 0 : i32
    %c0_i32_0 = arith.constant 0 : i32
    %c0_i32_1 = arith.constant 0 : i32
    return %c0_i32, %c0_i32_0 : i32, i32
  }
  func.func @transform_3(%arg0: i32) -> (i32, i32) {
    %c0_i32 = arith.constant 0 : i32
    %c0_i32_0 = arith.constant 0 : i32
    %c0_i32_1 = arith.constant 0 : i32
    return %c0_i32, %c0_i32_0 : i32, i32
  }
  func.func @transform_4(%arg0: i32) -> (i32, i32) {
    %c0_i32 = arith.constant 0 : i32
    %c0_i32_0 = arith.constant 0 : i32
    %c0_i32_1 = arith.constant 0 : i32
    return %c0_i32, %c0_i32_0 : i32, i32
  }
  func.func @transform_5(%arg0: i32) -> (i32, i32) {
    %c0_i32 = arith.constant 0 : i32
    %c0_i32_0 = arith.constant 0 : i32
    %c0_i32_1 = arith.constant 0 : i32
    return %c0_i32, %c0_i32_0 : i32, i32
  }
  func.func @transform_6(%arg0: i32) -> (i32, i32, i32) {
    %c0_i32 = arith.constant 0 : i32
    %c0_i32_0 = arith.constant 0 : i32
    %c0_i32_1 = arith.constant 0 : i32
    return %c0_i32, %arg0, %c0_i32_0 : i32, i32, i32
  }
}

module attributes {stable_mosaic.version = 14 : i64} {
  func.func @_tc3_body(%arg0: i32, %arg1: memref<2x2000x32xf32, #tpu.memory_space<vmem>>, %arg2: memref<2000x1xf32, #tpu.memory_space<vmem>>, %arg3: memref<1x64xf32, #tpu.memory_space<vmem>>, %arg4: memref<64x16xf32, #tpu.memory_space<vmem>>, %arg5: memref<1x16xf32, #tpu.memory_space<vmem>>, %arg6: memref<2000x16xf32, #tpu.memory_space<vmem>>) attributes {dimension_semantics = [#tpu.dimension_semantics<arbitrary>], iteration_bounds = array<i64: 5>, scalar_prefetch = 0 : i64, scratch_operands = 0 : i64, tpu.core_type = #tpu.core_type<tc>, window_params = [{transform_indices = @transform_0, window_bounds = array<i64: 2, 2000, 32>}, {transform_indices = @transform_1, window_bounds = array<i64: 2000, 1>}, {pipeline_mode = #tpu.pipeline_mode<synchronous>, transform_indices = @transform_2, window_bounds = array<i64: 1, 64>}, {pipeline_mode = #tpu.pipeline_mode<synchronous>, transform_indices = @transform_3, window_bounds = array<i64: 64, 16>}, {pipeline_mode = #tpu.pipeline_mode<synchronous>, transform_indices = @transform_4, window_bounds = array<i64: 1, 16>}, {transform_indices = @transform_5, window_bounds = array<i64: 2000, 16>}]} {
    %get3A = arith.constant 0 : index
    %get3A_0 = arith.constant 0 : index
    %get3A_1 = vector.load %arg2[%get3A, %get3A_0] : memref<2000x1xf32, #tpu.memory_space<vmem>>, vector<2000x1xf32>
    %get3A_2 = arith.constant 0 : index
    %get3A_3 = arith.constant 0 : index
    %get3A_4 = arith.constant 0 : index
    %get3A_5 = vector.load %arg1[%get3A_2, %get3A_3, %get3A_4] : memref<2x2000x32xf32, #tpu.memory_space<vmem>>, vector<1x2000x32xf32>
    %get3A_6 = vector.shape_cast %get3A_5 : vector<1x2000x32xf32> to vector<2000x32xf32>
    %mul3A = vector.broadcast %get3A_1 : vector<2000x1xf32> to vector<2000x32xf32>
    %mul3A_7 = arith.mulf %get3A_6, %mul3A : vector<2000x32xf32>
    %get3A_8 = arith.constant 0 : index
    %get3A_9 = arith.constant 0 : index
    %get3A_10 = vector.load %arg3[%get3A_8, %get3A_9] : memref<1x64xf32, #tpu.memory_space<vmem>>, vector<1x32xf32>
    %add3A = vector.broadcast %get3A_10 : vector<1x32xf32> to vector<2000x32xf32>
    %add3A_11 = arith.addf %mul3A_7, %add3A : vector<2000x32xf32>
    %get3A_12 = arith.constant 0 : index
    %get3A_13 = arith.constant 0 : index
    %get3A_14 = vector.load %arg4[%get3A_12, %get3A_13] : memref<64x16xf32, #tpu.memory_space<vmem>>, vector<32x16xf32>
    %dot_general3A = arith.constant dense<0.000000e+00> : vector<2000x16xf32>
    %dot_general3A_15 = tpu.matmul %add3A_11, %get3A_14, %dot_general3A {dimension_numbers = #tpu.dot_dimension_numbers<[1], [0], [0], [1], [0, 0, 1, 1], [], []>, precision = #tpu.contract_precision<fp32>, transpose_lhs_hint = false} : vector<2000x32xf32>, vector<32x16xf32>, vector<2000x16xf32> -> vector<2000x16xf32>
    %get3A_16 = arith.constant 1 : index
    %get3A_17 = arith.constant 0 : index
    %get3A_18 = arith.constant 0 : index
    %get3A_19 = vector.load %arg1[%get3A_16, %get3A_17, %get3A_18] : memref<2x2000x32xf32, #tpu.memory_space<vmem>>, vector<1x2000x32xf32>
    %get3A_20 = vector.shape_cast %get3A_19 : vector<1x2000x32xf32> to vector<2000x32xf32>
    %mul3A_21 = vector.broadcast %get3A_1 : vector<2000x1xf32> to vector<2000x32xf32>
    %mul3A_22 = arith.mulf %get3A_20, %mul3A_21 : vector<2000x32xf32>
    %get3A_23 = arith.constant 0 : index
    %get3A_24 = arith.constant 32 : index
    %get3A_25 = vector.load %arg3[%get3A_23, %get3A_24] : memref<1x64xf32, #tpu.memory_space<vmem>>, vector<1x32xf32>
    %add3A_26 = vector.broadcast %get3A_25 : vector<1x32xf32> to vector<2000x32xf32>
    %add3A_27 = arith.addf %mul3A_22, %add3A_26 : vector<2000x32xf32>
    %get3A_28 = arith.constant 32 : index
    %get3A_29 = arith.constant 0 : index
    %get3A_30 = vector.load %arg4[%get3A_28, %get3A_29] : memref<64x16xf32, #tpu.memory_space<vmem>>, vector<32x16xf32>
    %dot_general3A_31 = arith.constant dense<0.000000e+00> : vector<2000x16xf32>
    %dot_general3A_32 = tpu.matmul %add3A_27, %get3A_30, %dot_general3A_31 {dimension_numbers = #tpu.dot_dimension_numbers<[1], [0], [0], [1], [0, 0, 1, 1], [], []>, precision = #tpu.contract_precision<fp32>, transpose_lhs_hint = false} : vector<2000x32xf32>, vector<32x16xf32>, vector<2000x16xf32> -> vector<2000x16xf32>
    %add3A_33 = arith.addf %dot_general3A_15, %dot_general3A_32 : vector<2000x16xf32>
    %get3A_34 = arith.constant 0 : index
    %get3A_35 = arith.constant 0 : index
    %get3A_36 = vector.load %arg5[%get3A_34, %get3A_35] : memref<1x16xf32, #tpu.memory_space<vmem>>, vector<1x16xf32>
    %add3A_37 = vector.broadcast %get3A_36 : vector<1x16xf32> to vector<2000x16xf32>
    %add3A_38 = arith.addf %add3A_33, %add3A_37 : vector<2000x16xf32>
    %swap3A = arith.constant 0 : index
    %swap3A_39 = arith.constant 0 : index
    %swap3A_40 = vector.load %arg6[%swap3A, %swap3A_39] : memref<2000x16xf32, #tpu.memory_space<vmem>>, vector<2000x16xf32>
    tpu.vector_store %arg6[%swap3A, %swap3A_39], %add3A_38 {strides = array<i32>} : memref<2000x16xf32, #tpu.memory_space<vmem>>, vector<2000x16xf32>,
    return
  }
  func.func @transform_0(%arg0: i32) -> (i32, i32, i32) {
    %c0_i32 = arith.constant 0 : i32
    %c0_i32_0 = arith.constant 0 : i32
    %c0_i32_1 = arith.constant 0 : i32
    return %c0_i32, %arg0, %c0_i32_0 : i32, i32, i32
  }
  func.func @transform_1(%arg0: i32) -> (i32, i32) {
    %c0_i32 = arith.constant 0 : i32
    %c0_i32_0 = arith.constant 0 : i32
    return %arg0, %c0_i32 : i32, i32
  }
  func.func @transform_2(%arg0: i32) -> (i32, i32) {
    %c0_i32 = arith.constant 0 : i32
    %c0_i32_0 = arith.constant 0 : i32
    %c0_i32_1 = arith.constant 0 : i32
    return %c0_i32, %c0_i32_0 : i32, i32
  }
  func.func @transform_3(%arg0: i32) -> (i32, i32) {
    %c0_i32 = arith.constant 0 : i32
    %c0_i32_0 = arith.constant 0 : i32
    %c0_i32_1 = arith.constant 0 : i32
    return %c0_i32, %c0_i32_0 : i32, i32
  }
  func.func @transform_4(%arg0: i32) -> (i32, i32) {
    %c0_i32 = arith.constant 0 : i32
    %c0_i32_0 = arith.constant 0 : i32
    %c0_i32_1 = arith.constant 0 : i32
    return %c0_i32, %c0_i32_0 : i32, i32
  }
  func.func @transform_5(%arg0: i32) -> (i32, i32) {
    %c0_i32 = arith.constant 0 : i32
    %c0_i32_0 = arith.constant 0 : i32
    return %arg0, %c0_i32 : i32, i32
  }
}

</mosaic_0001>

<sc_bundles>
// kernel: kernel.11.cloned.1.call-start
scs
__scs_entry_jumppad:
0x0: {  	(pc) =	sbr.rel $0x88, $3  }
0x1: {  	(tag) =	ssettag $0x0;
	lr =	simm.s32 $0x1  }
0x2: {  	[smem:$0x3F97] =	sst lr;
	_ =	strace $0xD0000000  }
0x3: {  	_ = 	snop  }
0x4: {  	_ = 	snop  }
0x5: {  	_ = 	snop  }
0x6: {  	_ = 	snop  }
0x7: {  	_ = 	snop  }
__scs_overlays_trampoline_lowered:
0x8: {  	[smem:$0x3FA6] =	sst s0  }
0x9: {  	[smem:$0x3FA7] =	sst s1  }
0xa: {  	[smem:$0x3FA8] =	sst s2  }
0xb: {  	[smem:$0x3FA9] =	sst s3  }
0xc: {  	[smem:$0x3FAA] =	sst s4  }
0xd: {  	[smem:$0x3FAB] =	sst s5  }
0xe: {  	[smem:$0x3FAC] =	sst s6  }
0xf: {  	[smem:$0x3FAD] =	sst s7  }
0x10: {  	[smem:$0x3FAE] =	sst s8  }
0x11: {  	[smem:$0x3FAF] =	sst s9;
	s0 =	simm.s32 @!p0 $0x0  }
0x12: {  	s1 =	sld [smem:$0x3F95];
	s0 =	simm.s32 @p0 $0x1  }
0x13: {  	[smem:$0x3FB0] =	sst s0;
	s0 =	simm.s32 @!p1 $0x0  }
0x14: {  	s2 =	sld [smem:$0x3F94];
	s0 =	simm.s32 @p1 $0x1  }
0x15: {  	[smem:$0x3FB1] =	sst s0;
	s0 =	simm.s32 @!p2 $0x0  }
0x16: {  	s3 =	sld [smem:$0x3FDB];
	s0 =	simm.s32 @p2 $0x1  }
0x17: {  	s4 =	simm.s32 $0x1BF5;
	[smem:$0x3FB3] =	sst s0  }
0x18: {  	s0 =	sld [smem:$0x3F96];
	_ =	swait.ge [sflag:s4], $0x0  }
0x19: {  	s7 =	sld [smem:$0x3F97]  }
0x1a: {  	s8 =	sadd.s32 $0xFFFFE003, lr  }
0x1b: {  	s9 =	sadd.s32 $0xFFFFFEF7, lr;
	s5 =	simm.s32 $0xFFFFFFFF;
	p2 =	slt.u32 s8, $0xFFFFF086  }
0x1c: {  	p1 =	slt.u32 s9, $0xF7A;
	s5 =	simm.s32 @!p2 $0x0  }
0x1d: {  	s5 =	simm.s32 @p1 $0x1;
	p0 =	seq.s32 s7, s2  }
0x1e: {  	s7 =	smul.u32 @!p0 $0xF7A, s2;
	p2 =	seq.s32 @!p0 s5, $0x0  }
0x1f: {  	s9 =	smul.u32 $0xF7A, s1;
	s8 =	simm.s32 @!p0 $0x1BF5;
	p2 =	por !p2, p0  }
0x20: {  	[sflag:s8] =	ssyncset.s32 @!p0 $0xFFFFF086;
	s6 =	sadd.s32 @!p0 s3, s7;
	s7 =	simm.s32 @!p0 $0x108  }
0x21: {  	s3 =	sadd.s32 s3, s9;
	s6 =	sadd.s32 @!p0 $0x88, s6;
	s7 =	simm.s32 @p2 $0x1082  }
0x22: {  	[simem:s7], [sflag:s8] =	dma.local @!p0 [hbm:s6], $0xF7A  }
0x23: {  	s9 =	sor.u32 $0xD0000000, s2;
	s6 =	simm.s32 $0x108;
	_ =	swait.ge @!p0 [sflag:s8], $0x0  }
0x24: {  	s3 =	sadd.s32 $0x88, s3;
	s6 =	simm.s32 @!p1 $0x1082;
	[sflag:s4] =	ssyncset.s32 $0xFFFFF086  }
0x25: {  	[simem:s6], [sflag:s4] =	dma.local [hbm:s3], $0xF7A  }
0x26: {  	[smem:$0x3F97] =	sst s1;
	(tag) =	ssettag s2;
	_ =	strace s9  }
0x27: {  	s1 =	sld [smem:$0x3FA7]  }
0x28: {  	s2 =	sld [smem:$0x3FA8]  }
0x29: {  	s4 =	sld [smem:$0x3FAA]  }
0x2a: {  	p0 =	seq.s32 s5, $0x0;
	s5 =	sld [smem:$0x3FAB]  }
0x2b: {  	s6 =	sld [smem:$0x3FAC]  }
0x2c: {  	s7 =	sld [smem:$0x3FAD]  }
0x2d: {  	s3 =	simm.s32 $0x108;
	s8 =	sld [smem:$0x3FAE]  }
0x2e: {  	s3 =	simm.s32 @!p0 $0x1082;
	s9 =	sld [smem:$0x3FAF]  }
0x2f: {  	lr =	sadd.s32 s0, s3;
	s0 =	sld [smem:$0x3FA6]  }
0x30: {  	s3 =	sld [smem:$0x3FA9]  }
0x31: {  	[smem:$0x3FB2] =	sst s10  }
0x32: {  	s10 =	sld [smem:$0x3FB0];
	_ =	sdelay $0x3  }
0x33: {  	p0 =	seq.s32 s10, $0x1;
	s10 =	sld [smem:$0x3FB2];
	_ =	sdelay $0x3  }
0x34: {  	[smem:$0x3FB2] =	sst s10  }
0x35: {  	s10 =	sld [smem:$0x3FB1];
	_ =	sdelay $0x3  }
0x36: {  	p1 =	seq.s32 s10, $0x1;
	s10 =	sld [smem:$0x3FB2];
	_ =	sdelay $0x3  }
0x37: {  	[smem:$0x3FB2] =	sst s10  }
0x38: {  	s10 =	sld [smem:$0x3FB3]  }
0x39: {  	_ = 	snop;
	(pc) =	sbr.ind lr, $3  }
0x3a: {  	_ = 	snop  }
0x3b: {  	_ = 	snop  }
0x3c: {  	p2 =	seq.s32 s10, $0x1;
	s10 =	sld [smem:$0x3FB2]  }
0x3d: {  	_ =	shalt  }
0x3e: {  	_ =	shalt  }
0x3f: {  	_ =	shalt  }
0x40: {  	_ =	shalt  }
0x41: {  	_ =	shalt  }
0x42: {  	_ =	shalt  }
0x43: {  	_ =	shalt  }
0x44: {  	_ =	shalt  }
0x45: {  	_ =	shalt  }
0x46: {  	_ =	shalt  }
0x47: {  	_ =	shalt  }
0x48: {  	_ =	shalt  }
0x49: {  	_ =	shalt  }
0x4a: {  	_ =	shalt  }
0x4b: {  	_ =	shalt  }
0x4c: {  	_ =	shalt  }
0x4d: {  	_ =	shalt  }
0x4e: {  	_ =	shalt  }
0x4f: {  	_ =	shalt  }
0x50: {  	_ =	shalt  }
0x51: {  	_ =	shalt  }
0x52: {  	_ =	shalt  }
0x53: {  	_ =	shalt  }
0x54: {  	_ =	shalt  }
0x55: {  	_ =	shalt  }
0x56: {  	_ =	shalt  }
0x57: {  	_ =	shalt  }
0x58: {  	_ =	shalt  }
0x59: {  	_ =	shalt  }
0x5a: {  	_ =	shalt  }
0x5b: {  	_ =	shalt  }
0x5c: {  	_ =	shalt  }
0x5d: {  	_ =	shalt  }
0x5e: {  	_ =	shalt  }
0x5f: {  	_ =	shalt  }
0x60: {  	_ =	shalt  }
0x61: {  	_ =	shalt  }
0x62: {  	_ =	shalt  }
0x63: {  	_ =	shalt  }
0x64: {  	_ =	shalt  }
0x65: {  	_ =	shalt  }
0x66: {  	_ =	shalt  }
0x67: {  	_ =	shalt  }
0x68: {  	_ =	shalt  }
0x69: {  	_ =	shalt  }
0x6a: {  	_ =	shalt  }
0x6b: {  	_ =	shalt  }
0x6c: {  	_ =	shalt  }
0x6d: {  	_ =	shalt  }
0x6e: {  	_ =	shalt  }
0x6f: {  	_ =	shalt  }
0x70: {  	_ =	shalt  }
0x71: {  	_ =	shalt  }
0x72: {  	_ =	shalt  }
0x73: {  	_ =	shalt  }
0x74: {  	_ =	shalt  }
0x75: {  	_ =	shalt  }
0x76: {  	_ =	shalt  }
0x77: {  	_ =	shalt  }
0x78: {  	_ =	shalt  }
0x79: {  	_ =	shalt  }
0x7a: {  	_ =	shalt  }
0x7b: {  	_ =	shalt  }
0x7c: {  	_ =	shalt  }
0x7d: {  	_ =	shalt  }
0x7e: {  	_ =	shalt  }
0x7f: {  	_ =	shalt  }
0x80: {  	_ =	shalt  }
0x81: {  	_ =	shalt  }
0x82: {  	_ =	shalt  }
0x83: {  	_ =	shalt  }
0x84: {  	_ =	shalt  }
0x85: {  	_ =	shalt  }
0x86: {  	_ =	shalt  }
0x87: {  	_ =	shalt  }
.Lfunc_end0:
.L_simem_size_0:
called_computation.1_lowered:
.L_overlay_start_0:
0x88: {  	s2 =	sld [smem:$0x3FD9]  }
0x89: {  	s3 =	sld [smem:$0x3FFE];
	_ =	sdelay $0x1  }
0x8a: {  	s1 =	srdreg.scid  }
0x8b: {  	s0 =	sand.u32 $0x1, s1  }
0x8c: {  	s16 =	sshll.u32 s0, $0xA;
	s2 =	sadd.s32 s3, s2  }
0x8d: {  	s2 =	sadd.s32 s2, s16  }
0x8e: {  	[smem:$0x3FBE] =	sst s2  }
0x8f: {  	_ = 	snop  }
0x90: {  	(tm) =	ssettm $0x1  }
0x91: {  	s17 =	sld [smem:$0x3FFB];
	_ =	sdelay $0x3  }
0x92: {  	_ =	strace s17  }
0x93: {  	s2 =	sld [smem:$0x3FFC];
	_ =	sdelay $0x3  }
0x94: {  	_ =	strace s2  }
0x95: {  	s2 =	sld [smem:$0x3FFD];
	_ =	sdelay $0x3  }
0x96: {  	_ =	strace s2  }
0x97: {  	_ =	strace $0x8FFFFFFF  }
0x98: {  	s18 =	sld [smem:$0x3FDB];
	_ =	sdelay $0x1  }
0x99: {  	s19 =	simm.s32 $_scs_section_size  }
0x9a: {  	s4 =	simm.s32 $_size__tile_overlayer_lowered;
	s5 =	simm.s32 $_tile_overlayer_lowered  }
0x9b: {  	s22 =	simm.s32 $0x1BFF;
	s21 =	sshll.u32 s5, $0x1;
	s2 =	sadd.s32 s19, s18  }
0x9c: {  	s6 =	simm.s32 $0x0;
	s20 =	sshll.u32 s4, $0x1;
	s4 =	sadd.s32 s21, s2  }
0x9d: {  	[timem:s6], [sflag:s22] =	dma.local [hbm:s4], s20  }
0x9e: {  	_ =	swait.ge [sflag:s22], s20  }
0x9f: {  	s3 =	ssub.s32 $0x0, s20;
	[sflag:s22] =	ssyncset.done $0x0  }
0xa0: {  	[sflag:s22] =	ssyncadd.s32 s3;
	_ =	sdelay $0x1  }
0xa1: {  	s23 =	simm.s32 $0x1B8B  }
0xa2: {  	_ =	swait.ge [sflag:s23], $0x1  }
0xa3: {  	[sflag:s23] =	ssyncset.done $0x0  }
0xa4: {  	s25 =	simm.s32 $0x1B8E;
	s24 =	sld [smem:$0x3FFE];
	[sflag:s23] =	ssyncadd.s32 $0xFFFFFFFF  }
0xa5: {  	s26 =	simm.s32 $execute0_lowered;
	[smem:$0x3FD2] =	sst s25  }
0xa6: {  	s4 =	sshll.u32 s26, $0x1;
	_ =	strace $0x80000049;
	[dreg:$0x1] =	wrdreg $0xFFFFFFFF  }
0xa7: {  	s28 =	simm.s32 $_size_execute0_lowered;
	s2 =	sadd.s32 s2, s4;
	[dreg:$0x0] =	wrdreg $0x0  }
0xa8: {  	s4 =	sshll.u32 s28, $0x1;
	[dreg:$0x2] =	wrdreg s2  }
0xa9: {  	[dreg:$0x3] =	wrdreg s4  }
0xaa: {  	[dreg:$0x4] =	wrdreg $0xC0  }
0xab: {  	_ =	task [dreg:s6], $0x5FFFF  }
0xac: {  	[dreg:$0x1] =	wrdreg $0xFFFFFFFF  }
0xad: {  	[dreg:$0x0] =	wrdreg $0x60  }
0xae: {  	[dreg:$0x2] =	wrdreg s24  }
0xaf: {  	[dreg:$0x3] =	wrdreg $0x100400  }
0xb0: {  	[dreg:$0x4] =	wrdreg $0x9  }
0xb1: {  	_ =	task.clear_ibuf [dreg:s6], $0x5FFFF;
	_ =	strace $0x90000049  }
0xb2: {  	s29 =	simm.s32 $0x9;
	_ =	strace $0x8000004B  }
0xb3: {  	_ =	swait.ge [sflag:s29], $0x1  }
0xb4: {  	[sflag:s29] =	ssyncadd.s32 $0xFFFFFFFF  }
0xb5: {  	_ =	strace $0x9000004B  }
0xb6: {  	_ =	sfence  }
0xb7: {  	s30 =	sld [smem:$0x0];
	_ =	sdelay $0x2  }
0xb8: {  	s31 =	sshll.u32 s1, $0xD;
	s1 =	sshrl.u32 s1, $0x2  }
0xb9: {  	s3 =	sand.u32 $0x4000, s31;
	s1 =	sadd.s32 s1, s30  }
0xba: {  	s0 =	sor.u32 s3, s0;
	s1 =	sshll.u32 s1, $0x11  }
0xbb: {  	s0 =	sor.u32 s1, s0  }
0xbc: {  	s0 =	sadd.s32 $0x8F2B, s0  }
0xbd: {  	[sflag:s0] =	ssyncadd.remote.s32 $0x1  }
0xbe: {  	_ =	sfence.sel $0xFFFF  }
0xbf: {  	[dreg:$0x0] =	wrdreg $0xFFFFFFFF;
	(pc) =	sbr.abs _section_cstart, $3  }
0xc0: {  	[dreg:$0x1] =	wrdreg $0xFFFFFFFF  }
0xc1: {  	_ =	task.clear_ibuf [dreg:s6], $0x2FFFF;
	_ =	strace $0x9FFFFFFF  }
0xc2: {  	(tm) =	ssettm $0x7FFFFFFF  }
0xc3: {  	_ =	shalt  }
tec
execute0_lowered:
.L_overlay_start_1:
0x0: {  	(tag) =	ssettag $0x1  }
0x1: {  	s0 =	rddreg [dreg:$0x0]  }
0x2: {  	s2 =	rddreg [dreg:$0x1]  }
0x3: {  	s10 =	stileid.u32;
	s1 =	srdreg.scid  }
0x4: {  	s3 =	simm.s32 $0x0;
	s12 =	simm.s32 $0xB;
	s13 =	simm.s32 $0x4E20  }
0x5: {  	s14 =	simm.s32 $0x50;
	s15 =	simm.s32 $0x9C40;
	s16 =	simm.s32 $0xB040  }
0x6: {  	s18 =	simm.s32 $0xC440;
	s20 =	simm.s32 $0xD840;
	s21 =	simm.s32 $0x1  }
0x7: {  	s29 =	simm.s32 $0x3;
	s31 =	simm.s32 $0x7;
	s19 =	simm.s32 $0x8  }
0x8: {  	s30 =	simm.s32 $0x9;
	s17 =	simm.s32 $0xA;
	s4 =	smul.u32 $0xFA00, s10  }
0x9: {  	s22 =	simm.s32 $0x0;
	s1 =	sand.u32 $0x1, s1;
	s7 =	smul.u32 $0x9C4, s10  }
0xa: {  	[smem:$0x7FF] =	sst s3;
	s6 =	sadd.s32 $0x15A00, s0;
	s5 =	smul.u32 $0x9C400, s1  }
0xb: {  	p0 =	sgt.u32 s10, $0x9;
	s9 =	ssub.s32 $0x2, s1;
	s1 =	smul.u32 $0x13880, s1  }
0xc: {  	_ =	strace $0x8000004A;
	s7 =	sadd.s32 s7, s0;
	s23 =	sshrl.u32 s9, $0x1  }
0xd: {  	s11 =	sadd.s32 s4, s2;
	s8 =	sadd.s32 s4, s5;
	s1 =	sadd.s32 s6, s1  }
0xe: {  	s4 =	sshrl.u32 s4, $0x3;
	s24 =	sadd.s32 $0x1E00, s7;
	s25 =	sshrl.u32 s5, $0x3  }
0xf: {  	s26 =	sadd.s32 $0xBC00, s7;
	s11 =	sshrl.u32 @!p0 s11, $0x3;
	[dreg:$0x3] =	wrdreg s24  }
0x10: {  	s8 =	sshrl.u32 s8, $0x3;
	[dreg:$0x4] =	wrdreg s26;
	s6 =	sadd.s32 s6, s25  }
.Ltmp0:
0x11: {  	s24 =	simm.s32 $0x2;
	s26 =	simm.s32 $0x6;
	(pc) =	sbr.rel .LBB2_1-.Ltmp0, $4  }
0x12: {  	s25 =	simm.s32 $0x5;
	s0 =	sadd.s32 s8, s0;
	s8 =	ssub.s32 s9, s23  }
0x13: {  	s9 =	sadd.s32 @!p0 s4, s1;
	s23 =	simm.s32 $0xEC40;
	s0 =	sadd.s32 $0x3CC00, s0  }
0x14: {  	s28 =	smax.u32 s8, $0x1;
	[dreg:$0x5] =	wrdreg s0;
	s0 =	sshll.u32 @!p0 s10, $0x6  }
0x15: {  	s1 =	simm.s32 $0x4;
	[dreg:$0x6] =	wrdreg s28;
	s10 =	sor.u32 @!p0 $0x1C0B, s0  }
.LBB2_4:
0x16: {  	_ =	swait.ge [sflag:s25], $0x1400  }
0x17: {  	[sflag:s25] =	ssyncset.done $0x0  }
0x18: {  	[sflag:s25] =	ssyncadd.s32 $0xFFFFEC00  }
0x19: {  	[spmem:s2] =	stream.indirect.scatter.add.f32 [tilespmem:s23], [sflag:$0xA], $0x40, s4, s14, $0xb8;
	[tilespmem:$0x19C80] =	vst v63  }
0x1a: {  	_ =	swait.ge [sflag:s30], $0x1400  }
0x1b: {  	[sflag:s30] =	ssyncset.done $0x0  }
0x1c: {  	[sflag:s30] =	ssyncadd.s32 $0xFFFFEC00  }
0x1d: {  	_ =	swait.ge [sflag:s17], $0x1400  }
0x1e: {  	[sflag:s17] =	ssyncset.done $0x0  }
0x1f: {  	[sflag:s17] =	ssyncadd.s32 $0xFFFFEC00  }
0x20: {  	[bflag:$0x0] =	sbarrier.arrive $0xFFFF  }
0x21: {  	s0 =	rddreg [dreg:$0x5]  }
0x22: {  	[hbm:s0], [sflag:s10] =	dma.local @!p0 [spmem:s11], $0x1F40  }
0x23: {  	s0 =	simm.s32 @!p0 $0xB  }
0x24: {  	_ =	swait.ge @!p0 [sflag:s0], $0x1F40  }
0x25: {  	s22 =	sadd.s32 $0x1, s22;
	s28 =	rddreg [dreg:$0x6]  }
0x26: {  	p1 =	sne.s32 s22, s28  }
.Ltmp1:
0x27: {  	_ = 	snop;
	(pc) =	sbr.rel @!p1 .LBB2_5-.Ltmp1, $3  }
0x28: {  	_ =	sdelay $0x1  }
0x29: {  	[sflag:s0] =	ssyncset.done @!p0 $0x0  }
0x2a: {  	[sflag:s0] =	ssyncadd.s32 @!p0 $0xFFFFE0C0  }
.LBB2_1:
0x2b: {  	[spmem:s11], [sflag:s10] =	dma.local @!p0 [hbm:s9], $0x1F40  }
0x2c: {  	s0 =	simm.s32 @!p0 $0xB  }
0x2d: {  	_ =	swait.ge @!p0 [sflag:s0], $0x1F40  }
0x2e: {  	[sflag:s0] =	ssyncset.done @!p0 $0x0  }
0x2f: {  	s8 =	rddreg [dreg:$0x3];
	[sflag:s0] =	ssyncadd.s32 @!p0 $0xFFFFE0C0  }
0x30: {  	[tilespmem:s3], [sflag:$0xB] =	stream.linear.gather [hbm4b:s8+s3], $0x4E20, $0x38;
	[tilespmem:$0x19C80] =	vst v63  }
0x31: {  	_ =	swait.ge [sflag:s12], $0x4E20  }
0x32: {  	[sflag:s12] =	ssyncset.done $0x0  }
0x33: {  	s4 =	rddreg [dreg:$0x4];
	[sflag:s12] =	ssyncadd.s32 $0xFFFFB1E0  }
0x34: {  	[tilespmem:s13], [sflag:$0xB] =	stream.linear.gather [hbm4b:s4+s3], $0x4E20, $0x38;
	[tilespmem:$0x19C80] =	vst v63  }
0x35: {  	_ =	swait.ge [sflag:s12], $0x4E20  }
0x36: {  	[sflag:s12] =	ssyncset.done $0x0  }
0x37: {  	[sflag:s12] =	ssyncadd.s32 $0xFFFFB1E0  }
0x38: {  	[bflag:$0x0] =	sbarrier.arrive $0xFFFF  }
0x39: {  	[tilespmem:s15], [sflag:$0x1] =	stream.indirect.gather [hbm4b:s6+s14], $0x40, s3, s14, $0xb8;
	[tilespmem:$0x19C80] =	vst v63  }
0x3a: {  	_ = 	snop  }
0x3b: {  	[tilespmem:s16], [sflag:$0x2] =	stream.indirect.gather [hbm4b:s6+s14], $0x40, s14, s14, $0xb8;
	[tilespmem:$0x19C80] =	vst v63  }
0x3c: {  	s5 =	simm.s32 $0xA0  }
0x3d: {  	[tilespmem:s18], [sflag:$0x3] =	stream.indirect.gather [hbm4b:s6+s14], $0x40, s5, s14, $0xb8;
	[tilespmem:$0x19C80] =	vst v63  }
0x3e: {  	s7 =	simm.s32 $0xF0  }
0x3f: {  	[tilespmem:s20], [sflag:$0x4] =	stream.indirect.gather [hbm4b:s6+s14], $0x40, s7, s14, $0xb8;
	[tilespmem:$0x19C80] =	vst v63  }
0x40: {  	_ =	swait.ge [sflag:s21], $0x1400  }
0x41: {  	[sflag:s21] =	ssyncset.done $0x0  }
0x42: {  	[sflag:s21] =	ssyncadd.s32 $0xFFFFEC00  }
0x43: {  	[spmem:s2] =	stream.indirect.scatter.add.f32 [tilespmem:s15], [sflag:$0x6], $0x40, s13, s14, $0xb8;
	[tilespmem:$0x19C80] =	vst v63  }
0x44: {  	s8 =	simm.s32 $0x140  }
0x45: {  	[tilespmem:s23], [sflag:$0x5] =	stream.indirect.gather [hbm4b:s6+s14], $0x40, s8, s14, $0xb8;
	[tilespmem:$0x19C80] =	vst v63  }
0x46: {  	_ =	swait.ge [sflag:s24], $0x1400  }
0x47: {  	[sflag:s24] =	ssyncset.done $0x0  }
0x48: {  	s4 =	simm.s32 $0x4E70;
	[sflag:s24] =	ssyncadd.s32 $0xFFFFEC00  }
0x49: {  	[spmem:s2] =	stream.indirect.scatter.add.f32 [tilespmem:s16], [sflag:$0x7], $0x40, s4, s14, $0xb8;
	[tilespmem:$0x19C80] =	vst v63  }
0x4a: {  	_ =	swait.ge [sflag:s26], $0x1400  }
0x4b: {  	[sflag:s26] =	ssyncset.done $0x0  }
0x4c: {  	s5 =	simm.s32 $0x190;
	[sflag:s26] =	ssyncadd.s32 $0xFFFFEC00  }
0x4d: {  	[tilespmem:s15], [sflag:$0x1] =	stream.indirect.gather [hbm4b:s6+s14], $0x40, s5, s14, $0xb8;
	[tilespmem:$0x19C80] =	vst v63  }
0x4e: {  	_ =	swait.ge [sflag:s29], $0x1400  }
0x4f: {  	[sflag:s29] =	ssyncset.done $0x0  }
0x50: {  	s7 =	simm.s32 $0x4EC0;
	[sflag:s29] =	ssyncadd.s32 $0xFFFFEC00  }
0x51: {  	[spmem:s2] =	stream.indirect.scatter.add.f32 [tilespmem:s18], [sflag:$0x8], $0x40, s7, s14, $0xb8;
	[tilespmem:$0x19C80] =	vst v63  }
0x52: {  	_ =	swait.ge [sflag:s31], $0x1400  }
0x53: {  	[sflag:s31] =	ssyncset.done $0x0  }
0x54: {  	s8 =	simm.s32 $0x1E0;
	[sflag:s31] =	ssyncadd.s32 $0xFFFFEC00  }
0x55: {  	[tilespmem:s16], [sflag:$0x2] =	stream.indirect.gather [hbm4b:s6+s14], $0x40, s8, s14, $0xb8;
	[tilespmem:$0x19C80] =	vst v63  }
0x56: {  	_ =	swait.ge [sflag:s1], $0x1400  }
0x57: {  	[sflag:s1] =	ssyncset.done $0x0  }
0x58: {  	s4 =	simm.s32 $0x4F10;
	[sflag:s1] =	ssyncadd.s32 $0xFFFFEC00  }
0x59: {  	[spmem:s2] =	stream.indirect.scatter.add.f32 [tilespmem:s20], [sflag:$0x9], $0x40, s4, s14, $0xb8;
	[tilespmem:$0x19C80] =	vst v63  }
0x5a: {  	_ =	swait.ge [sflag:s19], $0x1400  }
0x5b: {  	[sflag:s19] =	ssyncset.done $0x0  }
0x5c: {  	s5 =	simm.s32 $0x230;
	[sflag:s19] =	ssyncadd.s32 $0xFFFFEC00  }
0x5d: {  	[tilespmem:s18], [sflag:$0x3] =	stream.indirect.gather [hbm4b:s6+s14], $0x40, s5, s14, $0xb8;
	[tilespmem:$0x19C80] =	vst v63  }
0x5e: {  	_ =	swait.ge [sflag:s25], $0x1400  }
0x5f: {  	[sflag:s25] =	ssyncset.done $0x0  }
0x60: {  	s7 =	simm.s32 $0x4F60;
	[sflag:s25] =	ssyncadd.s32 $0xFFFFEC00  }
0x61: {  	[spmem:s2] =	stream.indirect.scatter.add.f32 [tilespmem:s23], [sflag:$0xA], $0x40, s7, s14, $0xb8;
	[tilespmem:$0x19C80] =	vst v63  }
0x62: {  	_ =	swait.ge [sflag:s30], $0x1400  }
0x63: {  	[sflag:s30] =	ssyncset.done $0x0  }
0x64: {  	s28 =	simm.s32 $0x0;
	s8 =	simm.s32 $0x280;
	[sflag:s30] =	ssyncadd.s32 $0xFFFFEC00  }
0x65: {  	[tilespmem:s20], [sflag:$0x4] =	stream.indirect.gather [hbm4b:s6+s14], $0x40, s8, s14, $0xb8;
	[tilespmem:$0x19C80] =	vst v63  }
.LBB2_2:
0x66: {  	_ =	swait.ge [sflag:s21], $0x1400  }
0x67: {  	s0 =	sshra.s32 s28, $0x2;
	[sflag:s21] =	ssyncset.done $0x0  }
0x68: {  	s4 =	sadd.s32 $0x4FB0, s0;
	[sflag:s21] =	ssyncadd.s32 $0xFFFFEC00  }
0x69: {  	[spmem:s2] =	stream.indirect.scatter.add.f32 [tilespmem:s15], [sflag:$0x6], $0x40, s4, s14, $0xb8;
	[tilespmem:$0x19C80] =	vst v63  }
0x6a: {  	_ =	swait.ge [sflag:s17], $0x1400  }
0x6b: {  	[sflag:s17] =	ssyncset.done $0x0  }
0x6c: {  	s5 =	sadd.s32 $0x2D0, s0;
	[sflag:s17] =	ssyncadd.s32 $0xFFFFEC00  }
0x6d: {  	[tilespmem:s23], [sflag:$0x5] =	stream.indirect.gather [hbm4b:s6+s14], $0x40, s5, s14, $0xb8;
	[tilespmem:$0x19C80] =	vst v63  }
0x6e: {  	_ =	swait.ge [sflag:s24], $0x1400  }
0x6f: {  	[sflag:s24] =	ssyncset.done $0x0  }
0x70: {  	s7 =	sadd.s32 $0x5000, s0;
	[sflag:s24] =	ssyncadd.s32 $0xFFFFEC00  }
0x71: {  	[spmem:s2] =	stream.indirect.scatter.add.f32 [tilespmem:s16], [sflag:$0x7], $0x40, s7, s14, $0xb8;
	[tilespmem:$0x19C80] =	vst v63  }
0x72: {  	_ =	swait.ge [sflag:s26], $0x1400  }
0x73: {  	p1 =	seq.s32 s28, $0x12C00;
	[sflag:s26] =	ssyncset.done $0x0  }
0x74: {  	s4 =	simm.s32 @p1 $0x3;
	[sflag:s26] =	ssyncadd.s32 $0xFFFFEC00  }
0x75: {  	_ =	swait.ge @p1 [sflag:s4], $0x1400  }
0x76: {  	[sflag:s4] =	ssyncset.done @p1 $0x0  }
0x77: {  	[sflag:s4] =	ssyncadd.s32 @p1 $0xFFFFEC00;
	s4 =	sshra.s32 @p1 s28, $0x2  }
0x78: {  	s5 =	simm.s32 @p1 $0x50;
	s7 =	simm.s32 @p1 $0xC440;
	s4 =	sadd.s32 @p1 $0x5050, s4  }
0x79: {  	[spmem:s2] =	stream.indirect.scatter.add.f32 @p1 [tilespmem:s7], [sflag:$0x8], $0x40, s4, s5, $0xb8;
	[tilespmem:$0x19C80] =	vst v63  }
0x7a: {  	s4 =	simm.s32 @p1 $0x7  }
0x7b: {  	_ =	swait.ge @p1 [sflag:s4], $0x1400  }
0x7c: {  	[sflag:s4] =	ssyncset.done @p1 $0x0  }
0x7d: {  	[sflag:s4] =	ssyncadd.s32 @p1 $0xFFFFEC00;
	s4 =	sshra.s32 @!p1 s28, $0x2  }
0x7e: {  	s8 =	simm.s32 @!p1 $0x9C40;
	s7 =	simm.s32 @!p1 $0x50;
	s5 =	sadd.s32 @!p1 $0x320, s4  }
0x7f: {  	[tilespmem:s8], [sflag:$0x1] =	stream.indirect.gather @!p1 [hbm4b:s6+s7], $0x40, s5, s7, $0xb8;
	[tilespmem:$0x19C80] =	vst v63  }
0x80: {  	s5 =	simm.s32 @!p1 $0x3  }
0x81: {  	_ =	swait.ge @!p1 [sflag:s5], $0x1400  }
0x82: {  	[sflag:s5] =	ssyncset.done @!p1 $0x0  }
0x83: {  	s8 =	simm.s32 @!p1 $0xC440;
	[sflag:s5] =	ssyncadd.s32 @!p1 $0xFFFFEC00;
	s5 =	sadd.s32 @!p1 $0x5050, s4  }
0x84: {  	[spmem:s2] =	stream.indirect.scatter.add.f32 @!p1 [tilespmem:s8], [sflag:$0x8], $0x40, s5, s7, $0xb8;
	[tilespmem:$0x19C80] =	vst v63  }
0x85: {  	s5 =	simm.s32 @!p1 $0x7  }
0x86: {  	_ =	swait.ge @!p1 [sflag:s5], $0x1400  }
0x87: {  	[sflag:s5] =	ssyncset.done @!p1 $0x0  }
0x88: {  	s4 =	sadd.s32 @!p1 $0x370, s4;
	[sflag:s5] =	ssyncadd.s32 @!p1 $0xFFFFEC00;
	s5 =	simm.s32 @!p1 $0xB040  }
0x89: {  	[tilespmem:s5], [sflag:$0x2] =	stream.indirect.gather @!p1 [hbm4b:s6+s7], $0x40, s4, s7, $0xb8;
	[tilespmem:$0x19C80] =	vst v63  }
0x8a: {  	_ =	swait.ge [sflag:s1], $0x1400  }
0x8b: {  	[sflag:s1] =	ssyncset.done $0x0  }
.Ltmp2:
0x8c: {  	s8 =	sadd.s32 $0x50A0, s0;
	[sflag:s1] =	ssyncadd.s32 $0xFFFFEC00;
	(pc) =	sbr.rel @p1 .LBB2_4-.Ltmp2, $4  }
0x8d: {  	[spmem:s2] =	stream.indirect.scatter.add.f32 [tilespmem:s20], [sflag:$0x9], $0x40, s8, s14, $0xb8;
	[tilespmem:$0x19C80] =	vst v63  }
0x8e: {  	_ =	swait.ge [sflag:s19], $0x1400  }
0x8f: {  	[sflag:s19] =	ssyncset.done $0x0  }
0x90: {  	s4 =	sadd.s32 $0x50F0, s0;
	[sflag:s19] =	ssyncadd.s32 $0xFFFFEC00  }
0x91: {  	s5 =	sadd.s32 $0x3C0, s0  }
0x92: {  	[tilespmem:s18], [sflag:$0x3] =	stream.indirect.gather [hbm4b:s6+s14], $0x40, s5, s14, $0xb8;
	[tilespmem:$0x19C80] =	vst v63  }
0x93: {  	_ =	swait.ge [sflag:s25], $0x1400  }
0x94: {  	[sflag:s25] =	ssyncset.done $0x0  }
0x95: {  	[sflag:s25] =	ssyncadd.s32 $0xFFFFEC00  }
0x96: {  	[spmem:s2] =	stream.indirect.scatter.add.f32 [tilespmem:s23], [sflag:$0xA], $0x40, s4, s14, $0xb8;
	[tilespmem:$0x19C80] =	vst v63  }
.Ltmp3:
0x97: {  	_ = 	snop;
	(pc) =	sbr.rel .LBB2_2-.Ltmp3, $4  }
0x98: {  	_ =	swait.ge [sflag:s30], $0x1400  }
0x99: {  	[sflag:s30] =	ssyncset.done $0x0  }
0x9a: {  	s8 =	sadd.s32 $0x410, s0;
	s28 =	sadd.s32 $0x640, s28;
	[sflag:s30] =	ssyncadd.s32 $0xFFFFEC00  }
0x9b: {  	[tilespmem:s20], [sflag:$0x4] =	stream.indirect.gather [hbm4b:s6+s14], $0x40, s8, s14, $0xb8;
	[tilespmem:$0x19C80] =	vst v63  }
.LBB2_5:
0x9c: {  	_ =	sfence.sel $0x180000  }
0x9d: {  	[bflag:$0x0] =	sbarrier.arrive $0xFFFF  }
0x9e: {  	_ =	strace $0x9000004A  }
0x9f: {  	s0 =	stileid.u32;
	[bflag:$0x2] =	sbarrier.arrive $0xFFFF  }
0xa0: {  	p0 =	sne.s32 s0, $0x0;
	s0 =	rddreg [dreg:$0x2]  }
0xa1: {  	s0 =	sadd.s32 @!p0 $0x100000, s0  }
0xa2: {  	[sflag:s0] =	ssyncadd.tile.s32 @!p0 $0x1;
	_ =	shalt  }
.Lfunc_end2:
_tile_overlayer_lowered:
.L_overlay_start_2:
0xa3: {  	(tag) =	ssettag $0x2  }
0xa4: {  	s0 =	rddreg [dreg:$0x0];
	s2 =	stileid.u32  }
0xa5: {  	s1 =	rddreg [dreg:$0x1];
	p0 =	sne.s32 s2, $0x0  }
0xa6: {  	s3 =	rddreg [dreg:$0x2];
	[bflag:$0x3] =	sbarrier.arrive $0xFFFF;
	s2 =	simm.s32 @!p0 $0x1C0B  }
0xa7: {  	[timem:s3], [sflag:s2] =	dma.local @!p0 [hbm:s0], s1  }
0xa8: {  	s0 =	simm.s32 @!p0 $0xB  }
0xa9: {  	_ =	swait.ge @!p0 [sflag:s0], s1  }
0xaa: {  	s1 =	ssub.s32 @!p0 $0x0, s1;
	[sflag:s0] =	ssyncset.done @!p0 $0x0  }
0xab: {  	[sflag:s0] =	ssyncadd.s32 @!p0 s1  }
0xac: {  	[bflag:$0x3] =	sbarrier.arrive $0xFFFF  }
0xad: {  	_ =	shalt  }

// kernel: kernel.14.cloned.1.call-start
scs
__scs_entry_jumppad:
0x0: {  	(pc) =	sbr.rel $0x88, $3  }
0x1: {  	(tag) =	ssettag $0x0;
	lr =	simm.s32 $0x1  }
0x2: {  	[smem:$0x3F97] =	sst lr;
	_ =	strace $0xD0000000  }
0x3: {  	_ = 	snop  }
0x4: {  	_ = 	snop  }
0x5: {  	_ = 	snop  }
0x6: {  	_ = 	snop  }
0x7: {  	_ = 	snop  }
__scs_overlays_trampoline_lowered:
0x8: {  	[smem:$0x3FA6] =	sst s0  }
0x9: {  	[smem:$0x3FA7] =	sst s1  }
0xa: {  	[smem:$0x3FA8] =	sst s2  }
0xb: {  	[smem:$0x3FA9] =	sst s3  }
0xc: {  	[smem:$0x3FAA] =	sst s4  }
0xd: {  	[smem:$0x3FAB] =	sst s5  }
0xe: {  	[smem:$0x3FAC] =	sst s6  }
0xf: {  	[smem:$0x3FAD] =	sst s7  }
0x10: {  	[smem:$0x3FAE] =	sst s8  }
0x11: {  	[smem:$0x3FAF] =	sst s9;
	s0 =	simm.s32 @!p0 $0x0  }
0x12: {  	s1 =	sld [smem:$0x3F95];
	s0 =	simm.s32 @p0 $0x1  }
0x13: {  	[smem:$0x3FB0] =	sst s0;
	s0 =	simm.s32 @!p1 $0x0  }
0x14: {  	s2 =	sld [smem:$0x3F94];
	s0 =	simm.s32 @p1 $0x1  }
0x15: {  	[smem:$0x3FB1] =	sst s0;
	s0 =	simm.s32 @!p2 $0x0  }
0x16: {  	s3 =	sld [smem:$0x3FDB];
	s0 =	simm.s32 @p2 $0x1  }
0x17: {  	s4 =	simm.s32 $0x1BF5;
	[smem:$0x3FB3] =	sst s0  }
0x18: {  	s0 =	sld [smem:$0x3F96];
	_ =	swait.ge [sflag:s4], $0x0  }
0x19: {  	s7 =	sld [smem:$0x3F97]  }
0x1a: {  	s8 =	sadd.s32 $0xFFFFE003, lr  }
0x1b: {  	s9 =	sadd.s32 $0xFFFFFEF7, lr;
	s5 =	simm.s32 $0xFFFFFFFF;
	p2 =	slt.u32 s8, $0xFFFFF086  }
0x1c: {  	p1 =	slt.u32 s9, $0xF7A;
	s5 =	simm.s32 @!p2 $0x0  }
0x1d: {  	s5 =	simm.s32 @p1 $0x1;
	p0 =	seq.s32 s7, s2  }
0x1e: {  	s7 =	smul.u32 @!p0 $0xF7A, s2;
	p2 =	seq.s32 @!p0 s5, $0x0  }
0x1f: {  	s9 =	smul.u32 $0xF7A, s1;
	s8 =	simm.s32 @!p0 $0x1BF5;
	p2 =	por !p2, p0  }
0x20: {  	[sflag:s8] =	ssyncset.s32 @!p0 $0xFFFFF086;
	s6 =	sadd.s32 @!p0 s3, s7;
	s7 =	simm.s32 @!p0 $0x108  }
0x21: {  	s3 =	sadd.s32 s3, s9;
	s6 =	sadd.s32 @!p0 $0x88, s6;
	s7 =	simm.s32 @p2 $0x1082  }
0x22: {  	[simem:s7], [sflag:s8] =	dma.local @!p0 [hbm:s6], $0xF7A  }
0x23: {  	s9 =	sor.u32 $0xD0000000, s2;
	s6 =	simm.s32 $0x108;
	_ =	swait.ge @!p0 [sflag:s8], $0x0  }
0x24: {  	s3 =	sadd.s32 $0x88, s3;
	s6 =	simm.s32 @!p1 $0x1082;
	[sflag:s4] =	ssyncset.s32 $0xFFFFF086  }
0x25: {  	[simem:s6], [sflag:s4] =	dma.local [hbm:s3], $0xF7A  }
0x26: {  	[smem:$0x3F97] =	sst s1;
	(tag) =	ssettag s2;
	_ =	strace s9  }
0x27: {  	s1 =	sld [smem:$0x3FA7]  }
0x28: {  	s2 =	sld [smem:$0x3FA8]  }
0x29: {  	s4 =	sld [smem:$0x3FAA]  }
0x2a: {  	p0 =	seq.s32 s5, $0x0;
	s5 =	sld [smem:$0x3FAB]  }
0x2b: {  	s6 =	sld [smem:$0x3FAC]  }
0x2c: {  	s7 =	sld [smem:$0x3FAD]  }
0x2d: {  	s3 =	simm.s32 $0x108;
	s8 =	sld [smem:$0x3FAE]  }
0x2e: {  	s3 =	simm.s32 @!p0 $0x1082;
	s9 =	sld [smem:$0x3FAF]  }
0x2f: {  	lr =	sadd.s32 s0, s3;
	s0 =	sld [smem:$0x3FA6]  }
0x30: {  	s3 =	sld [smem:$0x3FA9]  }
0x31: {  	[smem:$0x3FB2] =	sst s10  }
0x32: {  	s10 =	sld [smem:$0x3FB0];
	_ =	sdelay $0x3  }
0x33: {  	p0 =	seq.s32 s10, $0x1;
	s10 =	sld [smem:$0x3FB2];
	_ =	sdelay $0x3  }
0x34: {  	[smem:$0x3FB2] =	sst s10  }
0x35: {  	s10 =	sld [smem:$0x3FB1];
	_ =	sdelay $0x3  }
0x36: {  	p1 =	seq.s32 s10, $0x1;
	s10 =	sld [smem:$0x3FB2];
	_ =	sdelay $0x3  }
0x37: {  	[smem:$0x3FB2] =	sst s10  }
0x38: {  	s10 =	sld [smem:$0x3FB3]  }
0x39: {  	_ = 	snop;
	(pc) =	sbr.ind lr, $3  }
0x3a: {  	_ = 	snop  }
0x3b: {  	_ = 	snop  }
0x3c: {  	p2 =	seq.s32 s10, $0x1;
	s10 =	sld [smem:$0x3FB2]  }
0x3d: {  	_ =	shalt  }
0x3e: {  	_ =	shalt  }
0x3f: {  	_ =	shalt  }
0x40: {  	_ =	shalt  }
0x41: {  	_ =	shalt  }
0x42: {  	_ =	shalt  }
0x43: {  	_ =	shalt  }
0x44: {  	_ =	shalt  }
0x45: {  	_ =	shalt  }
0x46: {  	_ =	shalt  }
0x47: {  	_ =	shalt  }
0x48: {  	_ =	shalt  }
0x49: {  	_ =	shalt  }
0x4a: {  	_ =	shalt  }
0x4b: {  	_ =	shalt  }
0x4c: {  	_ =	shalt  }
0x4d: {  	_ =	shalt  }
0x4e: {  	_ =	shalt  }
0x4f: {  	_ =	shalt  }
0x50: {  	_ =	shalt  }
0x51: {  	_ =	shalt  }
0x52: {  	_ =	shalt  }
0x53: {  	_ =	shalt  }
0x54: {  	_ =	shalt  }
0x55: {  	_ =	shalt  }
0x56: {  	_ =	shalt  }
0x57: {  	_ =	shalt  }
0x58: {  	_ =	shalt  }
0x59: {  	_ =	shalt  }
0x5a: {  	_ =	shalt  }
0x5b: {  	_ =	shalt  }
0x5c: {  	_ =	shalt  }
0x5d: {  	_ =	shalt  }
0x5e: {  	_ =	shalt  }
0x5f: {  	_ =	shalt  }
0x60: {  	_ =	shalt  }
0x61: {  	_ =	shalt  }
0x62: {  	_ =	shalt  }
0x63: {  	_ =	shalt  }
0x64: {  	_ =	shalt  }
0x65: {  	_ =	shalt  }
0x66: {  	_ =	shalt  }
0x67: {  	_ =	shalt  }
0x68: {  	_ =	shalt  }
0x69: {  	_ =	shalt  }
0x6a: {  	_ =	shalt  }
0x6b: {  	_ =	shalt  }
0x6c: {  	_ =	shalt  }
0x6d: {  	_ =	shalt  }
0x6e: {  	_ =	shalt  }
0x6f: {  	_ =	shalt  }
0x70: {  	_ =	shalt  }
0x71: {  	_ =	shalt  }
0x72: {  	_ =	shalt  }
0x73: {  	_ =	shalt  }
0x74: {  	_ =	shalt  }
0x75: {  	_ =	shalt  }
0x76: {  	_ =	shalt  }
0x77: {  	_ =	shalt  }
0x78: {  	_ =	shalt  }
0x79: {  	_ =	shalt  }
0x7a: {  	_ =	shalt  }
0x7b: {  	_ =	shalt  }
0x7c: {  	_ =	shalt  }
0x7d: {  	_ =	shalt  }
0x7e: {  	_ =	shalt  }
0x7f: {  	_ =	shalt  }
0x80: {  	_ =	shalt  }
0x81: {  	_ =	shalt  }
0x82: {  	_ =	shalt  }
0x83: {  	_ =	shalt  }
0x84: {  	_ =	shalt  }
0x85: {  	_ =	shalt  }
0x86: {  	_ =	shalt  }
0x87: {  	_ =	shalt  }
.Lfunc_end0:
.L_simem_size_0:
called_computation.2_lowered:
.L_overlay_start_0:
0x88: {  	s2 =	sld [smem:$0x3FD9]  }
0x89: {  	s3 =	sld [smem:$0x3FFE];
	_ =	sdelay $0x1  }
0x8a: {  	s1 =	srdreg.scid  }
0x8b: {  	s0 =	sand.u32 $0x1, s1  }
0x8c: {  	s16 =	sshll.u32 s0, $0xA;
	s2 =	sadd.s32 s3, s2  }
0x8d: {  	s2 =	sadd.s32 s2, s16  }
0x8e: {  	[smem:$0x3FBE] =	sst s2  }
0x8f: {  	_ = 	snop  }
0x90: {  	(tm) =	ssettm $0x1  }
0x91: {  	s17 =	sld [smem:$0x3FFB];
	_ =	sdelay $0x3  }
0x92: {  	_ =	strace s17  }
0x93: {  	s2 =	sld [smem:$0x3FFC];
	_ =	sdelay $0x3  }
0x94: {  	_ =	strace s2  }
0x95: {  	s2 =	sld [smem:$0x3FFD];
	_ =	sdelay $0x3  }
0x96: {  	_ =	strace s2  }
0x97: {  	_ =	strace $0x8FFFFFFF  }
0x98: {  	s18 =	sld [smem:$0x3FDB];
	_ =	sdelay $0x1  }
0x99: {  	s19 =	simm.s32 $_scs_section_size  }
0x9a: {  	s4 =	simm.s32 $_size__tile_overlayer_lowered;
	s5 =	simm.s32 $_tile_overlayer_lowered  }
0x9b: {  	s22 =	simm.s32 $0x1BFF;
	s21 =	sshll.u32 s5, $0x1;
	s2 =	sadd.s32 s19, s18  }
0x9c: {  	s6 =	simm.s32 $0x0;
	s20 =	sshll.u32 s4, $0x1;
	s4 =	sadd.s32 s21, s2  }
0x9d: {  	[timem:s6], [sflag:s22] =	dma.local [hbm:s4], s20  }
0x9e: {  	_ =	swait.ge [sflag:s22], s20  }
0x9f: {  	s3 =	ssub.s32 $0x0, s20;
	[sflag:s22] =	ssyncset.done $0x0  }
0xa0: {  	[sflag:s22] =	ssyncadd.s32 s3;
	_ =	sdelay $0x1  }
0xa1: {  	s23 =	simm.s32 $0x1B8B  }
0xa2: {  	_ =	swait.ge [sflag:s23], $0x1  }
0xa3: {  	[sflag:s23] =	ssyncset.done $0x0  }
0xa4: {  	s25 =	simm.s32 $0x1B8E;
	s24 =	sld [smem:$0x3FFE];
	[sflag:s23] =	ssyncadd.s32 $0xFFFFFFFF  }
0xa5: {  	s26 =	simm.s32 $execute0_lowered;
	[smem:$0x3FD2] =	sst s25  }
0xa6: {  	s4 =	sshll.u32 s26, $0x1;
	_ =	strace $0x8000004C;
	[dreg:$0x1] =	wrdreg $0xFFFFFFFF  }
0xa7: {  	s28 =	simm.s32 $_size_execute0_lowered;
	s2 =	sadd.s32 s2, s4;
	[dreg:$0x0] =	wrdreg $0x0  }
0xa8: {  	s4 =	sshll.u32 s28, $0x1;
	[dreg:$0x2] =	wrdreg s2  }
0xa9: {  	[dreg:$0x3] =	wrdreg s4  }
0xaa: {  	[dreg:$0x4] =	wrdreg $0xC0  }
0xab: {  	_ =	task [dreg:s6], $0x5FFFF  }
0xac: {  	[dreg:$0x1] =	wrdreg $0xFFFFFFFF  }
0xad: {  	[dreg:$0x0] =	wrdreg $0x60  }
0xae: {  	[dreg:$0x2] =	wrdreg s24  }
0xaf: {  	[dreg:$0x3] =	wrdreg $0xCE400  }
0xb0: {  	[dreg:$0x4] =	wrdreg $0x9  }
0xb1: {  	_ =	task.clear_ibuf [dreg:s6], $0x5FFFF;
	_ =	strace $0x9000004C  }
0xb2: {  	s29 =	simm.s32 $0x9;
	_ =	strace $0x8000004E  }
0xb3: {  	_ =	swait.ge [sflag:s29], $0x1  }
0xb4: {  	[sflag:s29] =	ssyncadd.s32 $0xFFFFFFFF  }
0xb5: {  	_ =	strace $0x9000004E  }
0xb6: {  	_ =	sfence  }
0xb7: {  	s30 =	sld [smem:$0x0];
	_ =	sdelay $0x2  }
0xb8: {  	s31 =	sshll.u32 s1, $0xD;
	s1 =	sshrl.u32 s1, $0x2  }
0xb9: {  	s3 =	sand.u32 $0x4000, s31;
	s1 =	sadd.s32 s1, s30  }
0xba: {  	s0 =	sor.u32 s3, s0;
	s1 =	sshll.u32 s1, $0x11  }
0xbb: {  	s0 =	sor.u32 s1, s0  }
0xbc: {  	s0 =	sadd.s32 $0x8F2B, s0  }
0xbd: {  	[sflag:s0] =	ssyncadd.remote.s32 $0x1  }
0xbe: {  	_ =	sfence.sel $0xFFFF  }
0xbf: {  	[dreg:$0x0] =	wrdreg $0xFFFFFFFF;
	(pc) =	sbr.abs _section_cstart, $3  }
0xc0: {  	[dreg:$0x1] =	wrdreg $0xFFFFFFFF  }
0xc1: {  	_ =	task.clear_ibuf [dreg:s6], $0x2FFFF;
	_ =	strace $0x9FFFFFFF  }
0xc2: {  	(tm) =	ssettm $0x7FFFFFFF  }
0xc3: {  	_ =	shalt  }
tec
execute0_lowered:
.L_overlay_start_1:
0x0: {  	(tag) =	ssettag $0x1  }
0x1: {  	s0 =	rddreg [dreg:$0x0]  }
0x2: {  	s2 =	rddreg [dreg:$0x1]  }
0x3: {  	s10 =	stileid.u32;
	s1 =	srdreg.scid  }
0x4: {  	s3 =	simm.s32 $0x0;
	s12 =	simm.s32 $0xB;
	s13 =	simm.s32 $0x4E20  }
0x5: {  	s14 =	simm.s32 $0x50;
	s15 =	simm.s32 $0x9C40;
	s16 =	simm.s32 $0xA640  }
0x6: {  	s18 =	simm.s32 $0xB040;
	s20 =	simm.s32 $0xBA40;
	s21 =	simm.s32 $0x1  }
0x7: {  	s29 =	simm.s32 $0x3;
	s31 =	simm.s32 $0x7;
	s19 =	simm.s32 $0x8  }
0x8: {  	s30 =	simm.s32 $0x9;
	s17 =	simm.s32 $0xA;
	s4 =	smul.u32 $0x7D00, s10  }
0x9: {  	s22 =	simm.s32 $0x0;
	s1 =	sand.u32 $0x1, s1;
	s7 =	smul.u32 $0x9C4, s10  }
0xa: {  	[smem:$0x7FF] =	sst s3;
	s6 =	sadd.s32 $0x15A00, s0;
	s5 =	smul.u32 $0x4E200, s1  }
0xb: {  	p0 =	sgt.u32 s10, $0x9;
	s9 =	ssub.s32 $0x2, s1;
	s1 =	smul.u32 $0x9C40, s1  }
0xc: {  	_ =	strace $0x8000004D;
	s7 =	sadd.s32 s7, s0;
	s23 =	sshrl.u32 s9, $0x1  }
0xd: {  	s11 =	sadd.s32 s4, s2;
	s8 =	sadd.s32 s4, s5;
	s1 =	sadd.s32 s6, s1  }
0xe: {  	s4 =	sshrl.u32 s4, $0x3;
	s24 =	sadd.s32 $0x1E00, s7;
	s25 =	sshrl.u32 s5, $0x3  }
0xf: {  	s26 =	sadd.s32 $0xBC00, s7;
	s11 =	sshrl.u32 @!p0 s11, $0x3;
	[dreg:$0x3] =	wrdreg s24  }
0x10: {  	s8 =	sshrl.u32 s8, $0x3;
	[dreg:$0x4] =	wrdreg s26;
	s6 =	sadd.s32 s6, s25  }
.Ltmp0:
0x11: {  	s24 =	simm.s32 $0x2;
	s26 =	simm.s32 $0x6;
	(pc) =	sbr.rel .LBB2_1-.Ltmp0, $4  }
0x12: {  	s25 =	simm.s32 $0x5;
	s0 =	sadd.s32 s8, s0;
	s8 =	ssub.s32 s9, s23  }
0x13: {  	s9 =	sadd.s32 @!p0 s4, s1;
	s23 =	simm.s32 $0xC440;
	s0 =	sadd.s32 $0x29400, s0  }
0x14: {  	s28 =	smax.u32 s8, $0x1;
	[dreg:$0x5] =	wrdreg s0;
	s0 =	sshll.u32 @!p0 s10, $0x6  }
0x15: {  	s1 =	simm.s32 $0x4;
	[dreg:$0x6] =	wrdreg s28;
	s10 =	sor.u32 @!p0 $0x1C0B, s0  }
.LBB2_4:
0x16: {  	_ =	swait.ge [sflag:s25], $0xA00  }
0x17: {  	[sflag:s25] =	ssyncset.done $0x0  }
0x18: {  	[sflag:s25] =	ssyncadd.s32 $0xFFFFF600  }
0x19: {  	[spmem:s2] =	stream.indirect.scatter.add.f32 [tilespmem:s23], [sflag:$0xA], $0x20, s4, s14, $0xb8;
	[tilespmem:$0x11C60] =	vst v63  }
0x1a: {  	_ =	swait.ge [sflag:s30], $0xA00  }
0x1b: {  	[sflag:s30] =	ssyncset.done $0x0  }
0x1c: {  	[sflag:s30] =	ssyncadd.s32 $0xFFFFF600  }
0x1d: {  	_ =	swait.ge [sflag:s17], $0xA00  }
0x1e: {  	[sflag:s17] =	ssyncset.done $0x0  }
0x1f: {  	[sflag:s17] =	ssyncadd.s32 $0xFFFFF600  }
0x20: {  	[bflag:$0x0] =	sbarrier.arrive $0xFFFF  }
0x21: {  	s0 =	rddreg [dreg:$0x5]  }
0x22: {  	[hbm:s0], [sflag:s10] =	dma.local @!p0 [spmem:s11], $0xFA0  }
0x23: {  	s0 =	simm.s32 @!p0 $0xB  }
0x24: {  	_ =	swait.ge @!p0 [sflag:s0], $0xFA0  }
0x25: {  	s22 =	sadd.s32 $0x1, s22;
	s28 =	rddreg [dreg:$0x6]  }
0x26: {  	p1 =	sne.s32 s22, s28  }
.Ltmp1:
0x27: {  	_ = 	snop;
	(pc) =	sbr.rel @!p1 .LBB2_5-.Ltmp1, $3  }
0x28: {  	_ =	sdelay $0x1  }
0x29: {  	[sflag:s0] =	ssyncset.done @!p0 $0x0  }
0x2a: {  	[sflag:s0] =	ssyncadd.s32 @!p0 $0xFFFFF060  }
.LBB2_1:
0x2b: {  	[spmem:s11], [sflag:s10] =	dma.local @!p0 [hbm:s9], $0xFA0  }
0x2c: {  	s0 =	simm.s32 @!p0 $0xB  }
0x2d: {  	_ =	swait.ge @!p0 [sflag:s0], $0xFA0  }
0x2e: {  	[sflag:s0] =	ssyncset.done @!p0 $0x0  }
0x2f: {  	s8 =	rddreg [dreg:$0x3];
	[sflag:s0] =	ssyncadd.s32 @!p0 $0xFFFFF060  }
0x30: {  	[tilespmem:s3], [sflag:$0xB] =	stream.linear.gather [hbm4b:s8+s3], $0x4E20, $0x38;
	[tilespmem:$0x11C60] =	vst v63  }
0x31: {  	_ =	swait.ge [sflag:s12], $0x4E20  }
0x32: {  	[sflag:s12] =	ssyncset.done $0x0  }
0x33: {  	s4 =	rddreg [dreg:$0x4];
	[sflag:s12] =	ssyncadd.s32 $0xFFFFB1E0  }
0x34: {  	[tilespmem:s13], [sflag:$0xB] =	stream.linear.gather [hbm4b:s4+s3], $0x4E20, $0x38;
	[tilespmem:$0x11C60] =	vst v63  }
0x35: {  	_ =	swait.ge [sflag:s12], $0x4E20  }
0x36: {  	[sflag:s12] =	ssyncset.done $0x0  }
0x37: {  	[sflag:s12] =	ssyncadd.s32 $0xFFFFB1E0  }
0x38: {  	[bflag:$0x0] =	sbarrier.arrive $0xFFFF  }
0x39: {  	[tilespmem:s15], [sflag:$0x1] =	stream.indirect.gather [hbm4b:s6+s14], $0x20, s3, s14, $0xb8;
	[tilespmem:$0x11C60] =	vst v63  }
0x3a: {  	_ = 	snop  }
0x3b: {  	[tilespmem:s16], [sflag:$0x2] =	stream.indirect.gather [hbm4b:s6+s14], $0x20, s14, s14, $0xb8;
	[tilespmem:$0x11C60] =	vst v63  }
0x3c: {  	s5 =	simm.s32 $0xA0  }
0x3d: {  	[tilespmem:s18], [sflag:$0x3] =	stream.indirect.gather [hbm4b:s6+s14], $0x20, s5, s14, $0xb8;
	[tilespmem:$0x11C60] =	vst v63  }
0x3e: {  	s7 =	simm.s32 $0xF0  }
0x3f: {  	[tilespmem:s20], [sflag:$0x4] =	stream.indirect.gather [hbm4b:s6+s14], $0x20, s7, s14, $0xb8;
	[tilespmem:$0x11C60] =	vst v63  }
0x40: {  	_ =	swait.ge [sflag:s21], $0xA00  }
0x41: {  	[sflag:s21] =	ssyncset.done $0x0  }
0x42: {  	[sflag:s21] =	ssyncadd.s32 $0xFFFFF600  }
0x43: {  	[spmem:s2] =	stream.indirect.scatter.add.f32 [tilespmem:s15], [sflag:$0x6], $0x20, s13, s14, $0xb8;
	[tilespmem:$0x11C60] =	vst v63  }
0x44: {  	s8 =	simm.s32 $0x140  }
0x45: {  	[tilespmem:s23], [sflag:$0x5] =	stream.indirect.gather [hbm4b:s6+s14], $0x20, s8, s14, $0xb8;
	[tilespmem:$0x11C60] =	vst v63  }
0x46: {  	_ =	swait.ge [sflag:s24], $0xA00  }
0x47: {  	[sflag:s24] =	ssyncset.done $0x0  }
0x48: {  	s4 =	simm.s32 $0x4E70;
	[sflag:s24] =	ssyncadd.s32 $0xFFFFF600  }
0x49: {  	[spmem:s2] =	stream.indirect.scatter.add.f32 [tilespmem:s16], [sflag:$0x7], $0x20, s4, s14, $0xb8;
	[tilespmem:$0x11C60] =	vst v63  }
0x4a: {  	_ =	swait.ge [sflag:s26], $0xA00  }
0x4b: {  	[sflag:s26] =	ssyncset.done $0x0  }
0x4c: {  	s5 =	simm.s32 $0x190;
	[sflag:s26] =	ssyncadd.s32 $0xFFFFF600  }
0x4d: {  	[tilespmem:s15], [sflag:$0x1] =	stream.indirect.gather [hbm4b:s6+s14], $0x20, s5, s14, $0xb8;
	[tilespmem:$0x11C60] =	vst v63  }
0x4e: {  	_ =	swait.ge [sflag:s29], $0xA00  }
0x4f: {  	[sflag:s29] =	ssyncset.done $0x0  }
0x50: {  	s7 =	simm.s32 $0x4EC0;
	[sflag:s29] =	ssyncadd.s32 $0xFFFFF600  }
0x51: {  	[spmem:s2] =	stream.indirect.scatter.add.f32 [tilespmem:s18], [sflag:$0x8], $0x20, s7, s14, $0xb8;
	[tilespmem:$0x11C60] =	vst v63  }
0x52: {  	_ =	swait.ge [sflag:s31], $0xA00  }
0x53: {  	[sflag:s31] =	ssyncset.done $0x0  }
0x54: {  	s8 =	simm.s32 $0x1E0;
	[sflag:s31] =	ssyncadd.s32 $0xFFFFF600  }
0x55: {  	[tilespmem:s16], [sflag:$0x2] =	stream.indirect.gather [hbm4b:s6+s14], $0x20, s8, s14, $0xb8;
	[tilespmem:$0x11C60] =	vst v63  }
0x56: {  	_ =	swait.ge [sflag:s1], $0xA00  }
0x57: {  	[sflag:s1] =	ssyncset.done $0x0  }
0x58: {  	s4 =	simm.s32 $0x4F10;
	[sflag:s1] =	ssyncadd.s32 $0xFFFFF600  }
0x59: {  	[spmem:s2] =	stream.indirect.scatter.add.f32 [tilespmem:s20], [sflag:$0x9], $0x20, s4, s14, $0xb8;
	[tilespmem:$0x11C60] =	vst v63  }
0x5a: {  	_ =	swait.ge [sflag:s19], $0xA00  }
0x5b: {  	[sflag:s19] =	ssyncset.done $0x0  }
0x5c: {  	s5 =	simm.s32 $0x230;
	[sflag:s19] =	ssyncadd.s32 $0xFFFFF600  }
0x5d: {  	[tilespmem:s18], [sflag:$0x3] =	stream.indirect.gather [hbm4b:s6+s14], $0x20, s5, s14, $0xb8;
	[tilespmem:$0x11C60] =	vst v63  }
0x5e: {  	_ =	swait.ge [sflag:s25], $0xA00  }
0x5f: {  	[sflag:s25] =	ssyncset.done $0x0  }
0x60: {  	s7 =	simm.s32 $0x4F60;
	[sflag:s25] =	ssyncadd.s32 $0xFFFFF600  }
0x61: {  	[spmem:s2] =	stream.indirect.scatter.add.f32 [tilespmem:s23], [sflag:$0xA], $0x20, s7, s14, $0xb8;
	[tilespmem:$0x11C60] =	vst v63  }
0x62: {  	_ =	swait.ge [sflag:s30], $0xA00  }
0x63: {  	[sflag:s30] =	ssyncset.done $0x0  }
0x64: {  	s28 =	simm.s32 $0x0;
	s8 =	simm.s32 $0x280;
	[sflag:s30] =	ssyncadd.s32 $0xFFFFF600  }
0x65: {  	[tilespmem:s20], [sflag:$0x4] =	stream.indirect.gather [hbm4b:s6+s14], $0x20, s8, s14, $0xb8;
	[tilespmem:$0x11C60] =	vst v63  }
.LBB2_2:
0x66: {  	_ =	swait.ge [sflag:s21], $0xA00  }
0x67: {  	s0 =	sshra.s32 s28, $0x2;
	[sflag:s21] =	ssyncset.done $0x0  }
0x68: {  	s4 =	sadd.s32 $0x4FB0, s0;
	[sflag:s21] =	ssyncadd.s32 $0xFFFFF600  }
0x69: {  	[spmem:s2] =	stream.indirect.scatter.add.f32 [tilespmem:s15], [sflag:$0x6], $0x20, s4, s14, $0xb8;
	[tilespmem:$0x11C60] =	vst v63  }
0x6a: {  	_ =	swait.ge [sflag:s17], $0xA00  }
0x6b: {  	[sflag:s17] =	ssyncset.done $0x0  }
0x6c: {  	s5 =	sadd.s32 $0x2D0, s0;
	[sflag:s17] =	ssyncadd.s32 $0xFFFFF600  }
0x6d: {  	[tilespmem:s23], [sflag:$0x5] =	stream.indirect.gather [hbm4b:s6+s14], $0x20, s5, s14, $0xb8;
	[tilespmem:$0x11C60] =	vst v63  }
0x6e: {  	_ =	swait.ge [sflag:s24], $0xA00  }
0x6f: {  	[sflag:s24] =	ssyncset.done $0x0  }
0x70: {  	s7 =	sadd.s32 $0x5000, s0;
	[sflag:s24] =	ssyncadd.s32 $0xFFFFF600  }
0x71: {  	[spmem:s2] =	stream.indirect.scatter.add.f32 [tilespmem:s16], [sflag:$0x7], $0x20, s7, s14, $0xb8;
	[tilespmem:$0x11C60] =	vst v63  }
0x72: {  	_ =	swait.ge [sflag:s26], $0xA00  }
0x73: {  	p1 =	seq.s32 s28, $0x12C00;
	[sflag:s26] =	ssyncset.done $0x0  }
0x74: {  	s4 =	simm.s32 @p1 $0x3;
	[sflag:s26] =	ssyncadd.s32 $0xFFFFF600  }
0x75: {  	_ =	swait.ge @p1 [sflag:s4], $0xA00  }
0x76: {  	[sflag:s4] =	ssyncset.done @p1 $0x0  }
0x77: {  	[sflag:s4] =	ssyncadd.s32 @p1 $0xFFFFF600;
	s4 =	sshra.s32 @p1 s28, $0x2  }
0x78: {  	s5 =	simm.s32 @p1 $0x50;
	s7 =	simm.s32 @p1 $0xB040;
	s4 =	sadd.s32 @p1 $0x5050, s4  }
0x79: {  	[spmem:s2] =	stream.indirect.scatter.add.f32 @p1 [tilespmem:s7], [sflag:$0x8], $0x20, s4, s5, $0xb8;
	[tilespmem:$0x11C60] =	vst v63  }
0x7a: {  	s4 =	simm.s32 @p1 $0x7  }
0x7b: {  	_ =	swait.ge @p1 [sflag:s4], $0xA00  }
0x7c: {  	[sflag:s4] =	ssyncset.done @p1 $0x0  }
0x7d: {  	[sflag:s4] =	ssyncadd.s32 @p1 $0xFFFFF600;
	s4 =	sshra.s32 @!p1 s28, $0x2  }
0x7e: {  	s8 =	simm.s32 @!p1 $0x9C40;
	s7 =	simm.s32 @!p1 $0x50;
	s5 =	sadd.s32 @!p1 $0x320, s4  }
0x7f: {  	[tilespmem:s8], [sflag:$0x1] =	stream.indirect.gather @!p1 [hbm4b:s6+s7], $0x20, s5, s7, $0xb8;
	[tilespmem:$0x11C60] =	vst v63  }
0x80: {  	s5 =	simm.s32 @!p1 $0x3  }
0x81: {  	_ =	swait.ge @!p1 [sflag:s5], $0xA00  }
0x82: {  	[sflag:s5] =	ssyncset.done @!p1 $0x0  }
0x83: {  	s8 =	simm.s32 @!p1 $0xB040;
	[sflag:s5] =	ssyncadd.s32 @!p1 $0xFFFFF600;
	s5 =	sadd.s32 @!p1 $0x5050, s4  }
0x84: {  	[spmem:s2] =	stream.indirect.scatter.add.f32 @!p1 [tilespmem:s8], [sflag:$0x8], $0x20, s5, s7, $0xb8;
	[tilespmem:$0x11C60] =	vst v63  }
0x85: {  	s5 =	simm.s32 @!p1 $0x7  }
0x86: {  	_ =	swait.ge @!p1 [sflag:s5], $0xA00  }
0x87: {  	[sflag:s5] =	ssyncset.done @!p1 $0x0  }
0x88: {  	s4 =	sadd.s32 @!p1 $0x370, s4;
	[sflag:s5] =	ssyncadd.s32 @!p1 $0xFFFFF600;
	s5 =	simm.s32 @!p1 $0xA640  }
0x89: {  	[tilespmem:s5], [sflag:$0x2] =	stream.indirect.gather @!p1 [hbm4b:s6+s7], $0x20, s4, s7, $0xb8;
	[tilespmem:$0x11C60] =	vst v63  }
0x8a: {  	_ =	swait.ge [sflag:s1], $0xA00  }
0x8b: {  	[sflag:s1] =	ssyncset.done $0x0  }
.Ltmp2:
0x8c: {  	s8 =	sadd.s32 $0x50A0, s0;
	[sflag:s1] =	ssyncadd.s32 $0xFFFFF600;
	(pc) =	sbr.rel @p1 .LBB2_4-.Ltmp2, $4  }
0x8d: {  	[spmem:s2] =	stream.indirect.scatter.add.f32 [tilespmem:s20], [sflag:$0x9], $0x20, s8, s14, $0xb8;
	[tilespmem:$0x11C60] =	vst v63  }
0x8e: {  	_ =	swait.ge [sflag:s19], $0xA00  }
0x8f: {  	[sflag:s19] =	ssyncset.done $0x0  }
0x90: {  	s4 =	sadd.s32 $0x50F0, s0;
	[sflag:s19] =	ssyncadd.s32 $0xFFFFF600  }
0x91: {  	s5 =	sadd.s32 $0x3C0, s0  }
0x92: {  	[tilespmem:s18], [sflag:$0x3] =	stream.indirect.gather [hbm4b:s6+s14], $0x20, s5, s14, $0xb8;
	[tilespmem:$0x11C60] =	vst v63  }
0x93: {  	_ =	swait.ge [sflag:s25], $0xA00  }
0x94: {  	[sflag:s25] =	ssyncset.done $0x0  }
0x95: {  	[sflag:s25] =	ssyncadd.s32 $0xFFFFF600  }
0x96: {  	[spmem:s2] =	stream.indirect.scatter.add.f32 [tilespmem:s23], [sflag:$0xA], $0x20, s4, s14, $0xb8;
	[tilespmem:$0x11C60] =	vst v63  }
.Ltmp3:
0x97: {  	_ = 	snop;
	(pc) =	sbr.rel .LBB2_2-.Ltmp3, $4  }
0x98: {  	_ =	swait.ge [sflag:s30], $0xA00  }
0x99: {  	[sflag:s30] =	ssyncset.done $0x0  }
0x9a: {  	s8 =	sadd.s32 $0x410, s0;
	s28 =	sadd.s32 $0x640, s28;
	[sflag:s30] =	ssyncadd.s32 $0xFFFFF600  }
0x9b: {  	[tilespmem:s20], [sflag:$0x4] =	stream.indirect.gather [hbm4b:s6+s14], $0x20, s8, s14, $0xb8;
	[tilespmem:$0x11C60] =	vst v63  }
.LBB2_5:
0x9c: {  	_ =	sfence.sel $0x180000  }
0x9d: {  	[bflag:$0x0] =	sbarrier.arrive $0xFFFF  }
0x9e: {  	_ =	strace $0x9000004D  }
0x9f: {  	s0 =	stileid.u32;
	[bflag:$0x2] =	sbarrier.arrive $0xFFFF  }
0xa0: {  	p0 =	sne.s32 s0, $0x0;
	s0 =	rddreg [dreg:$0x2]  }
0xa1: {  	s0 =	sadd.s32 @!p0 $0x100000, s0  }
0xa2: {  	[sflag:s0] =	ssyncadd.tile.s32 @!p0 $0x1;
	_ =	shalt  }
.Lfunc_end2:
_tile_overlayer_lowered:
.L_overlay_start_2:
0xa3: {  	(tag) =	ssettag $0x2  }
0xa4: {  	s0 =	rddreg [dreg:$0x0];
	s2 =	stileid.u32  }
0xa5: {  	s1 =	rddreg [dreg:$0x1];
	p0 =	sne.s32 s2, $0x0  }
0xa6: {  	s3 =	rddreg [dreg:$0x2];
	[bflag:$0x3] =	sbarrier.arrive $0xFFFF;
	s2 =	simm.s32 @!p0 $0x1C0B  }
0xa7: {  	[timem:s3], [sflag:s2] =	dma.local @!p0 [hbm:s0], s1  }
0xa8: {  	s0 =	simm.s32 @!p0 $0xB  }
0xa9: {  	_ =	swait.ge @!p0 [sflag:s0], s1  }
0xaa: {  	s1 =	ssub.s32 @!p0 $0x0, s1;
	[sflag:s0] =	ssyncset.done @!p0 $0x0  }
0xab: {  	[sflag:s0] =	ssyncadd.s32 @!p0 s1  }
0xac: {  	[bflag:$0x3] =	sbarrier.arrive $0xFFFF  }
0xad: {  	_ =	shalt  }

// kernel: kernel.8.cloned.1.call-start
scs
__scs_entry_jumppad:
0x0: {  	(pc) =	sbr.rel $0x88, $3  }
0x1: {  	(tag) =	ssettag $0x0;
	lr =	simm.s32 $0x1  }
0x2: {  	[smem:$0x3F97] =	sst lr;
	_ =	strace $0xD0000000  }
0x3: {  	_ = 	snop  }
0x4: {  	_ = 	snop  }
0x5: {  	_ = 	snop  }
0x6: {  	_ = 	snop  }
0x7: {  	_ = 	snop  }
__scs_overlays_trampoline_lowered:
0x8: {  	[smem:$0x3FA6] =	sst s0  }
0x9: {  	[smem:$0x3FA7] =	sst s1  }
0xa: {  	[smem:$0x3FA8] =	sst s2  }
0xb: {  	[smem:$0x3FA9] =	sst s3  }
0xc: {  	[smem:$0x3FAA] =	sst s4  }
0xd: {  	[smem:$0x3FAB] =	sst s5  }
0xe: {  	[smem:$0x3FAC] =	sst s6  }
0xf: {  	[smem:$0x3FAD] =	sst s7  }
0x10: {  	[smem:$0x3FAE] =	sst s8  }
0x11: {  	[smem:$0x3FAF] =	sst s9;
	s0 =	simm.s32 @!p0 $0x0  }
0x12: {  	s1 =	sld [smem:$0x3F95];
	s0 =	simm.s32 @p0 $0x1  }
0x13: {  	[smem:$0x3FB0] =	sst s0;
	s0 =	simm.s32 @!p1 $0x0  }
0x14: {  	s2 =	sld [smem:$0x3F94];
	s0 =	simm.s32 @p1 $0x1  }
0x15: {  	[smem:$0x3FB1] =	sst s0;
	s0 =	simm.s32 @!p2 $0x0  }
0x16: {  	s3 =	sld [smem:$0x3FDB];
	s0 =	simm.s32 @p2 $0x1  }
0x17: {  	s4 =	simm.s32 $0x1BF5;
	[smem:$0x3FB3] =	sst s0  }
0x18: {  	s0 =	sld [smem:$0x3F96];
	_ =	swait.ge [sflag:s4], $0x0  }
0x19: {  	s7 =	sld [smem:$0x3F97]  }
0x1a: {  	s8 =	sadd.s32 $0xFFFFE003, lr  }
0x1b: {  	s9 =	sadd.s32 $0xFFFFFEF7, lr;
	s5 =	simm.s32 $0xFFFFFFFF;
	p2 =	slt.u32 s8, $0xFFFFF086  }
0x1c: {  	p1 =	slt.u32 s9, $0xF7A;
	s5 =	simm.s32 @!p2 $0x0  }
0x1d: {  	s5 =	simm.s32 @p1 $0x1;
	p0 =	seq.s32 s7, s2  }
0x1e: {  	s7 =	smul.u32 @!p0 $0xF7A, s2;
	p2 =	seq.s32 @!p0 s5, $0x0  }
0x1f: {  	s9 =	smul.u32 $0xF7A, s1;
	s8 =	simm.s32 @!p0 $0x1BF5;
	p2 =	por !p2, p0  }
0x20: {  	[sflag:s8] =	ssyncset.s32 @!p0 $0xFFFFF086;
	s6 =	sadd.s32 @!p0 s3, s7;
	s7 =	simm.s32 @!p0 $0x108  }
0x21: {  	s3 =	sadd.s32 s3, s9;
	s6 =	sadd.s32 @!p0 $0x88, s6;
	s7 =	simm.s32 @p2 $0x1082  }
0x22: {  	[simem:s7], [sflag:s8] =	dma.local @!p0 [hbm:s6], $0xF7A  }
0x23: {  	s9 =	sor.u32 $0xD0000000, s2;
	s6 =	simm.s32 $0x108;
	_ =	swait.ge @!p0 [sflag:s8], $0x0  }
0x24: {  	s3 =	sadd.s32 $0x88, s3;
	s6 =	simm.s32 @!p1 $0x1082;
	[sflag:s4] =	ssyncset.s32 $0xFFFFF086  }
0x25: {  	[simem:s6], [sflag:s4] =	dma.local [hbm:s3], $0xF7A  }
0x26: {  	[smem:$0x3F97] =	sst s1;
	(tag) =	ssettag s2;
	_ =	strace s9  }
0x27: {  	s1 =	sld [smem:$0x3FA7]  }
0x28: {  	s2 =	sld [smem:$0x3FA8]  }
0x29: {  	s4 =	sld [smem:$0x3FAA]  }
0x2a: {  	p0 =	seq.s32 s5, $0x0;
	s5 =	sld [smem:$0x3FAB]  }
0x2b: {  	s6 =	sld [smem:$0x3FAC]  }
0x2c: {  	s7 =	sld [smem:$0x3FAD]  }
0x2d: {  	s3 =	simm.s32 $0x108;
	s8 =	sld [smem:$0x3FAE]  }
0x2e: {  	s3 =	simm.s32 @!p0 $0x1082;
	s9 =	sld [smem:$0x3FAF]  }
0x2f: {  	lr =	sadd.s32 s0, s3;
	s0 =	sld [smem:$0x3FA6]  }
0x30: {  	s3 =	sld [smem:$0x3FA9]  }
0x31: {  	[smem:$0x3FB2] =	sst s10  }
0x32: {  	s10 =	sld [smem:$0x3FB0];
	_ =	sdelay $0x3  }
0x33: {  	p0 =	seq.s32 s10, $0x1;
	s10 =	sld [smem:$0x3FB2];
	_ =	sdelay $0x3  }
0x34: {  	[smem:$0x3FB2] =	sst s10  }
0x35: {  	s10 =	sld [smem:$0x3FB1];
	_ =	sdelay $0x3  }
0x36: {  	p1 =	seq.s32 s10, $0x1;
	s10 =	sld [smem:$0x3FB2];
	_ =	sdelay $0x3  }
0x37: {  	[smem:$0x3FB2] =	sst s10  }
0x38: {  	s10 =	sld [smem:$0x3FB3]  }
0x39: {  	_ = 	snop;
	(pc) =	sbr.ind lr, $3  }
0x3a: {  	_ = 	snop  }
0x3b: {  	_ = 	snop  }
0x3c: {  	p2 =	seq.s32 s10, $0x1;
	s10 =	sld [smem:$0x3FB2]  }
0x3d: {  	_ =	shalt  }
0x3e: {  	_ =	shalt  }
0x3f: {  	_ =	shalt  }
0x40: {  	_ =	shalt  }
0x41: {  	_ =	shalt  }
0x42: {  	_ =	shalt  }
0x43: {  	_ =	shalt  }
0x44: {  	_ =	shalt  }
0x45: {  	_ =	shalt  }
0x46: {  	_ =	shalt  }
0x47: {  	_ =	shalt  }
0x48: {  	_ =	shalt  }
0x49: {  	_ =	shalt  }
0x4a: {  	_ =	shalt  }
0x4b: {  	_ =	shalt  }
0x4c: {  	_ =	shalt  }
0x4d: {  	_ =	shalt  }
0x4e: {  	_ =	shalt  }
0x4f: {  	_ =	shalt  }
0x50: {  	_ =	shalt  }
0x51: {  	_ =	shalt  }
0x52: {  	_ =	shalt  }
0x53: {  	_ =	shalt  }
0x54: {  	_ =	shalt  }
0x55: {  	_ =	shalt  }
0x56: {  	_ =	shalt  }
0x57: {  	_ =	shalt  }
0x58: {  	_ =	shalt  }
0x59: {  	_ =	shalt  }
0x5a: {  	_ =	shalt  }
0x5b: {  	_ =	shalt  }
0x5c: {  	_ =	shalt  }
0x5d: {  	_ =	shalt  }
0x5e: {  	_ =	shalt  }
0x5f: {  	_ =	shalt  }
0x60: {  	_ =	shalt  }
0x61: {  	_ =	shalt  }
0x62: {  	_ =	shalt  }
0x63: {  	_ =	shalt  }
0x64: {  	_ =	shalt  }
0x65: {  	_ =	shalt  }
0x66: {  	_ =	shalt  }
0x67: {  	_ =	shalt  }
0x68: {  	_ =	shalt  }
0x69: {  	_ =	shalt  }
0x6a: {  	_ =	shalt  }
0x6b: {  	_ =	shalt  }
0x6c: {  	_ =	shalt  }
0x6d: {  	_ =	shalt  }
0x6e: {  	_ =	shalt  }
0x6f: {  	_ =	shalt  }
0x70: {  	_ =	shalt  }
0x71: {  	_ =	shalt  }
0x72: {  	_ =	shalt  }
0x73: {  	_ =	shalt  }
0x74: {  	_ =	shalt  }
0x75: {  	_ =	shalt  }
0x76: {  	_ =	shalt  }
0x77: {  	_ =	shalt  }
0x78: {  	_ =	shalt  }
0x79: {  	_ =	shalt  }
0x7a: {  	_ =	shalt  }
0x7b: {  	_ =	shalt  }
0x7c: {  	_ =	shalt  }
0x7d: {  	_ =	shalt  }
0x7e: {  	_ =	shalt  }
0x7f: {  	_ =	shalt  }
0x80: {  	_ =	shalt  }
0x81: {  	_ =	shalt  }
0x82: {  	_ =	shalt  }
0x83: {  	_ =	shalt  }
0x84: {  	_ =	shalt  }
0x85: {  	_ =	shalt  }
0x86: {  	_ =	shalt  }
0x87: {  	_ =	shalt  }
.Lfunc_end0:
.L_simem_size_0:
called_computation_lowered:
.L_overlay_start_0:
0x88: {  	s2 =	sld [smem:$0x3FD9]  }
0x89: {  	s3 =	sld [smem:$0x3FFE];
	_ =	sdelay $0x1  }
0x8a: {  	s1 =	srdreg.scid  }
0x8b: {  	s0 =	sand.u32 $0x1, s1  }
0x8c: {  	s17 =	sshll.u32 s0, $0xA;
	s2 =	sadd.s32 s3, s2  }
0x8d: {  	s2 =	sadd.s32 s2, s17  }
0x8e: {  	[smem:$0x3FBE] =	sst s2  }
0x8f: {  	_ = 	snop  }
0x90: {  	s2 =	sld [smem:$0x3FD0];
	(tm) =	ssettm $0x1  }
0x91: {  	s18 =	sld [smem:$0x3FFB];
	_ =	sdelay $0x3  }
0x92: {  	_ =	strace s18  }
0x93: {  	s3 =	sld [smem:$0x3FFC];
	_ =	sdelay $0x3  }
0x94: {  	_ =	strace s3  }
0x95: {  	s3 =	sld [smem:$0x3FFD];
	_ =	sdelay $0x3  }
0x96: {  	_ =	strace s3  }
0x97: {  	_ =	strace $0x8FFFFFFF  }
0x98: {  	s19 =	sld [smem:$0x3FDB];
	_ =	sdelay $0x1  }
0x99: {  	s4 =	simm.s32 $_scs_section_size  }
0x9a: {  	s5 =	simm.s32 $_size__tile_overlayer_lowered;
	s6 =	simm.s32 $_tile_overlayer_lowered  }
0x9b: {  	s22 =	simm.s32 $0x1BFF;
	s21 =	sshll.u32 s6, $0x1;
	s3 =	sadd.s32 s4, s19  }
0x9c: {  	s7 =	simm.s32 $0x0;
	s20 =	sshll.u32 s5, $0x1;
	s5 =	sadd.s32 s21, s3  }
0x9d: {  	[timem:s7], [sflag:s22] =	dma.local [hbm:s5], s20  }
0x9e: {  	_ =	swait.ge [sflag:s22], s20  }
0x9f: {  	s4 =	ssub.s32 $0x0, s20;
	[sflag:s22] =	ssyncset.done $0x0  }
0xa0: {  	[sflag:s22] =	ssyncadd.s32 s4;
	_ =	sdelay $0x1  }
0xa1: {  	s23 =	simm.s32 $0x1B8B  }
0xa2: {  	_ =	swait.ge [sflag:s23], $0x1  }
0xa3: {  	[sflag:s23] =	ssyncset.done $0x0  }
0xa4: {  	s25 =	simm.s32 $0x1B8E;
	s24 =	sld [smem:$0x3FFE];
	[sflag:s23] =	ssyncadd.s32 $0xFFFFFFFF  }
0xa5: {  	s26 =	simm.s32 $execute0_lowered;
	[smem:$0x3FD2] =	sst s25  }
0xa6: {  	s5 =	sshll.u32 s26, $0x1;
	_ =	strace $0x80000046;
	[dreg:$0x1] =	wrdreg $0xFFFFFFFF  }
0xa7: {  	s28 =	simm.s32 $_size_execute0_lowered;
	s3 =	sadd.s32 s3, s5;
	[dreg:$0x0] =	wrdreg $0x0  }
0xa8: {  	s5 =	sshll.u32 s28, $0x1;
	[dreg:$0x2] =	wrdreg s3  }
0xa9: {  	[dreg:$0x3] =	wrdreg s5  }
0xaa: {  	[dreg:$0x4] =	wrdreg $0xC0  }
0xab: {  	_ =	task [dreg:s7], $0x5FFFF  }
0xac: {  	[dreg:$0x1] =	wrdreg $0xFFFFFFFF  }
0xad: {  	[dreg:$0x0] =	wrdreg $0x60  }
0xae: {  	[dreg:$0x2] =	wrdreg s24  }
0xaf: {  	[dreg:$0x3] =	wrdreg s2  }
0xb0: {  	[dreg:$0x4] =	wrdreg $0x29900  }
0xb1: {  	[dreg:$0x5] =	wrdreg $0x9  }
0xb2: {  	_ =	task.clear_ibuf [dreg:s7], $0x6FFFF;
	_ =	strace $0x90000046  }
0xb3: {  	s29 =	simm.s32 $0x9;
	_ =	strace $0x80000048  }
0xb4: {  	_ =	swait.ge [sflag:s29], $0x1  }
0xb5: {  	[sflag:s29] =	ssyncadd.s32 $0xFFFFFFFF  }
0xb6: {  	_ =	strace $0x90000048  }
0xb7: {  	_ =	sfence  }
0xb8: {  	s30 =	sld [smem:$0x0];
	_ =	sdelay $0x2  }
0xb9: {  	s31 =	sshll.u32 s1, $0xD;
	s1 =	sshrl.u32 s1, $0x2  }
0xba: {  	s3 =	sand.u32 $0x4000, s31;
	s1 =	sadd.s32 s1, s30  }
0xbb: {  	s0 =	sor.u32 s3, s0;
	s1 =	sshll.u32 s1, $0x11  }
0xbc: {  	s0 =	sor.u32 s1, s0  }
0xbd: {  	s0 =	sadd.s32 $0x8F2B, s0  }
0xbe: {  	[sflag:s0] =	ssyncadd.remote.s32 $0x1  }
0xbf: {  	_ =	sfence.sel $0xFFFF  }
0xc0: {  	[dreg:$0x0] =	wrdreg $0xFFFFFFFF;
	(pc) =	sbr.abs _section_cstart, $3  }
0xc1: {  	[dreg:$0x1] =	wrdreg $0xFFFFFFFF  }
0xc2: {  	_ =	task.clear_ibuf [dreg:s7], $0x2FFFF;
	_ =	strace $0x9FFFFFFF  }
0xc3: {  	(tm) =	ssettm $0x7FFFFFFF  }
tec
execute0_lowered:
.L_overlay_start_1:
0x0: {  	(tag) =	ssettag $0x1  }
0x1: {  	s4 =	rddreg [dreg:$0x0]  }
0x2: {  	s8 =	rddreg [dreg:$0x1]  }
0x3: {  	s0 =	srdreg.scid;
	s2 =	rddreg [dreg:$0x2]  }
0x4: {  	s3 =	simm.s32 $0x0;
	s14 =	simm.s32 $0x2;
	s15 =	simm.s32 $0x2710  }
0x5: {  	s16 =	simm.s32 $0x50;
	s17 =	simm.s32 $0x1;
	s20 =	simm.s32 $0x0  }
0x6: {  	s5 =	sand.u32 $0x1, s0;
	s0 =	stileid.u32;
	[smem:$0x7FF] =	sst s3  }
0x7: {  	s1 =	sshll.u32 s5, $0x4;
	s7 =	smul.u32 $0x1F40, s0;
	s11 =	ssub.s32 $0x2, s5  }
0x8: {  	p0 =	seq.s32 s5, $0x0;
	p1 =	slt.u32 s0, $0xA;
	s30 =	smul.u32 $0x13880, s5  }
0x9: {  	p2 =	seq.s32 s5, $0x1;
	s1 =	sor.u32 s0, s1;
	s12 =	sshrl.u32 s11, $0x1  }
0xa: {  	p0 =	por !p0, !p1;
	p1 =	por !p1, !p2;
	p2 =	sgt.u32 s0, $0x9  }
0xb: {  	s6 =	smul.u32 $0x4E2, s1;
	s1 =	rddreg [dreg:$0x3];
	_ =	strace $0x80000047  }
0xc: {  	s29 =	sshrl.u32 s7, $0x3;
	s11 =	ssub.s32 s11, s12;
	p0 =	por !p0, !p0  }
0xd: {  	s19 =	sadd.s32 s7, s2;
	s7 =	sadd.s32 s7, s30;
	p1 =	por !p1, !p1  }
0xe: {  	s18 =	sshll.u32 @!p2 s0, $0x6;
	s10 =	sadd.s32 s29, s4;
	s31 =	sshrl.u32 s7, $0x3  }
0xf: {  	s12 =	sshll.u32 @p1 s0, $0x6;
	s13 =	sshrl.u32 @p1 s19, $0x3;
	s18 =	sor.u32 @!p2 $0x1C02, s18  }
0x10: {  	s9 =	sadd.s32 s6, s4;
	s4 =	sadd.s32 $0x18200, s4;
	s5 =	sadd.s32 $0x15A00, s10  }
0x11: {  	s8 =	sadd.s32 s8, s31;
	s10 =	sshll.u32 @p0 s0, $0x6;
	s12 =	sor.u32 @p1 $0x1C02, s12  }
0x12: {  	s6 =	sadd.s32 s4, s29;
	s7 =	sadd.s32 $0xBC00, s9;
	s9 =	smax.u32 s11, $0x1  }
0x13: {  	s10 =	sor.u32 @p0 $0x1C02, s10;
	s11 =	sshrl.u32 @p0 s19, $0x3;
	s19 =	sshrl.u32 @!p2 s19, $0x3  }
.LBB2_1:
0x14: {  	[spmem:s11], [sflag:s10] =	dma.local @p0 [hbm:s5], $0x3E8  }
0x15: {  	s21 =	simm.s32 @p0 $0x2  }
0x16: {  	_ =	swait.ge @p0 [sflag:s21], $0x3E8  }
0x17: {  	[sflag:s21] =	ssyncset.done @p0 $0x0  }
0x18: {  	[sflag:s21] =	ssyncadd.s32 @p0 $0xFFFFFC18;
	s21 =	simm.s32 @p1 $0x2  }
0x19: {  	[spmem:s13], [sflag:s12] =	dma.local @p1 [hbm:s6], $0x3E8  }
0x1a: {  	_ =	swait.ge @p1 [sflag:s21], $0x3E8  }
0x1b: {  	[sflag:s21] =	ssyncset.done @p1 $0x0  }
0x1c: {  	[sflag:s21] =	ssyncadd.s32 @p1 $0xFFFFFC18  }
0x1d: {  	[tilespmem:s3], [sflag:$0x2] =	stream.linear.gather [hbm4b:s7+s3], $0x2710, $0x38;
	[tilespmem:$0x2C08] =	vst v63  }
0x1e: {  	_ =	swait.ge [sflag:s14], $0x2710  }
0x1f: {  	[sflag:s14] =	ssyncset.done $0x0  }
0x20: {  	[sflag:s14] =	ssyncadd.s32 $0xFFFFD8F0  }
0x21: {  	[tilespmem:s15], [sflag:$0x2] =	stream.linear.gather [hbm4b:s4+s3], $0x280, $0x38;
	[tilespmem:$0x2C08] =	vst v63  }
0x22: {  	_ =	swait.ge [sflag:s14], $0x280  }
0x23: {  	[sflag:s14] =	ssyncset.done $0x0  }
0x24: {  	[sflag:s14] =	ssyncadd.s32 $0xFFFFFD80  }
0x25: {  	s21 =	simm.s32 $0x0;
	[bflag:$0x0] =	sbarrier.arrive $0xFFFF  }
.LBB2_2:
0x26: {  	p3 =	sne.s32 s21, $0x9B00  }
.Ltmp0:
0x27: {  	_ = 	snop;
	(pc) =	sbr.rel @p3 .LBB2_2-.Ltmp0, $3  }
0x28: {  	_ =	sdelay $0x1  }
0x29: {  	s22 =	sshra.s32 s21, $0x2;
	s21 =	sadd.s32 $0x140, s21  }
0x2a: {  	[spmem:s2] =	stream.indirect.scatter.add.f32 [tilespmem:s15], [sflag:$0x1], $0x1, s22, s16, $0xb8;
	[tilespmem:$0x2C08] =	vst v63  }
0x2b: {  	_ =	swait.ge [sflag:s17], $0x50  }
0x2c: {  	s21 =	simm.s32 $0x7C;
	[sflag:s17] =	ssyncset.done $0x0  }
.LBB2_4:
0x2d: {  	p3 =	sne.s32 s21, $0x1;
	s21 =	sadd.s32 $0xFFFFFFFF, s21;
	[sflag:s17] =	ssyncadd.s32 $0xFFFFFFB0  }
.Ltmp1:
0x2e: {  	(pc) =	sbr.rel @p3 .LBB2_4-.Ltmp1, $3  }
0x2f: {  	_ =	sdelay $0x1  }
0x30: {  	_ =	swait.ge [sflag:s17], $0x50  }
0x31: {  	[sflag:s17] =	ssyncset.done $0x0  }
0x32: {  	s20 =	sadd.s32 $0x1, s20  }
0x33: {  	[sflag:s17] =	ssyncadd.s32 $0xFFFFFFB0;
	p3 =	sne.s32 s20, s9  }
.Ltmp2:
0x34: {  	s21 =	simm.s32 @!p2 $0x2;
	[bflag:$0x0] =	sbarrier.arrive $0xFFFF;
	(pc) =	sbr.rel @p3 .LBB2_1-.Ltmp2, $4  }
0x35: {  	[hbm:s8], [sflag:s18] =	dma.local @!p2 [spmem:s19], $0x3E8  }
0x36: {  	_ =	swait.ge @!p2 [sflag:s21], $0x3E8  }
0x37: {  	[sflag:s21] =	ssyncset.done @!p2 $0x0  }
0x38: {  	[sflag:s21] =	ssyncadd.s32 @!p2 $0xFFFFFC18  }
0x39: {  	_ =	sfence.sel $0x180000  }
0x3a: {  	[bflag:$0x0] =	sbarrier.arrive $0xFFFF  }
0x3b: {  	p0 =	sne.s32 s0, $0x0;
	_ =	strace $0x90000047  }
0x3c: {  	s0 =	sadd.s32 @!p0 $0x100000, s1;
	[bflag:$0x2] =	sbarrier.arrive $0xFFFF  }
0x3d: {  	[sflag:s0] =	ssyncadd.tile.s32 @!p0 $0x1;
	_ =	shalt  }
.Lfunc_end2:
_tile_overlayer_lowered:
.L_overlay_start_2:
0x3e: {  	(tag) =	ssettag $0x2  }
0x3f: {  	s0 =	rddreg [dreg:$0x0];
	s2 =	stileid.u32  }
0x40: {  	s1 =	rddreg [dreg:$0x1];
	p0 =	sne.s32 s2, $0x0  }
0x41: {  	s3 =	rddreg [dreg:$0x2];
	[bflag:$0x3] =	sbarrier.arrive $0xFFFF;
	s2 =	simm.s32 @!p0 $0x1C02  }
0x42: {  	[timem:s3], [sflag:s2] =	dma.local @!p0 [hbm:s0], s1  }
0x43: {  	s0 =	simm.s32 @!p0 $0x2  }
0x44: {  	_ =	swait.ge @!p0 [sflag:s0], s1  }
0x45: {  	s1 =	ssub.s32 @!p0 $0x0, s1;
	[sflag:s0] =	ssyncset.done @!p0 $0x0  }
0x46: {  	[sflag:s0] =	ssyncadd.s32 @!p0 s1  }
0x47: {  	[bflag:$0x3] =	sbarrier.arrive $0xFFFF  }
0x48: {  	_ =	shalt  }

</sc_bundles>
